<compile_context>
chip_gen: v7x
topology: tpu7x:2x2x1
jax: 0.10.2.dev20260603
libtpu: 0.0.44.dev20260713+nightly
codegen_flags: <defaults>
</compile_context>

<pallas_src>
import functools

import jax
import jax.numpy as jnp
from jax import lax
from jax.experimental import pallas as pl
from jax.experimental.pallas import tpu as pltpu
from jax.experimental.pallas import tpu_sc as plsc

B = 16
N = 65536
BINS = 32
NK = BINS * BINS * BINS
HALF = N // 2
CH = 2048
NCH = HALF // CH
L = 16
QPC = 8


def _body(xs_hbm, ys_hbm, zs_hbm, curve_hbm, binint_hbm, orig_hbm,
          xo_hbm, yo_hbm, zo_hbm, idx_out, hists_out, keys_out,
          curve_v, hist_v, xb0_v, yb0_v, zb0_v, xb1_v, yb1_v, zb1_v,
          pos0_v, pos1_v, val0_v, val1_v, gidx0_v, gidx1_v,
          binint_v, orig_v, idx_sh, sem, semp0, semp1, semi0, semi1):
  xb = (xb0_v, xb1_v)
  yb = (yb0_v, yb1_v)
  zb = (zb0_v, zb1_v)
  pos = (pos0_v, pos1_v)
  val = (val0_v, val1_v)
  gidx = (gidx0_v, gidx1_v)
  semp = (semp0, semp1)
  semi = (semi0, semi1)
  c = lax.axis_index("c")
  s = lax.axis_index("s")
  qq = s // 2
  h = s % 2
  q = c * QPC + qq
  elembase = q * N + h * HALF

  iota = lax.iota(jnp.int32, L)
  zeros_i = jnp.zeros((L,), jnp.int32)

  pltpu.sync_copy(binint_hbm, binint_v)
  binv = binint_v[...]
  pltpu.sync_copy(orig_hbm, orig_v)
  ox = orig_v[pl.ds(0, L)]
  oy = orig_v[pl.ds(L, L)]
  oz = orig_v[pl.ds(2 * L, L)]
  pltpu.sync_copy(curve_hbm, curve_v)

  def zero_hist(j, carry):
    for u in range(8):
      hist_v[pl.ds((j * 8 + u) * L, L)] = zeros_i
    return carry

  lax.fori_loop(0, NK // (L * 8), zero_hist, 0)

  def stage_start(ch, p):
    base = elembase + ch * CH
    pltpu.async_copy(xs_hbm.at[pl.ds(base, CH)], xb[p], semp[p])
    pltpu.async_copy(ys_hbm.at[pl.ds(base, CH)], yb[p], semp[p])
    pltpu.async_copy(zs_hbm.at[pl.ds(base, CH)], zb[p], semp[p])

  def stage_wait(p):
    pltpu.make_async_copy(xs_hbm.at[pl.ds(0, CH)], xb[p], semp[p]).wait()
    pltpu.make_async_copy(ys_hbm.at[pl.ds(0, CH)], yb[p], semp[p]).wait()
    pltpu.make_async_copy(zs_hbm.at[pl.ds(0, CH)], zb[p], semp[p]).wait()

  def compute_key(j, p):
    sl = pl.ds(j * L, L)

    def binof(v, o):
      bi = ((v - o) / binv + float(BINS // 2)).astype(jnp.int32)
      return jnp.clip(bi, 0, BINS - 1)

    lin = ((binof(xb[p][sl], ox) * BINS + binof(yb[p][sl], oy)) * BINS
           + binof(zb[p][sl], oz))
    return plsc.load_gather(curve_v, [lin])

  def pipelined_chunks(process):
    stage_start(0, 0)

    def g_loop(g, carry):
      for p in range(2):
        ch = g * 2 + p

        @pl.when(ch + 1 < NCH)
        def _():
          stage_start(ch + 1, p ^ 1)

        stage_wait(p)
        process(ch, p)
      return carry

    lax.fori_loop(0, NCH // 2, g_loop, 0)

  def a_process(ch, p):
    @pl.when(ch >= 2)
    def _():
      pltpu.make_async_copy(gidx[p], keys_out.at[pl.ds(0, CH)],
                            semi[p]).wait()

    def a_body(j, carry):
      keys = [compute_key(j * 4 + u, p) for u in range(4)]
      for u, key in enumerate(keys):
        cnt, last = plsc.scan_count(key)
        plsc.addupdate_scatter(hist_v, [key], cnt, mask=last)
        gidx[p][pl.ds((j * 4 + u) * L, L)] = key
      return carry

    lax.fori_loop(0, CH // (L * 4), a_body, 0)
    pltpu.async_copy(gidx[p], keys_out.at[pl.ds(elembase + ch * CH, CH)],
                     semi[p])

  pipelined_chunks(a_process)
  pltpu.make_async_copy(gidx0_v, keys_out.at[pl.ds(0, CH)], semi[0]).wait()
  pltpu.make_async_copy(gidx1_v, keys_out.at[pl.ds(0, CH)], semi[1]).wait()

  pltpu.sync_copy(hist_v, hists_out.at[c * 16 + s])
  plsc.subcore_barrier()
  hsel = jnp.full((L,), h, jnp.int32)

  def b_stage(cb, p):
    pltpu.async_copy(hists_out.at[c * 16 + (s ^ 1), pl.ds(cb * CH, CH)],
                     val[p], semp[p])

  def b_stage_wait(p):
    pltpu.make_async_copy(hists_out.at[0, pl.ds(0, CH)], val[p],
                          semp[p]).wait()

  def b_chunk(cb, p, carry):
    def b_body(jj, carry):
      for u in range(4):
        base = cb * CH + (jj * 4 + u) * L
        own = hist_v[pl.ds(base, L)]
        oth = val[p][pl.ds((jj * 4 + u) * L, L)]
        va = jnp.where(hsel == 0, own, oth)
        tot = own + oth
        inc = plsc.cumsum(tot)
        off = inc - tot + carry + jnp.where(hsel == 0, zeros_i, va)
        hist_v[pl.ds(base, L)] = off
        carry = carry + jnp.sum(tot)
      return carry

    return lax.fori_loop(0, CH // (L * 4), b_body, carry)

  b_stage(0, 0)

  def b_loop(g, carry):
    for p in range(2):
      cb = g * 2 + p

      @pl.when(cb + 1 < NK // CH)
      def _():
        b_stage(cb + 1, p ^ 1)

      b_stage_wait(p)
      carry = b_chunk(cb, p, carry)
    return carry

  lax.fori_loop(0, (NK // CH) // 2, b_loop, qq * N)

  def c_stage_start(ch, p):
    pltpu.async_copy(keys_out.at[pl.ds(elembase + ch * CH, CH)], gidx[p],
                     semp[p])

  def c_stage_wait(p):
    pltpu.make_async_copy(keys_out.at[pl.ds(0, CH)], gidx[p], semp[p]).wait()

  def c_process(ch, p):
    @pl.when(ch >= 2)
    def _():
      pltpu.make_async_copy(val[p], idx_sh.at[pos[p]], semi[p]).wait()

    def c_body(j, carry):
      for u in range(4):
        jj = j * 4 + u
        key = gidx[p][pl.ds(jj * L, L)]
        cnt, last = plsc.scan_count(key)
        base = plsc.load_gather(hist_v, [key])
        pos[p][pl.ds(jj * L, L)] = base + cnt - 1
        plsc.addupdate_scatter(hist_v, [key], cnt, mask=last)
        val[p][pl.ds(jj * L, L)] = (h * HALF + ch * CH + jj * L) + iota
      return carry

    lax.fori_loop(0, CH // (L * 4), c_body, 0)
    pltpu.async_copy(val[p], idx_sh.at[pos[p]], semi[p])

  c_stage_start(0, 0)

  def c_loop(g, carry):
    for p in range(2):
      ch = g * 2 + p

      @pl.when(ch + 1 < NCH)
      def _():
        c_stage_start(ch + 1, p ^ 1)

      c_stage_wait(p)
      c_process(ch, p)
    return carry

  lax.fori_loop(0, NCH // 2, c_loop, 0)
  pltpu.make_async_copy(val[0], idx_sh.at[pos[0]], semi[0]).wait()
  pltpu.make_async_copy(val[1], idx_sh.at[pos[1]], semi[1]).wait()
  plsc.subcore_barrier()

  mybase = qq * N + h * HALF
  idx_copy = pltpu.async_copy(idx_sh.at[pl.ds(mybase, HALF)],
                              idx_out.at[q, pl.ds(h * HALF, HALF)], sem)

  qn = jnp.full((L,), q * N, jnp.int32)

  def store_drain(ch, p):
    osl = pl.ds(h * HALF + ch * CH, CH)
    pltpu.make_async_copy(xb[p], xo_hbm.at[q, osl], semp[p]).wait()
    pltpu.make_async_copy(yb[p], yo_hbm.at[q, osl], semp[p]).wait()
    pltpu.make_async_copy(zb[p], zo_hbm.at[q, osl], semp[p]).wait()

  def d_prep(ch, p):
    @pl.when(ch >= 2)
    def _():
      store_drain(ch - 2, p)

    pltpu.sync_copy(idx_sh.at[pl.ds(mybase + ch * CH, CH)], val[p])

    def mk_idx(j, carry):
      for u in range(4):
        sl = pl.ds((j * 4 + u) * L, L)
        gidx[p][sl] = val[p][sl] + qn
      return carry

    lax.fori_loop(0, CH // (L * 4), mk_idx, 0)
    pltpu.async_copy(xs_hbm.at[gidx[p]], xb[p], semi[p])
    pltpu.async_copy(ys_hbm.at[gidx[p]], yb[p], semi[p])
    pltpu.async_copy(zs_hbm.at[gidx[p]], zb[p], semi[p])

  def d_finish(ch, p):
    pltpu.make_async_copy(xs_hbm.at[pl.ds(0, CH)], xb[p], semi[p]).wait()
    pltpu.make_async_copy(ys_hbm.at[pl.ds(0, CH)], yb[p], semi[p]).wait()
    pltpu.make_async_copy(zs_hbm.at[pl.ds(0, CH)], zb[p], semi[p]).wait()

    def sub_o(j, carry):
      for u in range(4):
        sl = pl.ds((j * 4 + u) * L, L)
        xb[p][sl] = xb[p][sl] - ox
        yb[p][sl] = yb[p][sl] - oy
        zb[p][sl] = zb[p][sl] - oz
      return carry

    lax.fori_loop(0, CH // (L * 4), sub_o, 0)
    osl = pl.ds(h * HALF + ch * CH, CH)
    pltpu.async_copy(xb[p], xo_hbm.at[q, osl], semp[p])
    pltpu.async_copy(yb[p], yo_hbm.at[q, osl], semp[p])
    pltpu.async_copy(zb[p], zo_hbm.at[q, osl], semp[p])

  d_prep(0, 0)

  def d_loop(g, carry):
    for p in range(2):
      ch = g * 2 + p

      @pl.when(ch + 1 < NCH)
      def _():
        d_prep(ch + 1, p ^ 1)

      d_finish(ch, p)
    return carry

  lax.fori_loop(0, NCH // 2, d_loop, 0)
  store_drain(NCH - 2, 0)
  store_drain(NCH - 1, 1)
  idx_copy.wait()


@jax.jit
def _hilbert_sort(xs, ys, zs, curve_flat, binint, orig):
  mesh = plsc.VectorSubcoreMesh(core_axis_name="c", subcore_axis_name="s")
  run = pl.kernel(
      _body,
      out_type=(
          jax.ShapeDtypeStruct((B, N), jnp.float32),
          jax.ShapeDtypeStruct((B, N), jnp.float32),
          jax.ShapeDtypeStruct((B, N), jnp.float32),
          jax.ShapeDtypeStruct((B, N), jnp.int32),
          jax.ShapeDtypeStruct((32, NK), jnp.int32),
          jax.ShapeDtypeStruct((B * N,), jnp.int32),
      ),
      mesh=mesh,
      compiler_params=pltpu.CompilerParams(needs_layout_passes=False),
      scratch_types=[
          pltpu.VMEM((NK,), jnp.int32),
          pltpu.VMEM((NK,), jnp.int32),
          pltpu.VMEM((CH,), jnp.float32),
          pltpu.VMEM((CH,), jnp.float32),
          pltpu.VMEM((CH,), jnp.float32),
          pltpu.VMEM((CH,), jnp.float32),
          pltpu.VMEM((CH,), jnp.float32),
          pltpu.VMEM((CH,), jnp.float32),
          pltpu.VMEM((CH,), jnp.int32),
          pltpu.VMEM((CH,), jnp.int32),
          pltpu.VMEM((CH,), jnp.int32),
          pltpu.VMEM((CH,), jnp.int32),
          pltpu.VMEM((CH,), jnp.int32),
          pltpu.VMEM((CH,), jnp.int32),
          pltpu.VMEM((L,), jnp.float32),
          pltpu.VMEM((3 * L,), jnp.float32),
          pltpu.VMEM_SHARED((QPC * N,), jnp.int32),
          pltpu.SemaphoreType.DMA,
          pltpu.SemaphoreType.DMA,
          pltpu.SemaphoreType.DMA,
          pltpu.SemaphoreType.DMA,
          pltpu.SemaphoreType.DMA,
      ],
  )
  return run(xs, ys, zs, curve_flat, binint, orig)


def kernel(point_cloud, origin, radius, curve):
  bin_interval = radius * 2.0 / BINS
  binint = jnp.full((L,), bin_interval, jnp.float32)
  orig = jnp.repeat(origin.astype(jnp.float32), L)
  xs = point_cloud[:, :, 0].reshape(B * N)
  ys = point_cloud[:, :, 1].reshape(B * N)
  zs = point_cloud[:, :, 2].reshape(B * N)
  xo, yo, zo, idx, _, _ = _hilbert_sort(
      xs, ys, zs, curve.reshape(NK), binint, orig)
  pts = jnp.stack([xo, yo, zo], axis=-1)
  return pts, idx

# --- scband reference (transcript-rebuilt; emitter-appended) ---
"""Pipeline reference for scband-hilbert-sort3-d-7138235646312 (READ-ONLY COPY).

The authoritative reference and input builder live on the scoring server;
editing this copy changes nothing except your own understanding.
"""

import jax, jax.numpy as jnp
import numpy as np

B, N, BINS = 16, 65536, 32

def setup_inputs(seed: int = 0) -> dict:
    key = jax.random.key(seed)
    point_cloud = jax.random.normal(key, (B, N, 3), dtype=jnp.float32)
    origin = jnp.zeros((3,), dtype=jnp.float32)
    radius = jnp.float32(1.25)
    curve = jnp.arange(BINS ** 3, dtype=jnp.int32).reshape(BINS, BINS, BINS)
    return {"point_cloud": point_cloud, "origin": origin, "radius": radius, "curve": curve}

def reference(point_cloud, origin, radius, curve):
    bins = curve.shape[0]
    pc = point_cloud - origin
    bin_interval = radius * 2.0 / bins
    b = (pc / bin_interval + bins // 2).astype(jnp.int32)
    b = jnp.clip(b, 0, bins - 1)
    hilbert_indices = curve[b[:, :, 0], b[:, :, 1], b[:, :, 2]]
    sorted_indices = jnp.argsort(hilbert_indices, axis=1)
    sorted_points = jnp.take_along_axis(pc, sorted_indices[:, :, None], axis=1)
    return (sorted_points, sorted_indices)

if __name__ == "__main__":
    import jax
    _d = setup_inputs()
    print(jax.jit(kernel)(*tuple(_d.values())))

</pallas_src>

<mosaic_0001>
#map = affine_map<(d0, d1) -> (0)>
#map1 = affine_map<(d0, d1) -> (0, 0)>
module attributes {stable_mosaic.version = 14 : i64} {
  func.func @_body(%arg0: i32, %arg1: i32, %arg2: memref<1048576xf32, #tpu.memory_space<hbm>>, %arg3: memref<1048576xf32, #tpu.memory_space<hbm>>, %arg4: memref<1048576xf32, #tpu.memory_space<hbm>>, %arg5: memref<32768xi32, #tpu.memory_space<hbm>>, %arg6: memref<16xf32, #tpu.memory_space<hbm>>, %arg7: memref<48xf32, #tpu.memory_space<hbm>>, %arg8: memref<16x65536xf32, #tpu.memory_space<hbm>>, %arg9: memref<16x65536xf32, #tpu.memory_space<hbm>>, %arg10: memref<16x65536xf32, #tpu.memory_space<hbm>>, %arg11: memref<16x65536xi32, #tpu.memory_space<hbm>>, %arg12: memref<32x32768xi32, #tpu.memory_space<hbm>>, %arg13: memref<1048576xi32, #tpu.memory_space<hbm>>, %arg14: memref<32768xi32, #tpu.memory_space<vmem>>, %arg15: memref<32768xi32, #tpu.memory_space<vmem>>, %arg16: memref<2048xf32, #tpu.memory_space<vmem>>, %arg17: memref<2048xf32, #tpu.memory_space<vmem>>, %arg18: memref<2048xf32, #tpu.memory_space<vmem>>, %arg19: memref<2048xf32, #tpu.memory_space<vmem>>, %arg20: memref<2048xf32, #tpu.memory_space<vmem>>, %arg21: memref<2048xf32, #tpu.memory_space<vmem>>, %arg22: memref<2048xi32, #tpu.memory_space<vmem>>, %arg23: memref<2048xi32, #tpu.memory_space<vmem>>, %arg24: memref<2048xi32, #tpu.memory_space<vmem>>, %arg25: memref<2048xi32, #tpu.memory_space<vmem>>, %arg26: memref<2048xi32, #tpu.memory_space<vmem>>, %arg27: memref<2048xi32, #tpu.memory_space<vmem>>, %arg28: memref<16xf32, #tpu.memory_space<vmem>>, %arg29: memref<48xf32, #tpu.memory_space<vmem>>, %arg30: memref<524288xi32, #tpu.memory_space<vmem_shared>>, %arg31: memref<!tpu.dma_semaphore, #tpu.memory_space<semaphore_mem>>, %arg32: memref<!tpu.dma_semaphore, #tpu.memory_space<semaphore_mem>>, %arg33: memref<!tpu.dma_semaphore, #tpu.memory_space<semaphore_mem>>, %arg34: memref<!tpu.dma_semaphore, #tpu.memory_space<semaphore_mem>>, %arg35: memref<!tpu.dma_semaphore, #tpu.memory_space<semaphore_mem>>) attributes {dimension_semantics = [#tpu.dimension_semantics<core_parallel>, #tpu.dimension_semantics<subcore_parallel>], iteration_bounds = array<i64: 2, 16>, scalar_prefetch = 0 : i64, scratch_operands = 22 : i64, tpu.core_type = #tpu.core_type<sc_vector_subcore>, window_params = [{transform_indices = #map}, {transform_indices = #map}, {transform_indices = #map}, {transform_indices = #map}, {transform_indices = #map}, {transform_indices = #map}, {transform_indices = #map1}, {transform_indices = #map1}, {transform_indices = #map1}, {transform_indices = #map1}, {transform_indices = #map1}, {transform_indices = #map}]} {
    %jit3A = arith.constant 2 : i32
    %div3A = arith.divsi %arg1, %jit3A : i32
    %sign3A = arith.constant 0 : i32
    %sign3A_0 = arith.cmpi sgt, %arg1, %sign3A : i32
    %sign3A_1 = arith.extui %sign3A_0 : i1 to i32
    %sign3A_2 = arith.constant 0 : i32
    %sign3A_3 = arith.cmpi slt, %arg1, %sign3A_2 : i32
    %sign3A_4 = arith.extui %sign3A_3 : i1 to i32
    %sign3A_5 = arith.subi %sign3A_1, %sign3A_4 : i32
    %sign3A_6 = arith.constant 0 : i32
    %sign3A_7 = arith.cmpi sgt, %jit3A, %sign3A_6 : i32
    %sign3A_8 = arith.extui %sign3A_7 : i1 to i32
    %sign3A_9 = arith.constant 0 : i32
    %sign3A_10 = arith.cmpi slt, %jit3A, %sign3A_9 : i32
    %sign3A_11 = arith.extui %sign3A_10 : i1 to i32
    %sign3A_12 = arith.subi %sign3A_8, %sign3A_11 : i32
    %ne3A = arith.cmpi ne, %sign3A_5, %sign3A_12 : i32
    %rem3A = arith.remsi %arg1, %jit3A : i32
    %ne3A_13 = arith.constant 0 : i32
    %ne3A_14 = arith.cmpi ne, %rem3A, %ne3A_13 : i32
    %and3A = arith.andi %ne3A, %ne3A_14 : i1
    %sub3A = arith.constant 1 : i32
    %sub3A_15 = arith.subi %div3A, %sub3A : i32
    %select_n3A = arith.select %and3A, %sub3A_15, %div3A : i32
    %jit3A_16 = arith.constant 2 : i32
    %eq3A = arith.constant 0 : i32
    %eq3A_17 = arith.cmpi eq, %jit3A_16, %eq3A : i32
    %jit3A_18 = arith.constant 1 : i32
    %select_n3A_19 = arith.select %eq3A_17, %jit3A_18, %jit3A_16 : i32
    %rem3A_20 = arith.remsi %arg1, %select_n3A_19 : i32
    %ne3A_21 = arith.constant 0 : i32
    %ne3A_22 = arith.cmpi ne, %rem3A_20, %ne3A_21 : i32
    %lt3A = arith.constant 0 : i32
    %lt3A_23 = arith.cmpi slt, %rem3A_20, %lt3A : i32
    %lt3A_24 = arith.constant 0 : i32
    %lt3A_25 = arith.cmpi slt, %select_n3A_19, %lt3A_24 : i32
    %ne3A_26 = arith.xori %lt3A_23, %lt3A_25 : i1
    %and3A_27 = arith.andi %ne3A_26, %ne3A_22 : i1
    %add3A = arith.addi %rem3A_20, %select_n3A_19 : i32
    %select_n3A_28 = arith.select %and3A_27, %add3A, %rem3A_20 : i32
    %mul3A = arith.constant 8 : i32
    %mul3A_29 = arith.muli %arg0, %mul3A : i32
    %add3A_30 = arith.addi %mul3A_29, %select_n3A : i32
    %mul3A_31 = arith.constant 65536 : i32
    %mul3A_32 = arith.muli %add3A_30, %mul3A_31 : i32
    %mul3A_33 = arith.constant 32768 : i32
    %mul3A_34 = arith.muli %select_n3A_28, %mul3A_33 : i32
    %add3A_35 = arith.addi %mul3A_32, %mul3A_34 : i32
    %iota3A = tpu.iota {dimensions = array<i32: 0>} : vector<16xi32>
    %broadcast_in_dim3A = arith.constant 0 : i32
    %broadcast_in_dim3A_36 = vector.broadcast %broadcast_in_dim3A : i32 to vector<16xi32>
    "tpu.region"() ({
      %run_scoped3A = tpu.sem_alloc : memref<!tpu.dma_semaphore, #tpu.memory_space<semaphore_mem>>
      tpu.enqueue_dma source(%arg6 : memref<16xf32, #tpu.memory_space<hbm>>) target(%arg28 : memref<16xf32, #tpu.memory_space<vmem>>) target_semaphore(%run_scoped3A : memref<!tpu.dma_semaphore, #tpu.memory_space<semaphore_mem>>)
      tpu.wait_dma2 semaphore(%run_scoped3A : memref<!tpu.dma_semaphore, #tpu.memory_space<semaphore_mem>>) src(%arg6 : memref<16xf32, #tpu.memory_space<hbm>>) dst(%arg28 : memref<16xf32, #tpu.memory_space<vmem>>)
      tpu.yield
    }) : () -> ()
    %get3A = arith.constant 0 : index
    %get3A_37 = tpu.vector_load %arg28[%get3A] {strides = array<i32>} : memref<16xf32, #tpu.memory_space<vmem>>, vector<16xf32>,
    "tpu.region"() ({
      %run_scoped3A = tpu.sem_alloc : memref<!tpu.dma_semaphore, #tpu.memory_space<semaphore_mem>>
      tpu.enqueue_dma source(%arg7 : memref<48xf32, #tpu.memory_space<hbm>>) target(%arg29 : memref<48xf32, #tpu.memory_space<vmem>>) target_semaphore(%run_scoped3A : memref<!tpu.dma_semaphore, #tpu.memory_space<semaphore_mem>>)
      tpu.wait_dma2 semaphore(%run_scoped3A : memref<!tpu.dma_semaphore, #tpu.memory_space<semaphore_mem>>) src(%arg7 : memref<48xf32, #tpu.memory_space<hbm>>) dst(%arg29 : memref<48xf32, #tpu.memory_space<vmem>>)
      tpu.yield
    }) : () -> ()
    %get3A_38 = arith.constant 0 : index
    %get3A_39 = tpu.vector_load %arg29[%get3A_38] {strides = array<i32>} : memref<48xf32, #tpu.memory_space<vmem>>, vector<16xf32>,
    %get3A_40 = arith.constant 16 : index
    %get3A_41 = tpu.vector_load %arg29[%get3A_40] {strides = array<i32>} : memref<48xf32, #tpu.memory_space<vmem>>, vector<16xf32>,
    %get3A_42 = arith.constant 32 : index
    %get3A_43 = tpu.vector_load %arg29[%get3A_42] {strides = array<i32>} : memref<48xf32, #tpu.memory_space<vmem>>, vector<16xf32>,
    "tpu.region"() ({
      %run_scoped3A = tpu.sem_alloc : memref<!tpu.dma_semaphore, #tpu.memory_space<semaphore_mem>>
      tpu.enqueue_dma source(%arg5 : memref<32768xi32, #tpu.memory_space<hbm>>) target(%arg14 : memref<32768xi32, #tpu.memory_space<vmem>>) target_semaphore(%run_scoped3A : memref<!tpu.dma_semaphore, #tpu.memory_space<semaphore_mem>>)
      tpu.wait_dma2 semaphore(%run_scoped3A : memref<!tpu.dma_semaphore, #tpu.memory_space<semaphore_mem>>) src(%arg5 : memref<32768xi32, #tpu.memory_space<hbm>>) dst(%arg14 : memref<32768xi32, #tpu.memory_space<vmem>>)
      tpu.yield
    }) : () -> ()
    %scan3A = arith.constant 0 : i32
    %scan3A_44 = arith.constant 0 : i32
    %scan3A_45 = arith.constant 256 : i32
    %scan3A_46 = arith.addi %scan3A_44, %scan3A_45 : i32
    %scan3A_47 = arith.constant 1 : i32
    scf.for %scan3A_174 = %scan3A_44 to %scan3A_46 step %scan3A_47  : i32 {
      %mul3A_175 = arith.constant 8 : i32
      %mul3A_176 = arith.muli %scan3A_174, %mul3A_175 : i32
      %add3A_177 = arith.constant 0 : i32
      %add3A_178 = arith.addi %mul3A_176, %add3A_177 : i32
      %mul3A_179 = arith.constant 16 : i32
      %mul3A_180 = arith.muli %add3A_178, %mul3A_179 : i32
      %swap3A = arith.index_cast %mul3A_180 : i32 to index
      %swap3A_181 = tpu.vector_load %arg15[%swap3A] {strides = array<i32>} : memref<32768xi32, #tpu.memory_space<vmem>>, vector<16xi32>,
      tpu.vector_store %arg15[%swap3A], %broadcast_in_dim3A_36 {strides = array<i32>} : memref<32768xi32, #tpu.memory_space<vmem>>, vector<16xi32>,
      %mul3A_182 = arith.constant 8 : i32
      %mul3A_183 = arith.muli %scan3A_174, %mul3A_182 : i32
      %add3A_184 = arith.constant 1 : i32
      %add3A_185 = arith.addi %mul3A_183, %add3A_184 : i32
      %mul3A_186 = arith.constant 16 : i32
      %mul3A_187 = arith.muli %add3A_185, %mul3A_186 : i32
      %swap3A_188 = arith.index_cast %mul3A_187 : i32 to index
      %swap3A_189 = tpu.vector_load %arg15[%swap3A_188] {strides = array<i32>} : memref<32768xi32, #tpu.memory_space<vmem>>, vector<16xi32>,
      tpu.vector_store %arg15[%swap3A_188], %broadcast_in_dim3A_36 {strides = array<i32>} : memref<32768xi32, #tpu.memory_space<vmem>>, vector<16xi32>,
      %mul3A_190 = arith.constant 8 : i32
      %mul3A_191 = arith.muli %scan3A_174, %mul3A_190 : i32
      %add3A_192 = arith.constant 2 : i32
      %add3A_193 = arith.addi %mul3A_191, %add3A_192 : i32
      %mul3A_194 = arith.constant 16 : i32
      %mul3A_195 = arith.muli %add3A_193, %mul3A_194 : i32
      %swap3A_196 = arith.index_cast %mul3A_195 : i32 to index
      %swap3A_197 = tpu.vector_load %arg15[%swap3A_196] {strides = array<i32>} : memref<32768xi32, #tpu.memory_space<vmem>>, vector<16xi32>,
      tpu.vector_store %arg15[%swap3A_196], %broadcast_in_dim3A_36 {strides = array<i32>} : memref<32768xi32, #tpu.memory_space<vmem>>, vector<16xi32>,
      %mul3A_198 = arith.constant 8 : i32
      %mul3A_199 = arith.muli %scan3A_174, %mul3A_198 : i32
      %add3A_200 = arith.constant 3 : i32
      %add3A_201 = arith.addi %mul3A_199, %add3A_200 : i32
      %mul3A_202 = arith.constant 16 : i32
      %mul3A_203 = arith.muli %add3A_201, %mul3A_202 : i32
      %swap3A_204 = arith.index_cast %mul3A_203 : i32 to index
      %swap3A_205 = tpu.vector_load %arg15[%swap3A_204] {strides = array<i32>} : memref<32768xi32, #tpu.memory_space<vmem>>, vector<16xi32>,
      tpu.vector_store %arg15[%swap3A_204], %broadcast_in_dim3A_36 {strides = array<i32>} : memref<32768xi32, #tpu.memory_space<vmem>>, vector<16xi32>,
      %mul3A_206 = arith.constant 8 : i32
      %mul3A_207 = arith.muli %scan3A_174, %mul3A_206 : i32
      %add3A_208 = arith.constant 4 : i32
      %add3A_209 = arith.addi %mul3A_207, %add3A_208 : i32
      %mul3A_210 = arith.constant 16 : i32
      %mul3A_211 = arith.muli %add3A_209, %mul3A_210 : i32
      %swap3A_212 = arith.index_cast %mul3A_211 : i32 to index
      %swap3A_213 = tpu.vector_load %arg15[%swap3A_212] {strides = array<i32>} : memref<32768xi32, #tpu.memory_space<vmem>>, vector<16xi32>,
      tpu.vector_store %arg15[%swap3A_212], %broadcast_in_dim3A_36 {strides = array<i32>} : memref<32768xi32, #tpu.memory_space<vmem>>, vector<16xi32>,
      %mul3A_214 = arith.constant 8 : i32
      %mul3A_215 = arith.muli %scan3A_174, %mul3A_214 : i32
      %add3A_216 = arith.constant 5 : i32
      %add3A_217 = arith.addi %mul3A_215, %add3A_216 : i32
      %mul3A_218 = arith.constant 16 : i32
      %mul3A_219 = arith.muli %add3A_217, %mul3A_218 : i32
      %swap3A_220 = arith.index_cast %mul3A_219 : i32 to index
      %swap3A_221 = tpu.vector_load %arg15[%swap3A_220] {strides = array<i32>} : memref<32768xi32, #tpu.memory_space<vmem>>, vector<16xi32>,
      tpu.vector_store %arg15[%swap3A_220], %broadcast_in_dim3A_36 {strides = array<i32>} : memref<32768xi32, #tpu.memory_space<vmem>>, vector<16xi32>,
      %mul3A_222 = arith.constant 8 : i32
      %mul3A_223 = arith.muli %scan3A_174, %mul3A_222 : i32
      %add3A_224 = arith.constant 6 : i32
      %add3A_225 = arith.addi %mul3A_223, %add3A_224 : i32
      %mul3A_226 = arith.constant 16 : i32
      %mul3A_227 = arith.muli %add3A_225, %mul3A_226 : i32
      %swap3A_228 = arith.index_cast %mul3A_227 : i32 to index
      %swap3A_229 = tpu.vector_load %arg15[%swap3A_228] {strides = array<i32>} : memref<32768xi32, #tpu.memory_space<vmem>>, vector<16xi32>,
      tpu.vector_store %arg15[%swap3A_228], %broadcast_in_dim3A_36 {strides = array<i32>} : memref<32768xi32, #tpu.memory_space<vmem>>, vector<16xi32>,
      %mul3A_230 = arith.constant 8 : i32
      %mul3A_231 = arith.muli %scan3A_174, %mul3A_230 : i32
      %add3A_232 = arith.constant 7 : i32
      %add3A_233 = arith.addi %mul3A_231, %add3A_232 : i32
      %mul3A_234 = arith.constant 16 : i32
      %mul3A_235 = arith.muli %add3A_233, %mul3A_234 : i32
      %swap3A_236 = arith.index_cast %mul3A_235 : i32 to index
      %swap3A_237 = tpu.vector_load %arg15[%swap3A_236] {strides = array<i32>} : memref<32768xi32, #tpu.memory_space<vmem>>, vector<16xi32>,
      tpu.vector_store %arg15[%swap3A_236], %broadcast_in_dim3A_36 {strides = array<i32>} : memref<32768xi32, #tpu.memory_space<vmem>>, vector<16xi32>,
    }
    %scan3A_48 = arith.constant 256 : i32
    %add3A_49 = arith.constant 0 : i32
    %add3A_50 = arith.addi %add3A_35, %add3A_49 : i32
    %dma_start3A = tpu.memref_slice %arg2[%add3A_50] : memref<1048576xf32, #tpu.memory_space<hbm>> -> memref<2048xf32, #tpu.memory_space<hbm>>
    %dma_start3A_51 = tpu.memref_slice %arg2[%add3A_50] : memref<1048576xf32, #tpu.memory_space<hbm>> -> memref<2048xf32, #tpu.memory_space<hbm>>
    tpu.enqueue_dma source(%dma_start3A_51 : memref<2048xf32, #tpu.memory_space<hbm>>) target(%arg16 : memref<2048xf32, #tpu.memory_space<vmem>>) target_semaphore(%arg32 : memref<!tpu.dma_semaphore, #tpu.memory_space<semaphore_mem>>)
    %dma_start3A_52 = tpu.memref_slice %arg3[%add3A_50] : memref<1048576xf32, #tpu.memory_space<hbm>> -> memref<2048xf32, #tpu.memory_space<hbm>>
    %dma_start3A_53 = tpu.memref_slice %arg3[%add3A_50] : memref<1048576xf32, #tpu.memory_space<hbm>> -> memref<2048xf32, #tpu.memory_space<hbm>>
    tpu.enqueue_dma source(%dma_start3A_53 : memref<2048xf32, #tpu.memory_space<hbm>>) target(%arg17 : memref<2048xf32, #tpu.memory_space<vmem>>) target_semaphore(%arg32 : memref<!tpu.dma_semaphore, #tpu.memory_space<semaphore_mem>>)
    %dma_start3A_54 = tpu.memref_slice %arg4[%add3A_50] : memref<1048576xf32, #tpu.memory_space<hbm>> -> memref<2048xf32, #tpu.memory_space<hbm>>
    %dma_start3A_55 = tpu.memref_slice %arg4[%add3A_50] : memref<1048576xf32, #tpu.memory_space<hbm>> -> memref<2048xf32, #tpu.memory_space<hbm>>
    tpu.enqueue_dma source(%dma_start3A_55 : memref<2048xf32, #tpu.memory_space<hbm>>) target(%arg18 : memref<2048xf32, #tpu.memory_space<vmem>>) target_semaphore(%arg32 : memref<!tpu.dma_semaphore, #tpu.memory_space<semaphore_mem>>)
    %scan3A_56 = arith.constant 0 : i32
    %scan3A_57 = arith.constant 0 : i32
    %scan3A_58 = arith.constant 8 : i32
    %scan3A_59 = arith.addi %scan3A_57, %scan3A_58 : i32
    %scan3A_60 = arith.constant 1 : i32
    scf.for %scan3A_174 = %scan3A_57 to %scan3A_59 step %scan3A_60  : i32 {
      %mul3A_175 = arith.constant 2 : i32
      %mul3A_176 = arith.muli %scan3A_174, %mul3A_175 : i32
      %add3A_177 = arith.constant 0 : i32
      %add3A_178 = arith.addi %mul3A_176, %add3A_177 : i32
      %add3A_179 = arith.constant 1 : i32
      %add3A_180 = arith.addi %add3A_178, %add3A_179 : i32
      %lt3A_181 = arith.constant 16 : i32
      %lt3A_182 = arith.cmpi slt, %add3A_180, %lt3A_181 : i32
      %convert_element_type3A = arith.extui %lt3A_182 : i1 to i32
      %cond3A = arith.constant 0 : i32
      %cond3A_183 = arith.cmpi ne, %convert_element_type3A, %cond3A : i32
      scf.if %cond3A_183 {
        %add3A_250 = arith.constant 1 : i32
        %add3A_251 = arith.addi %add3A_178, %add3A_250 : i32
        %mul3A_252 = arith.constant 2048 : i32
        %mul3A_253 = arith.muli %add3A_251, %mul3A_252 : i32
        %add3A_254 = arith.addi %add3A_35, %mul3A_253 : i32
        %dma_start3A_255 = tpu.memref_slice %arg2[%add3A_254] : memref<1048576xf32, #tpu.memory_space<hbm>> -> memref<2048xf32, #tpu.memory_space<hbm>>
        %dma_start3A_256 = tpu.memref_slice %arg2[%add3A_254] : memref<1048576xf32, #tpu.memory_space<hbm>> -> memref<2048xf32, #tpu.memory_space<hbm>>
        tpu.enqueue_dma source(%dma_start3A_256 : memref<2048xf32, #tpu.memory_space<hbm>>) target(%arg19 : memref<2048xf32, #tpu.memory_space<vmem>>) target_semaphore(%arg33 : memref<!tpu.dma_semaphore, #tpu.memory_space<semaphore_mem>>)
        %dma_start3A_257 = tpu.memref_slice %arg3[%add3A_254] : memref<1048576xf32, #tpu.memory_space<hbm>> -> memref<2048xf32, #tpu.memory_space<hbm>>
        %dma_start3A_258 = tpu.memref_slice %arg3[%add3A_254] : memref<1048576xf32, #tpu.memory_space<hbm>> -> memref<2048xf32, #tpu.memory_space<hbm>>
        tpu.enqueue_dma source(%dma_start3A_258 : memref<2048xf32, #tpu.memory_space<hbm>>) target(%arg20 : memref<2048xf32, #tpu.memory_space<vmem>>) target_semaphore(%arg33 : memref<!tpu.dma_semaphore, #tpu.memory_space<semaphore_mem>>)
        %dma_start3A_259 = tpu.memref_slice %arg4[%add3A_254] : memref<1048576xf32, #tpu.memory_space<hbm>> -> memref<2048xf32, #tpu.memory_space<hbm>>
        %dma_start3A_260 = tpu.memref_slice %arg4[%add3A_254] : memref<1048576xf32, #tpu.memory_space<hbm>> -> memref<2048xf32, #tpu.memory_space<hbm>>
        tpu.enqueue_dma source(%dma_start3A_260 : memref<2048xf32, #tpu.memory_space<hbm>>) target(%arg21 : memref<2048xf32, #tpu.memory_space<vmem>>) target_semaphore(%arg33 : memref<!tpu.dma_semaphore, #tpu.memory_space<semaphore_mem>>)
      } else {
      }
      %dma_wait3A_184 = arith.constant 0 : i32
      %dma_wait3A_185 = tpu.memref_slice %arg2[%dma_wait3A_184] : memref<1048576xf32, #tpu.memory_space<hbm>> -> memref<2048xf32, #tpu.memory_space<hbm>>
      %dma_wait3A_186 = arith.constant 0 : i32
      %dma_wait3A_187 = tpu.memref_slice %arg2[%dma_wait3A_186] : memref<1048576xf32, #tpu.memory_space<hbm>> -> memref<2048xf32, #tpu.memory_space<hbm>>
      tpu.wait_dma2 semaphore(%arg32 : memref<!tpu.dma_semaphore, #tpu.memory_space<semaphore_mem>>) src(%dma_wait3A_187 : memref<2048xf32, #tpu.memory_space<hbm>>) dst(%arg16 : memref<2048xf32, #tpu.memory_space<vmem>>)
      %dma_wait3A_188 = arith.constant 0 : i32
      %dma_wait3A_189 = tpu.memref_slice %arg3[%dma_wait3A_188] : memref<1048576xf32, #tpu.memory_space<hbm>> -> memref<2048xf32, #tpu.memory_space<hbm>>
      %dma_wait3A_190 = arith.constant 0 : i32
      %dma_wait3A_191 = tpu.memref_slice %arg3[%dma_wait3A_190] : memref<1048576xf32, #tpu.memory_space<hbm>> -> memref<2048xf32, #tpu.memory_space<hbm>>
      tpu.wait_dma2 semaphore(%arg32 : memref<!tpu.dma_semaphore, #tpu.memory_space<semaphore_mem>>) src(%dma_wait3A_191 : memref<2048xf32, #tpu.memory_space<hbm>>) dst(%arg17 : memref<2048xf32, #tpu.memory_space<vmem>>)
      %dma_wait3A_192 = arith.constant 0 : i32
      %dma_wait3A_193 = tpu.memref_slice %arg4[%dma_wait3A_192] : memref<1048576xf32, #tpu.memory_space<hbm>> -> memref<2048xf32, #tpu.memory_space<hbm>>
      %dma_wait3A_194 = arith.constant 0 : i32
      %dma_wait3A_195 = tpu.memref_slice %arg4[%dma_wait3A_194] : memref<1048576xf32, #tpu.memory_space<hbm>> -> memref<2048xf32, #tpu.memory_space<hbm>>
      tpu.wait_dma2 semaphore(%arg32 : memref<!tpu.dma_semaphore, #tpu.memory_space<semaphore_mem>>) src(%dma_wait3A_195 : memref<2048xf32, #tpu.memory_space<hbm>>) dst(%arg18 : memref<2048xf32, #tpu.memory_space<vmem>>)
      %ge3A = arith.constant 2 : i32
      %ge3A_196 = arith.cmpi sge, %add3A_178, %ge3A : i32
      %convert_element_type3A_197 = arith.extui %ge3A_196 : i1 to i32
      %cond3A_198 = arith.constant 0 : i32
      %cond3A_199 = arith.cmpi ne, %convert_element_type3A_197, %cond3A_198 : i32
      scf.if %cond3A_199 {
        %dma_wait3A_250 = arith.constant 0 : i32
        %dma_wait3A_251 = tpu.memref_slice %arg13[%dma_wait3A_250] : memref<1048576xi32, #tpu.memory_space<hbm>> -> memref<2048xi32, #tpu.memory_space<hbm>>
        %dma_wait3A_252 = arith.constant 0 : i32
        %dma_wait3A_253 = tpu.memref_slice %arg13[%dma_wait3A_252] : memref<1048576xi32, #tpu.memory_space<hbm>> -> memref<2048xi32, #tpu.memory_space<hbm>>
        tpu.wait_dma2 semaphore(%arg34 : memref<!tpu.dma_semaphore, #tpu.memory_space<semaphore_mem>>) src(%arg26 : memref<2048xi32, #tpu.memory_space<vmem>>) dst(%dma_wait3A_253 : memref<2048xi32, #tpu.memory_space<hbm>>)
      } else {
      }
      %scan3A_200 = arith.constant 0 : i32
      %scan3A_201 = arith.constant 0 : i32
      %scan3A_202 = arith.constant 32 : i32
      %scan3A_203 = arith.addi %scan3A_201, %scan3A_202 : i32
      %scan3A_204 = arith.constant 1 : i32
      scf.for %scan3A_250 = %scan3A_201 to %scan3A_203 step %scan3A_204  : i32 {
        %mul3A_251 = arith.constant 4 : i32
        %mul3A_252 = arith.muli %scan3A_250, %mul3A_251 : i32
        %add3A_253 = arith.constant 0 : i32
        %add3A_254 = arith.addi %mul3A_252, %add3A_253 : i32
        %mul3A_255 = arith.constant 16 : i32
        %mul3A_256 = arith.muli %add3A_254, %mul3A_255 : i32
        %get3A_257 = arith.index_cast %mul3A_256 : i32 to index
        %get3A_258 = tpu.vector_load %arg16[%get3A_257] {strides = array<i32>} : memref<2048xf32, #tpu.memory_space<vmem>>, vector<16xf32>,
        %sub3A_259 = arith.subf %get3A_258, %get3A_39 : vector<16xf32>
        %div3A_260 = arith.divf %sub3A_259, %get3A_37 : vector<16xf32>
        %add3A_261 = arith.constant 1.600000e+01 : f32
        %add3A_262 = vector.broadcast %add3A_261 : f32 to vector<16xf32>
        %add3A_263 = arith.addf %div3A_260, %add3A_262 : vector<16xf32>
        %convert_element_type3A_264 = arith.fptosi %add3A_263 : vector<16xf32> to vector<16xi32>
        %jit3A_265 = arith.constant 0 : i32
        %jit3A_266 = arith.constant 31 : i32
        %max3A = vector.broadcast %jit3A_265 : i32 to vector<16xi32>
        %max3A_267 = arith.maxsi %max3A, %convert_element_type3A_264 : vector<16xi32>
        %min3A = vector.broadcast %jit3A_266 : i32 to vector<16xi32>
        %min3A_268 = arith.minsi %min3A, %max3A_267 : vector<16xi32>
        %mul3A_269 = arith.constant 32 : i32
        %mul3A_270 = vector.broadcast %mul3A_269 : i32 to vector<16xi32>
        %mul3A_271 = arith.muli %min3A_268, %mul3A_270 : vector<16xi32>
        %get3A_272 = arith.index_cast %mul3A_256 : i32 to index
        %get3A_273 = tpu.vector_load %arg17[%get3A_272] {strides = array<i32>} : memref<2048xf32, #tpu.memory_space<vmem>>, vector<16xf32>,
        %sub3A_274 = arith.subf %get3A_273, %get3A_41 : vector<16xf32>
        %div3A_275 = arith.divf %sub3A_274, %get3A_37 : vector<16xf32>
        %add3A_276 = arith.constant 1.600000e+01 : f32
        %add3A_277 = vector.broadcast %add3A_276 : f32 to vector<16xf32>
        %add3A_278 = arith.addf %div3A_275, %add3A_277 : vector<16xf32>
        %convert_element_type3A_279 = arith.fptosi %add3A_278 : vector<16xf32> to vector<16xi32>
        %jit3A_280 = arith.constant 0 : i32
        %jit3A_281 = arith.constant 31 : i32
        %max3A_282 = vector.broadcast %jit3A_280 : i32 to vector<16xi32>
        %max3A_283 = arith.maxsi %max3A_282, %convert_element_type3A_279 : vector<16xi32>
        %min3A_284 = vector.broadcast %jit3A_281 : i32 to vector<16xi32>
        %min3A_285 = arith.minsi %min3A_284, %max3A_283 : vector<16xi32>
        %add3A_286 = arith.addi %mul3A_271, %min3A_285 : vector<16xi32>
        %mul3A_287 = arith.constant 32 : i32
        %mul3A_288 = vector.broadcast %mul3A_287 : i32 to vector<16xi32>
        %mul3A_289 = arith.muli %add3A_286, %mul3A_288 : vector<16xi32>
        %get3A_290 = arith.index_cast %mul3A_256 : i32 to index
        %get3A_291 = tpu.vector_load %arg18[%get3A_290] {strides = array<i32>} : memref<2048xf32, #tpu.memory_space<vmem>>, vector<16xf32>,
        %sub3A_292 = arith.subf %get3A_291, %get3A_43 : vector<16xf32>
        %div3A_293 = arith.divf %sub3A_292, %get3A_37 : vector<16xf32>
        %add3A_294 = arith.constant 1.600000e+01 : f32
        %add3A_295 = vector.broadcast %add3A_294 : f32 to vector<16xf32>
        %add3A_296 = arith.addf %div3A_293, %add3A_295 : vector<16xf32>
        %convert_element_type3A_297 = arith.fptosi %add3A_296 : vector<16xf32> to vector<16xi32>
        %jit3A_298 = arith.constant 0 : i32
        %jit3A_299 = arith.constant 31 : i32
        %max3A_300 = vector.broadcast %jit3A_298 : i32 to vector<16xi32>
        %max3A_301 = arith.maxsi %max3A_300, %convert_element_type3A_297 : vector<16xi32>
        %min3A_302 = vector.broadcast %jit3A_299 : i32 to vector<16xi32>
        %min3A_303 = arith.minsi %min3A_302, %max3A_301 : vector<16xi32>
        %add3A_304 = arith.addi %mul3A_289, %min3A_303 : vector<16xi32>
        %gather3A = tpu.vector_load_idx %arg14[%add3A_304] : memref<32768xi32, #tpu.memory_space<vmem>>[vector<16xi32>], vector<16xi32>,
        %mul3A_305 = arith.constant 4 : i32
        %mul3A_306 = arith.muli %scan3A_250, %mul3A_305 : i32
        %add3A_307 = arith.constant 1 : i32
        %add3A_308 = arith.addi %mul3A_306, %add3A_307 : i32
        %mul3A_309 = arith.constant 16 : i32
        %mul3A_310 = arith.muli %add3A_308, %mul3A_309 : i32
        %get3A_311 = arith.index_cast %mul3A_310 : i32 to index
        %get3A_312 = tpu.vector_load %arg16[%get3A_311] {strides = array<i32>} : memref<2048xf32, #tpu.memory_space<vmem>>, vector<16xf32>,
        %sub3A_313 = arith.subf %get3A_312, %get3A_39 : vector<16xf32>
        %div3A_314 = arith.divf %sub3A_313, %get3A_37 : vector<16xf32>
        %add3A_315 = arith.constant 1.600000e+01 : f32
        %add3A_316 = vector.broadcast %add3A_315 : f32 to vector<16xf32>
        %add3A_317 = arith.addf %div3A_314, %add3A_316 : vector<16xf32>
        %convert_element_type3A_318 = arith.fptosi %add3A_317 : vector<16xf32> to vector<16xi32>
        %jit3A_319 = arith.constant 0 : i32
        %jit3A_320 = arith.constant 31 : i32
        %max3A_321 = vector.broadcast %jit3A_319 : i32 to vector<16xi32>
        %max3A_322 = arith.maxsi %max3A_321, %convert_element_type3A_318 : vector<16xi32>
        %min3A_323 = vector.broadcast %jit3A_320 : i32 to vector<16xi32>
        %min3A_324 = arith.minsi %min3A_323, %max3A_322 : vector<16xi32>
        %mul3A_325 = arith.constant 32 : i32
        %mul3A_326 = vector.broadcast %mul3A_325 : i32 to vector<16xi32>
        %mul3A_327 = arith.muli %min3A_324, %mul3A_326 : vector<16xi32>
        %get3A_328 = arith.index_cast %mul3A_310 : i32 to index
        %get3A_329 = tpu.vector_load %arg17[%get3A_328] {strides = array<i32>} : memref<2048xf32, #tpu.memory_space<vmem>>, vector<16xf32>,
        %sub3A_330 = arith.subf %get3A_329, %get3A_41 : vector<16xf32>
        %div3A_331 = arith.divf %sub3A_330, %get3A_37 : vector<16xf32>
        %add3A_332 = arith.constant 1.600000e+01 : f32
        %add3A_333 = vector.broadcast %add3A_332 : f32 to vector<16xf32>
        %add3A_334 = arith.addf %div3A_331, %add3A_333 : vector<16xf32>
        %convert_element_type3A_335 = arith.fptosi %add3A_334 : vector<16xf32> to vector<16xi32>
        %jit3A_336 = arith.constant 0 : i32
        %jit3A_337 = arith.constant 31 : i32
        %max3A_338 = vector.broadcast %jit3A_336 : i32 to vector<16xi32>
        %max3A_339 = arith.maxsi %max3A_338, %convert_element_type3A_335 : vector<16xi32>
        %min3A_340 = vector.broadcast %jit3A_337 : i32 to vector<16xi32>
        %min3A_341 = arith.minsi %min3A_340, %max3A_339 : vector<16xi32>
        %add3A_342 = arith.addi %mul3A_327, %min3A_341 : vector<16xi32>
        %mul3A_343 = arith.constant 32 : i32
        %mul3A_344 = vector.broadcast %mul3A_343 : i32 to vector<16xi32>
        %mul3A_345 = arith.muli %add3A_342, %mul3A_344 : vector<16xi32>
        %get3A_346 = arith.index_cast %mul3A_310 : i32 to index
        %get3A_347 = tpu.vector_load %arg18[%get3A_346] {strides = array<i32>} : memref<2048xf32, #tpu.memory_space<vmem>>, vector<16xf32>,
        %sub3A_348 = arith.subf %get3A_347, %get3A_43 : vector<16xf32>
        %div3A_349 = arith.divf %sub3A_348, %get3A_37 : vector<16xf32>
        %add3A_350 = arith.constant 1.600000e+01 : f32
        %add3A_351 = vector.broadcast %add3A_350 : f32 to vector<16xf32>
        %add3A_352 = arith.addf %div3A_349, %add3A_351 : vector<16xf32>
        %convert_element_type3A_353 = arith.fptosi %add3A_352 : vector<16xf32> to vector<16xi32>
        %jit3A_354 = arith.constant 0 : i32
        %jit3A_355 = arith.constant 31 : i32
        %max3A_356 = vector.broadcast %jit3A_354 : i32 to vector<16xi32>
        %max3A_357 = arith.maxsi %max3A_356, %convert_element_type3A_353 : vector<16xi32>
        %min3A_358 = vector.broadcast %jit3A_355 : i32 to vector<16xi32>
        %min3A_359 = arith.minsi %min3A_358, %max3A_357 : vector<16xi32>
        %add3A_360 = arith.addi %mul3A_345, %min3A_359 : vector<16xi32>
        %gather3A_361 = tpu.vector_load_idx %arg14[%add3A_360] : memref<32768xi32, #tpu.memory_space<vmem>>[vector<16xi32>], vector<16xi32>,
        %mul3A_362 = arith.constant 4 : i32
        %mul3A_363 = arith.muli %scan3A_250, %mul3A_362 : i32
        %add3A_364 = arith.constant 2 : i32
        %add3A_365 = arith.addi %mul3A_363, %add3A_364 : i32
        %mul3A_366 = arith.constant 16 : i32
        %mul3A_367 = arith.muli %add3A_365, %mul3A_366 : i32
        %get3A_368 = arith.index_cast %mul3A_367 : i32 to index
        %get3A_369 = tpu.vector_load %arg16[%get3A_368] {strides = array<i32>} : memref<2048xf32, #tpu.memory_space<vmem>>, vector<16xf32>,
        %sub3A_370 = arith.subf %get3A_369, %get3A_39 : vector<16xf32>
        %div3A_371 = arith.divf %sub3A_370, %get3A_37 : vector<16xf32>
        %add3A_372 = arith.constant 1.600000e+01 : f32
        %add3A_373 = vector.broadcast %add3A_372 : f32 to vector<16xf32>
        %add3A_374 = arith.addf %div3A_371, %add3A_373 : vector<16xf32>
        %convert_element_type3A_375 = arith.fptosi %add3A_374 : vector<16xf32> to vector<16xi32>
        %jit3A_376 = arith.constant 0 : i32
        %jit3A_377 = arith.constant 31 : i32
        %max3A_378 = vector.broadcast %jit3A_376 : i32 to vector<16xi32>
        %max3A_379 = arith.maxsi %max3A_378, %convert_element_type3A_375 : vector<16xi32>
        %min3A_380 = vector.broadcast %jit3A_377 : i32 to vector<16xi32>
        %min3A_381 = arith.minsi %min3A_380, %max3A_379 : vector<16xi32>
        %mul3A_382 = arith.constant 32 : i32
        %mul3A_383 = vector.broadcast %mul3A_382 : i32 to vector<16xi32>
        %mul3A_384 = arith.muli %min3A_381, %mul3A_383 : vector<16xi32>
        %get3A_385 = arith.index_cast %mul3A_367 : i32 to index
        %get3A_386 = tpu.vector_load %arg17[%get3A_385] {strides = array<i32>} : memref<2048xf32, #tpu.memory_space<vmem>>, vector<16xf32>,
        %sub3A_387 = arith.subf %get3A_386, %get3A_41 : vector<16xf32>
        %div3A_388 = arith.divf %sub3A_387, %get3A_37 : vector<16xf32>
        %add3A_389 = arith.constant 1.600000e+01 : f32
        %add3A_390 = vector.broadcast %add3A_389 : f32 to vector<16xf32>
        %add3A_391 = arith.addf %div3A_388, %add3A_390 : vector<16xf32>
        %convert_element_type3A_392 = arith.fptosi %add3A_391 : vector<16xf32> to vector<16xi32>
        %jit3A_393 = arith.constant 0 : i32
        %jit3A_394 = arith.constant 31 : i32
        %max3A_395 = vector.broadcast %jit3A_393 : i32 to vector<16xi32>
        %max3A_396 = arith.maxsi %max3A_395, %convert_element_type3A_392 : vector<16xi32>
        %min3A_397 = vector.broadcast %jit3A_394 : i32 to vector<16xi32>
        %min3A_398 = arith.minsi %min3A_397, %max3A_396 : vector<16xi32>
        %add3A_399 = arith.addi %mul3A_384, %min3A_398 : vector<16xi32>
        %mul3A_400 = arith.constant 32 : i32
        %mul3A_401 = vector.broadcast %mul3A_400 : i32 to vector<16xi32>
        %mul3A_402 = arith.muli %add3A_399, %mul3A_401 : vector<16xi32>
        %get3A_403 = arith.index_cast %mul3A_367 : i32 to index
        %get3A_404 = tpu.vector_load %arg18[%get3A_403] {strides = array<i32>} : memref<2048xf32, #tpu.memory_space<vmem>>, vector<16xf32>,
        %sub3A_405 = arith.subf %get3A_404, %get3A_43 : vector<16xf32>
        %div3A_406 = arith.divf %sub3A_405, %get3A_37 : vector<16xf32>
        %add3A_407 = arith.constant 1.600000e+01 : f32
        %add3A_408 = vector.broadcast %add3A_407 : f32 to vector<16xf32>
        %add3A_409 = arith.addf %div3A_406, %add3A_408 : vector<16xf32>
        %convert_element_type3A_410 = arith.fptosi %add3A_409 : vector<16xf32> to vector<16xi32>
        %jit3A_411 = arith.constant 0 : i32
        %jit3A_412 = arith.constant 31 : i32
        %max3A_413 = vector.broadcast %jit3A_411 : i32 to vector<16xi32>
        %max3A_414 = arith.maxsi %max3A_413, %convert_element_type3A_410 : vector<16xi32>
        %min3A_415 = vector.broadcast %jit3A_412 : i32 to vector<16xi32>
        %min3A_416 = arith.minsi %min3A_415, %max3A_414 : vector<16xi32>
        %add3A_417 = arith.addi %mul3A_402, %min3A_416 : vector<16xi32>
        %gather3A_418 = tpu.vector_load_idx %arg14[%add3A_417] : memref<32768xi32, #tpu.memory_space<vmem>>[vector<16xi32>], vector<16xi32>,
        %mul3A_419 = arith.constant 4 : i32
        %mul3A_420 = arith.muli %scan3A_250, %mul3A_419 : i32
        %add3A_421 = arith.constant 3 : i32
        %add3A_422 = arith.addi %mul3A_420, %add3A_421 : i32
        %mul3A_423 = arith.constant 16 : i32
        %mul3A_424 = arith.muli %add3A_422, %mul3A_423 : i32
        %get3A_425 = arith.index_cast %mul3A_424 : i32 to index
        %get3A_426 = tpu.vector_load %arg16[%get3A_425] {strides = array<i32>} : memref<2048xf32, #tpu.memory_space<vmem>>, vector<16xf32>,
        %sub3A_427 = arith.subf %get3A_426, %get3A_39 : vector<16xf32>
        %div3A_428 = arith.divf %sub3A_427, %get3A_37 : vector<16xf32>
        %add3A_429 = arith.constant 1.600000e+01 : f32
        %add3A_430 = vector.broadcast %add3A_429 : f32 to vector<16xf32>
        %add3A_431 = arith.addf %div3A_428, %add3A_430 : vector<16xf32>
        %convert_element_type3A_432 = arith.fptosi %add3A_431 : vector<16xf32> to vector<16xi32>
        %jit3A_433 = arith.constant 0 : i32
        %jit3A_434 = arith.constant 31 : i32
        %max3A_435 = vector.broadcast %jit3A_433 : i32 to vector<16xi32>
        %max3A_436 = arith.maxsi %max3A_435, %convert_element_type3A_432 : vector<16xi32>
        %min3A_437 = vector.broadcast %jit3A_434 : i32 to vector<16xi32>
        %min3A_438 = arith.minsi %min3A_437, %max3A_436 : vector<16xi32>
        %mul3A_439 = arith.constant 32 : i32
        %mul3A_440 = vector.broadcast %mul3A_439 : i32 to vector<16xi32>
        %mul3A_441 = arith.muli %min3A_438, %mul3A_440 : vector<16xi32>
        %get3A_442 = arith.index_cast %mul3A_424 : i32 to index
        %get3A_443 = tpu.vector_load %arg17[%get3A_442] {strides = array<i32>} : memref<2048xf32, #tpu.memory_space<vmem>>, vector<16xf32>,
        %sub3A_444 = arith.subf %get3A_443, %get3A_41 : vector<16xf32>
        %div3A_445 = arith.divf %sub3A_444, %get3A_37 : vector<16xf32>
        %add3A_446 = arith.constant 1.600000e+01 : f32
        %add3A_447 = vector.broadcast %add3A_446 : f32 to vector<16xf32>
        %add3A_448 = arith.addf %div3A_445, %add3A_447 : vector<16xf32>
        %convert_element_type3A_449 = arith.fptosi %add3A_448 : vector<16xf32> to vector<16xi32>
        %jit3A_450 = arith.constant 0 : i32
        %jit3A_451 = arith.constant 31 : i32
        %max3A_452 = vector.broadcast %jit3A_450 : i32 to vector<16xi32>
        %max3A_453 = arith.maxsi %max3A_452, %convert_element_type3A_449 : vector<16xi32>
        %min3A_454 = vector.broadcast %jit3A_451 : i32 to vector<16xi32>
        %min3A_455 = arith.minsi %min3A_454, %max3A_453 : vector<16xi32>
        %add3A_456 = arith.addi %mul3A_441, %min3A_455 : vector<16xi32>
        %mul3A_457 = arith.constant 32 : i32
        %mul3A_458 = vector.broadcast %mul3A_457 : i32 to vector<16xi32>
        %mul3A_459 = arith.muli %add3A_456, %mul3A_458 : vector<16xi32>
        %get3A_460 = arith.index_cast %mul3A_424 : i32 to index
        %get3A_461 = tpu.vector_load %arg18[%get3A_460] {strides = array<i32>} : memref<2048xf32, #tpu.memory_space<vmem>>, vector<16xf32>,
        %sub3A_462 = arith.subf %get3A_461, %get3A_43 : vector<16xf32>
        %div3A_463 = arith.divf %sub3A_462, %get3A_37 : vector<16xf32>
        %add3A_464 = arith.constant 1.600000e+01 : f32
        %add3A_465 = vector.broadcast %add3A_464 : f32 to vector<16xf32>
        %add3A_466 = arith.addf %div3A_463, %add3A_465 : vector<16xf32>
        %convert_element_type3A_467 = arith.fptosi %add3A_466 : vector<16xf32> to vector<16xi32>
        %jit3A_468 = arith.constant 0 : i32
        %jit3A_469 = arith.constant 31 : i32
        %max3A_470 = vector.broadcast %jit3A_468 : i32 to vector<16xi32>
        %max3A_471 = arith.maxsi %max3A_470, %convert_element_type3A_467 : vector<16xi32>
        %min3A_472 = vector.broadcast %jit3A_469 : i32 to vector<16xi32>
        %min3A_473 = arith.minsi %min3A_472, %max3A_471 : vector<16xi32>
        %add3A_474 = arith.addi %mul3A_459, %min3A_473 : vector<16xi32>
        %gather3A_475 = tpu.vector_load_idx %arg14[%add3A_474] : memref<32768xi32, #tpu.memory_space<vmem>>[vector<16xi32>], vector<16xi32>,
        %broadcast_in_dim3A_476 = arith.constant true
        %broadcast_in_dim3A_477 = vector.broadcast %broadcast_in_dim3A_476 : i1 to vector<16xi1>
        %unique3A, %unique3A_478 = tpu.scan_count mask(%broadcast_in_dim3A_477 : vector<16xi1>) value(%gather3A : vector<16xi32>) : vector<16xi1>, vector<16xi32>
        tpu.vector_store_idx %arg15[%gather3A], %unique3A_478 masked %unique3A {add = true} : memref<32768xi32, #tpu.memory_space<vmem>>[vector<16xi32>], vector<16xi32>, vector<16xi1>
        %mul3A_479 = arith.constant 4 : i32
        %mul3A_480 = arith.muli %scan3A_250, %mul3A_479 : i32
        %add3A_481 = arith.constant 0 : i32
        %add3A_482 = arith.addi %mul3A_480, %add3A_481 : i32
        %mul3A_483 = arith.constant 16 : i32
        %mul3A_484 = arith.muli %add3A_482, %mul3A_483 : i32
        %swap3A = arith.index_cast %mul3A_484 : i32 to index
        %swap3A_485 = tpu.vector_load %arg26[%swap3A] {strides = array<i32>} : memref<2048xi32, #tpu.memory_space<vmem>>, vector<16xi32>,
        tpu.vector_store %arg26[%swap3A], %gather3A {strides = array<i32>} : memref<2048xi32, #tpu.memory_space<vmem>>, vector<16xi32>,
        %broadcast_in_dim3A_486 = arith.constant true
        %broadcast_in_dim3A_487 = vector.broadcast %broadcast_in_dim3A_486 : i1 to vector<16xi1>
        %unique3A_488, %unique3A_489 = tpu.scan_count mask(%broadcast_in_dim3A_487 : vector<16xi1>) value(%gather3A_361 : vector<16xi32>) : vector<16xi1>, vector<16xi32>
        tpu.vector_store_idx %arg15[%gather3A_361], %unique3A_489 masked %unique3A_488 {add = true} : memref<32768xi32, #tpu.memory_space<vmem>>[vector<16xi32>], vector<16xi32>, vector<16xi1>
        %mul3A_490 = arith.constant 4 : i32
        %mul3A_491 = arith.muli %scan3A_250, %mul3A_490 : i32
        %add3A_492 = arith.constant 1 : i32
        %add3A_493 = arith.addi %mul3A_491, %add3A_492 : i32
        %mul3A_494 = arith.constant 16 : i32
        %mul3A_495 = arith.muli %add3A_493, %mul3A_494 : i32
        %swap3A_496 = arith.index_cast %mul3A_495 : i32 to index
        %swap3A_497 = tpu.vector_load %arg26[%swap3A_496] {strides = array<i32>} : memref<2048xi32, #tpu.memory_space<vmem>>, vector<16xi32>,
        tpu.vector_store %arg26[%swap3A_496], %gather3A_361 {strides = array<i32>} : memref<2048xi32, #tpu.memory_space<vmem>>, vector<16xi32>,
        %broadcast_in_dim3A_498 = arith.constant true
        %broadcast_in_dim3A_499 = vector.broadcast %broadcast_in_dim3A_498 : i1 to vector<16xi1>
        %unique3A_500, %unique3A_501 = tpu.scan_count mask(%broadcast_in_dim3A_499 : vector<16xi1>) value(%gather3A_418 : vector<16xi32>) : vector<16xi1>, vector<16xi32>
        tpu.vector_store_idx %arg15[%gather3A_418], %unique3A_501 masked %unique3A_500 {add = true} : memref<32768xi32, #tpu.memory_space<vmem>>[vector<16xi32>], vector<16xi32>, vector<16xi1>
        %mul3A_502 = arith.constant 4 : i32
        %mul3A_503 = arith.muli %scan3A_250, %mul3A_502 : i32
        %add3A_504 = arith.constant 2 : i32
        %add3A_505 = arith.addi %mul3A_503, %add3A_504 : i32
        %mul3A_506 = arith.constant 16 : i32
        %mul3A_507 = arith.muli %add3A_505, %mul3A_506 : i32
        %swap3A_508 = arith.index_cast %mul3A_507 : i32 to index
        %swap3A_509 = tpu.vector_load %arg26[%swap3A_508] {strides = array<i32>} : memref<2048xi32, #tpu.memory_space<vmem>>, vector<16xi32>,
        tpu.vector_store %arg26[%swap3A_508], %gather3A_418 {strides = array<i32>} : memref<2048xi32, #tpu.memory_space<vmem>>, vector<16xi32>,
        %broadcast_in_dim3A_510 = arith.constant true
        %broadcast_in_dim3A_511 = vector.broadcast %broadcast_in_dim3A_510 : i1 to vector<16xi1>
        %unique3A_512, %unique3A_513 = tpu.scan_count mask(%broadcast_in_dim3A_511 : vector<16xi1>) value(%gather3A_475 : vector<16xi32>) : vector<16xi1>, vector<16xi32>
        tpu.vector_store_idx %arg15[%gather3A_475], %unique3A_513 masked %unique3A_512 {add = true} : memref<32768xi32, #tpu.memory_space<vmem>>[vector<16xi32>], vector<16xi32>, vector<16xi1>
        %mul3A_514 = arith.constant 4 : i32
        %mul3A_515 = arith.muli %scan3A_250, %mul3A_514 : i32
        %add3A_516 = arith.constant 3 : i32
        %add3A_517 = arith.addi %mul3A_515, %add3A_516 : i32
        %mul3A_518 = arith.constant 16 : i32
        %mul3A_519 = arith.muli %add3A_517, %mul3A_518 : i32
        %swap3A_520 = arith.index_cast %mul3A_519 : i32 to index
        %swap3A_521 = tpu.vector_load %arg26[%swap3A_520] {strides = array<i32>} : memref<2048xi32, #tpu.memory_space<vmem>>, vector<16xi32>,
        tpu.vector_store %arg26[%swap3A_520], %gather3A_475 {strides = array<i32>} : memref<2048xi32, #tpu.memory_space<vmem>>, vector<16xi32>,
      }
      %scan3A_205 = arith.constant 32 : i32
      %mul3A_206 = arith.constant 2048 : i32
      %mul3A_207 = arith.muli %add3A_178, %mul3A_206 : i32
      %add3A_208 = arith.addi %add3A_35, %mul3A_207 : i32
      %dma_start3A_209 = tpu.memref_slice %arg13[%add3A_208] : memref<1048576xi32, #tpu.memory_space<hbm>> -> memref<2048xi32, #tpu.memory_space<hbm>>
      %dma_start3A_210 = tpu.memref_slice %arg13[%add3A_208] : memref<1048576xi32, #tpu.memory_space<hbm>> -> memref<2048xi32, #tpu.memory_space<hbm>>
      tpu.enqueue_dma source(%arg26 : memref<2048xi32, #tpu.memory_space<vmem>>) target(%dma_start3A_210 : memref<2048xi32, #tpu.memory_space<hbm>>) target_semaphore(%arg34 : memref<!tpu.dma_semaphore, #tpu.memory_space<semaphore_mem>>)
      %mul3A_211 = arith.constant 2 : i32
      %mul3A_212 = arith.muli %scan3A_174, %mul3A_211 : i32
      %add3A_213 = arith.constant 1 : i32
      %add3A_214 = arith.addi %mul3A_212, %add3A_213 : i32
      %add3A_215 = arith.constant 1 : i32
      %add3A_216 = arith.addi %add3A_214, %add3A_215 : i32
      %lt3A_217 = arith.constant 16 : i32
      %lt3A_218 = arith.cmpi slt, %add3A_216, %lt3A_217 : i32
      %convert_element_type3A_219 = arith.extui %lt3A_218 : i1 to i32
      %cond3A_220 = arith.constant 0 : i32
      %cond3A_221 = arith.cmpi ne, %convert_element_type3A_219, %cond3A_220 : i32
      scf.if %cond3A_221 {
        %add3A_250 = arith.constant 1 : i32
        %add3A_251 = arith.addi %add3A_214, %add3A_250 : i32
        %mul3A_252 = arith.constant 2048 : i32
        %mul3A_253 = arith.muli %add3A_251, %mul3A_252 : i32
        %add3A_254 = arith.addi %add3A_35, %mul3A_253 : i32
        %dma_start3A_255 = tpu.memref_slice %arg2[%add3A_254] : memref<1048576xf32, #tpu.memory_space<hbm>> -> memref<2048xf32, #tpu.memory_space<hbm>>
        %dma_start3A_256 = tpu.memref_slice %arg2[%add3A_254] : memref<1048576xf32, #tpu.memory_space<hbm>> -> memref<2048xf32, #tpu.memory_space<hbm>>
        tpu.enqueue_dma source(%dma_start3A_256 : memref<2048xf32, #tpu.memory_space<hbm>>) target(%arg16 : memref<2048xf32, #tpu.memory_space<vmem>>) target_semaphore(%arg32 : memref<!tpu.dma_semaphore, #tpu.memory_space<semaphore_mem>>)
        %dma_start3A_257 = tpu.memref_slice %arg3[%add3A_254] : memref<1048576xf32, #tpu.memory_space<hbm>> -> memref<2048xf32, #tpu.memory_space<hbm>>
        %dma_start3A_258 = tpu.memref_slice %arg3[%add3A_254] : memref<1048576xf32, #tpu.memory_space<hbm>> -> memref<2048xf32, #tpu.memory_space<hbm>>
        tpu.enqueue_dma source(%dma_start3A_258 : memref<2048xf32, #tpu.memory_space<hbm>>) target(%arg17 : memref<2048xf32, #tpu.memory_space<vmem>>) target_semaphore(%arg32 : memref<!tpu.dma_semaphore, #tpu.memory_space<semaphore_mem>>)
        %dma_start3A_259 = tpu.memref_slice %arg4[%add3A_254] : memref<1048576xf32, #tpu.memory_space<hbm>> -> memref<2048xf32, #tpu.memory_space<hbm>>
        %dma_start3A_260 = tpu.memref_slice %arg4[%add3A_254] : memref<1048576xf32, #tpu.memory_space<hbm>> -> memref<2048xf32, #tpu.memory_space<hbm>>
        tpu.enqueue_dma source(%dma_start3A_260 : memref<2048xf32, #tpu.memory_space<hbm>>) target(%arg18 : memref<2048xf32, #tpu.memory_space<vmem>>) target_semaphore(%arg32 : memref<!tpu.dma_semaphore, #tpu.memory_space<semaphore_mem>>)
      } else {
      }
      %dma_wait3A_222 = arith.constant 0 : i32
      %dma_wait3A_223 = tpu.memref_slice %arg2[%dma_wait3A_222] : memref<1048576xf32, #tpu.memory_space<hbm>> -> memref<2048xf32, #tpu.memory_space<hbm>>
      %dma_wait3A_224 = arith.constant 0 : i32
      %dma_wait3A_225 = tpu.memref_slice %arg2[%dma_wait3A_224] : memref<1048576xf32, #tpu.memory_space<hbm>> -> memref<2048xf32, #tpu.memory_space<hbm>>
      tpu.wait_dma2 semaphore(%arg33 : memref<!tpu.dma_semaphore, #tpu.memory_space<semaphore_mem>>) src(%dma_wait3A_225 : memref<2048xf32, #tpu.memory_space<hbm>>) dst(%arg19 : memref<2048xf32, #tpu.memory_space<vmem>>)
      %dma_wait3A_226 = arith.constant 0 : i32
      %dma_wait3A_227 = tpu.memref_slice %arg3[%dma_wait3A_226] : memref<1048576xf32, #tpu.memory_space<hbm>> -> memref<2048xf32, #tpu.memory_space<hbm>>
      %dma_wait3A_228 = arith.constant 0 : i32
      %dma_wait3A_229 = tpu.memref_slice %arg3[%dma_wait3A_228] : memref<1048576xf32, #tpu.memory_space<hbm>> -> memref<2048xf32, #tpu.memory_space<hbm>>
      tpu.wait_dma2 semaphore(%arg33 : memref<!tpu.dma_semaphore, #tpu.memory_space<semaphore_mem>>) src(%dma_wait3A_229 : memref<2048xf32, #tpu.memory_space<hbm>>) dst(%arg20 : memref<2048xf32, #tpu.memory_space<vmem>>)
      %dma_wait3A_230 = arith.constant 0 : i32
      %dma_wait3A_231 = tpu.memref_slice %arg4[%dma_wait3A_230] : memref<1048576xf32, #tpu.memory_space<hbm>> -> memref<2048xf32, #tpu.memory_space<hbm>>
      %dma_wait3A_232 = arith.constant 0 : i32
      %dma_wait3A_233 = tpu.memref_slice %arg4[%dma_wait3A_232] : memref<1048576xf32, #tpu.memory_space<hbm>> -> memref<2048xf32, #tpu.memory_space<hbm>>
      tpu.wait_dma2 semaphore(%arg33 : memref<!tpu.dma_semaphore, #tpu.memory_space<semaphore_mem>>) src(%dma_wait3A_233 : memref<2048xf32, #tpu.memory_space<hbm>>) dst(%arg21 : memref<2048xf32, #tpu.memory_space<vmem>>)
      %ge3A_234 = arith.constant 2 : i32
      %ge3A_235 = arith.cmpi sge, %add3A_214, %ge3A_234 : i32
      %convert_element_type3A_236 = arith.extui %ge3A_235 : i1 to i32
      %cond3A_237 = arith.constant 0 : i32
      %cond3A_238 = arith.cmpi ne, %convert_element_type3A_236, %cond3A_237 : i32
      scf.if %cond3A_238 {
        %dma_wait3A_250 = arith.constant 0 : i32
        %dma_wait3A_251 = tpu.memref_slice %arg13[%dma_wait3A_250] : memref<1048576xi32, #tpu.memory_space<hbm>> -> memref<2048xi32, #tpu.memory_space<hbm>>
        %dma_wait3A_252 = arith.constant 0 : i32
        %dma_wait3A_253 = tpu.memref_slice %arg13[%dma_wait3A_252] : memref<1048576xi32, #tpu.memory_space<hbm>> -> memref<2048xi32, #tpu.memory_space<hbm>>
        tpu.wait_dma2 semaphore(%arg35 : memref<!tpu.dma_semaphore, #tpu.memory_space<semaphore_mem>>) src(%arg27 : memref<2048xi32, #tpu.memory_space<vmem>>) dst(%dma_wait3A_253 : memref<2048xi32, #tpu.memory_space<hbm>>)
      } else {
      }
      %scan3A_239 = arith.constant 0 : i32
      %scan3A_240 = arith.constant 0 : i32
      %scan3A_241 = arith.constant 32 : i32
      %scan3A_242 = arith.addi %scan3A_240, %scan3A_241 : i32
      %scan3A_243 = arith.constant 1 : i32
      scf.for %scan3A_250 = %scan3A_240 to %scan3A_242 step %scan3A_243  : i32 {
        %mul3A_251 = arith.constant 4 : i32
        %mul3A_252 = arith.muli %scan3A_250, %mul3A_251 : i32
        %add3A_253 = arith.constant 0 : i32
        %add3A_254 = arith.addi %mul3A_252, %add3A_253 : i32
        %mul3A_255 = arith.constant 16 : i32
        %mul3A_256 = arith.muli %add3A_254, %mul3A_255 : i32
        %get3A_257 = arith.index_cast %mul3A_256 : i32 to index
        %get3A_258 = tpu.vector_load %arg19[%get3A_257] {strides = array<i32>} : memref<2048xf32, #tpu.memory_space<vmem>>, vector<16xf32>,
        %sub3A_259 = arith.subf %get3A_258, %get3A_39 : vector<16xf32>
        %div3A_260 = arith.divf %sub3A_259, %get3A_37 : vector<16xf32>
        %add3A_261 = arith.constant 1.600000e+01 : f32
        %add3A_262 = vector.broadcast %add3A_261 : f32 to vector<16xf32>
        %add3A_263 = arith.addf %div3A_260, %add3A_262 : vector<16xf32>
        %convert_element_type3A_264 = arith.fptosi %add3A_263 : vector<16xf32> to vector<16xi32>
        %jit3A_265 = arith.constant 0 : i32
        %jit3A_266 = arith.constant 31 : i32
        %max3A = vector.broadcast %jit3A_265 : i32 to vector<16xi32>
        %max3A_267 = arith.maxsi %max3A, %convert_element_type3A_264 : vector<16xi32>
        %min3A = vector.broadcast %jit3A_266 : i32 to vector<16xi32>
        %min3A_268 = arith.minsi %min3A, %max3A_267 : vector<16xi32>
        %mul3A_269 = arith.constant 32 : i32
        %mul3A_270 = vector.broadcast %mul3A_269 : i32 to vector<16xi32>
        %mul3A_271 = arith.muli %min3A_268, %mul3A_270 : vector<16xi32>
        %get3A_272 = arith.index_cast %mul3A_256 : i32 to index
        %get3A_273 = tpu.vector_load %arg20[%get3A_272] {strides = array<i32>} : memref<2048xf32, #tpu.memory_space<vmem>>, vector<16xf32>,
        %sub3A_274 = arith.subf %get3A_273, %get3A_41 : vector<16xf32>
        %div3A_275 = arith.divf %sub3A_274, %get3A_37 : vector<16xf32>
        %add3A_276 = arith.constant 1.600000e+01 : f32
        %add3A_277 = vector.broadcast %add3A_276 : f32 to vector<16xf32>
        %add3A_278 = arith.addf %div3A_275, %add3A_277 : vector<16xf32>
        %convert_element_type3A_279 = arith.fptosi %add3A_278 : vector<16xf32> to vector<16xi32>
        %jit3A_280 = arith.constant 0 : i32
        %jit3A_281 = arith.constant 31 : i32
        %max3A_282 = vector.broadcast %jit3A_280 : i32 to vector<16xi32>
        %max3A_283 = arith.maxsi %max3A_282, %convert_element_type3A_279 : vector<16xi32>
        %min3A_284 = vector.broadcast %jit3A_281 : i32 to vector<16xi32>
        %min3A_285 = arith.minsi %min3A_284, %max3A_283 : vector<16xi32>
        %add3A_286 = arith.addi %mul3A_271, %min3A_285 : vector<16xi32>
        %mul3A_287 = arith.constant 32 : i32
        %mul3A_288 = vector.broadcast %mul3A_287 : i32 to vector<16xi32>
        %mul3A_289 = arith.muli %add3A_286, %mul3A_288 : vector<16xi32>
        %get3A_290 = arith.index_cast %mul3A_256 : i32 to index
        %get3A_291 = tpu.vector_load %arg21[%get3A_290] {strides = array<i32>} : memref<2048xf32, #tpu.memory_space<vmem>>, vector<16xf32>,
        %sub3A_292 = arith.subf %get3A_291, %get3A_43 : vector<16xf32>
        %div3A_293 = arith.divf %sub3A_292, %get3A_37 : vector<16xf32>
        %add3A_294 = arith.constant 1.600000e+01 : f32
        %add3A_295 = vector.broadcast %add3A_294 : f32 to vector<16xf32>
        %add3A_296 = arith.addf %div3A_293, %add3A_295 : vector<16xf32>
        %convert_element_type3A_297 = arith.fptosi %add3A_296 : vector<16xf32> to vector<16xi32>
        %jit3A_298 = arith.constant 0 : i32
        %jit3A_299 = arith.constant 31 : i32
        %max3A_300 = vector.broadcast %jit3A_298 : i32 to vector<16xi32>
        %max3A_301 = arith.maxsi %max3A_300, %convert_element_type3A_297 : vector<16xi32>
        %min3A_302 = vector.broadcast %jit3A_299 : i32 to vector<16xi32>
        %min3A_303 = arith.minsi %min3A_302, %max3A_301 : vector<16xi32>
        %add3A_304 = arith.addi %mul3A_289, %min3A_303 : vector<16xi32>
        %gather3A = tpu.vector_load_idx %arg14[%add3A_304] : memref<32768xi32, #tpu.memory_space<vmem>>[vector<16xi32>], vector<16xi32>,
        %mul3A_305 = arith.constant 4 : i32
        %mul3A_306 = arith.muli %scan3A_250, %mul3A_305 : i32
        %add3A_307 = arith.constant 1 : i32
        %add3A_308 = arith.addi %mul3A_306, %add3A_307 : i32
        %mul3A_309 = arith.constant 16 : i32
        %mul3A_310 = arith.muli %add3A_308, %mul3A_309 : i32
        %get3A_311 = arith.index_cast %mul3A_310 : i32 to index
        %get3A_312 = tpu.vector_load %arg19[%get3A_311] {strides = array<i32>} : memref<2048xf32, #tpu.memory_space<vmem>>, vector<16xf32>,
        %sub3A_313 = arith.subf %get3A_312, %get3A_39 : vector<16xf32>
        %div3A_314 = arith.divf %sub3A_313, %get3A_37 : vector<16xf32>
        %add3A_315 = arith.constant 1.600000e+01 : f32
        %add3A_316 = vector.broadcast %add3A_315 : f32 to vector<16xf32>
        %add3A_317 = arith.addf %div3A_314, %add3A_316 : vector<16xf32>
        %convert_element_type3A_318 = arith.fptosi %add3A_317 : vector<16xf32> to vector<16xi32>
        %jit3A_319 = arith.constant 0 : i32
        %jit3A_320 = arith.constant 31 : i32
        %max3A_321 = vector.broadcast %jit3A_319 : i32 to vector<16xi32>
        %max3A_322 = arith.maxsi %max3A_321, %convert_element_type3A_318 : vector<16xi32>
        %min3A_323 = vector.broadcast %jit3A_320 : i32 to vector<16xi32>
        %min3A_324 = arith.minsi %min3A_323, %max3A_322 : vector<16xi32>
        %mul3A_325 = arith.constant 32 : i32
        %mul3A_326 = vector.broadcast %mul3A_325 : i32 to vector<16xi32>
        %mul3A_327 = arith.muli %min3A_324, %mul3A_326 : vector<16xi32>
        %get3A_328 = arith.index_cast %mul3A_310 : i32 to index
        %get3A_329 = tpu.vector_load %arg20[%get3A_328] {strides = array<i32>} : memref<2048xf32, #tpu.memory_space<vmem>>, vector<16xf32>,
        %sub3A_330 = arith.subf %get3A_329, %get3A_41 : vector<16xf32>
        %div3A_331 = arith.divf %sub3A_330, %get3A_37 : vector<16xf32>
        %add3A_332 = arith.constant 1.600000e+01 : f32
        %add3A_333 = vector.broadcast %add3A_332 : f32 to vector<16xf32>
        %add3A_334 = arith.addf %div3A_331, %add3A_333 : vector<16xf32>
        %convert_element_type3A_335 = arith.fptosi %add3A_334 : vector<16xf32> to vector<16xi32>
        %jit3A_336 = arith.constant 0 : i32
        %jit3A_337 = arith.constant 31 : i32
        %max3A_338 = vector.broadcast %jit3A_336 : i32 to vector<16xi32>
        %max3A_339 = arith.maxsi %max3A_338, %convert_element_type3A_335 : vector<16xi32>
        %min3A_340 = vector.broadcast %jit3A_337 : i32 to vector<16xi32>
        %min3A_341 = arith.minsi %min3A_340, %max3A_339 : vector<16xi32>
        %add3A_342 = arith.addi %mul3A_327, %min3A_341 : vector<16xi32>
        %mul3A_343 = arith.constant 32 : i32
        %mul3A_344 = vector.broadcast %mul3A_343 : i32 to vector<16xi32>
        %mul3A_345 = arith.muli %add3A_342, %mul3A_344 : vector<16xi32>
        %get3A_346 = arith.index_cast %mul3A_310 : i32 to index
        %get3A_347 = tpu.vector_load %arg21[%get3A_346] {strides = array<i32>} : memref<2048xf32, #tpu.memory_space<vmem>>, vector<16xf32>,
        %sub3A_348 = arith.subf %get3A_347, %get3A_43 : vector<16xf32>
        %div3A_349 = arith.divf %sub3A_348, %get3A_37 : vector<16xf32>
        %add3A_350 = arith.constant 1.600000e+01 : f32
        %add3A_351 = vector.broadcast %add3A_350 : f32 to vector<16xf32>
        %add3A_352 = arith.addf %div3A_349, %add3A_351 : vector<16xf32>
        %convert_element_type3A_353 = arith.fptosi %add3A_352 : vector<16xf32> to vector<16xi32>
        %jit3A_354 = arith.constant 0 : i32
        %jit3A_355 = arith.constant 31 : i32
        %max3A_356 = vector.broadcast %jit3A_354 : i32 to vector<16xi32>
        %max3A_357 = arith.maxsi %max3A_356, %convert_element_type3A_353 : vector<16xi32>
        %min3A_358 = vector.broadcast %jit3A_355 : i32 to vector<16xi32>
        %min3A_359 = arith.minsi %min3A_358, %max3A_357 : vector<16xi32>
        %add3A_360 = arith.addi %mul3A_345, %min3A_359 : vector<16xi32>
        %gather3A_361 = tpu.vector_load_idx %arg14[%add3A_360] : memref<32768xi32, #tpu.memory_space<vmem>>[vector<16xi32>], vector<16xi32>,
        %mul3A_362 = arith.constant 4 : i32
        %mul3A_363 = arith.muli %scan3A_250, %mul3A_362 : i32
        %add3A_364 = arith.constant 2 : i32
        %add3A_365 = arith.addi %mul3A_363, %add3A_364 : i32
        %mul3A_366 = arith.constant 16 : i32
        %mul3A_367 = arith.muli %add3A_365, %mul3A_366 : i32
        %get3A_368 = arith.index_cast %mul3A_367 : i32 to index
        %get3A_369 = tpu.vector_load %arg19[%get3A_368] {strides = array<i32>} : memref<2048xf32, #tpu.memory_space<vmem>>, vector<16xf32>,
        %sub3A_370 = arith.subf %get3A_369, %get3A_39 : vector<16xf32>
        %div3A_371 = arith.divf %sub3A_370, %get3A_37 : vector<16xf32>
        %add3A_372 = arith.constant 1.600000e+01 : f32
        %add3A_373 = vector.broadcast %add3A_372 : f32 to vector<16xf32>
        %add3A_374 = arith.addf %div3A_371, %add3A_373 : vector<16xf32>
        %convert_element_type3A_375 = arith.fptosi %add3A_374 : vector<16xf32> to vector<16xi32>
        %jit3A_376 = arith.constant 0 : i32
        %jit3A_377 = arith.constant 31 : i32
        %max3A_378 = vector.broadcast %jit3A_376 : i32 to vector<16xi32>
        %max3A_379 = arith.maxsi %max3A_378, %convert_element_type3A_375 : vector<16xi32>
        %min3A_380 = vector.broadcast %jit3A_377 : i32 to vector<16xi32>
        %min3A_381 = arith.minsi %min3A_380, %max3A_379 : vector<16xi32>
        %mul3A_382 = arith.constant 32 : i32
        %mul3A_383 = vector.broadcast %mul3A_382 : i32 to vector<16xi32>
        %mul3A_384 = arith.muli %min3A_381, %mul3A_383 : vector<16xi32>
        %get3A_385 = arith.index_cast %mul3A_367 : i32 to index
        %get3A_386 = tpu.vector_load %arg20[%get3A_385] {strides = array<i32>} : memref<2048xf32, #tpu.memory_space<vmem>>, vector<16xf32>,
        %sub3A_387 = arith.subf %get3A_386, %get3A_41 : vector<16xf32>
        %div3A_388 = arith.divf %sub3A_387, %get3A_37 : vector<16xf32>
        %add3A_389 = arith.constant 1.600000e+01 : f32
        %add3A_390 = vector.broadcast %add3A_389 : f32 to vector<16xf32>
        %add3A_391 = arith.addf %div3A_388, %add3A_390 : vector<16xf32>
        %convert_element_type3A_392 = arith.fptosi %add3A_391 : vector<16xf32> to vector<16xi32>
        %jit3A_393 = arith.constant 0 : i32
        %jit3A_394 = arith.constant 31 : i32
        %max3A_395 = vector.broadcast %jit3A_393 : i32 to vector<16xi32>
        %max3A_396 = arith.maxsi %max3A_395, %convert_element_type3A_392 : vector<16xi32>
        %min3A_397 = vector.broadcast %jit3A_394 : i32 to vector<16xi32>
        %min3A_398 = arith.minsi %min3A_397, %max3A_396 : vector<16xi32>
        %add3A_399 = arith.addi %mul3A_384, %min3A_398 : vector<16xi32>
        %mul3A_400 = arith.constant 32 : i32
        %mul3A_401 = vector.broadcast %mul3A_400 : i32 to vector<16xi32>
        %mul3A_402 = arith.muli %add3A_399, %mul3A_401 : vector<16xi32>
        %get3A_403 = arith.index_cast %mul3A_367 : i32 to index
        %get3A_404 = tpu.vector_load %arg21[%get3A_403] {strides = array<i32>} : memref<2048xf32, #tpu.memory_space<vmem>>, vector<16xf32>,
        %sub3A_405 = arith.subf %get3A_404, %get3A_43 : vector<16xf32>
        %div3A_406 = arith.divf %sub3A_405, %get3A_37 : vector<16xf32>
        %add3A_407 = arith.constant 1.600000e+01 : f32
        %add3A_408 = vector.broadcast %add3A_407 : f32 to vector<16xf32>
        %add3A_409 = arith.addf %div3A_406, %add3A_408 : vector<16xf32>
        %convert_element_type3A_410 = arith.fptosi %add3A_409 : vector<16xf32> to vector<16xi32>
        %jit3A_411 = arith.constant 0 : i32
        %jit3A_412 = arith.constant 31 : i32
        %max3A_413 = vector.broadcast %jit3A_411 : i32 to vector<16xi32>
        %max3A_414 = arith.maxsi %max3A_413, %convert_element_type3A_410 : vector<16xi32>
        %min3A_415 = vector.broadcast %jit3A_412 : i32 to vector<16xi32>
        %min3A_416 = arith.minsi %min3A_415, %max3A_414 : vector<16xi32>
        %add3A_417 = arith.addi %mul3A_402, %min3A_416 : vector<16xi32>
        %gather3A_418 = tpu.vector_load_idx %arg14[%add3A_417] : memref<32768xi32, #tpu.memory_space<vmem>>[vector<16xi32>], vector<16xi32>,
        %mul3A_419 = arith.constant 4 : i32
        %mul3A_420 = arith.muli %scan3A_250, %mul3A_419 : i32
        %add3A_421 = arith.constant 3 : i32
        %add3A_422 = arith.addi %mul3A_420, %add3A_421 : i32
        %mul3A_423 = arith.constant 16 : i32
        %mul3A_424 = arith.muli %add3A_422, %mul3A_423 : i32
        %get3A_425 = arith.index_cast %mul3A_424 : i32 to index
        %get3A_426 = tpu.vector_load %arg19[%get3A_425] {strides = array<i32>} : memref<2048xf32, #tpu.memory_space<vmem>>, vector<16xf32>,
        %sub3A_427 = arith.subf %get3A_426, %get3A_39 : vector<16xf32>
        %div3A_428 = arith.divf %sub3A_427, %get3A_37 : vector<16xf32>
        %add3A_429 = arith.constant 1.600000e+01 : f32
        %add3A_430 = vector.broadcast %add3A_429 : f32 to vector<16xf32>
        %add3A_431 = arith.addf %div3A_428, %add3A_430 : vector<16xf32>
        %convert_element_type3A_432 = arith.fptosi %add3A_431 : vector<16xf32> to vector<16xi32>
        %jit3A_433 = arith.constant 0 : i32
        %jit3A_434 = arith.constant 31 : i32
        %max3A_435 = vector.broadcast %jit3A_433 : i32 to vector<16xi32>
        %max3A_436 = arith.maxsi %max3A_435, %convert_element_type3A_432 : vector<16xi32>
        %min3A_437 = vector.broadcast %jit3A_434 : i32 to vector<16xi32>
        %min3A_438 = arith.minsi %min3A_437, %max3A_436 : vector<16xi32>
        %mul3A_439 = arith.constant 32 : i32
        %mul3A_440 = vector.broadcast %mul3A_439 : i32 to vector<16xi32>
        %mul3A_441 = arith.muli %min3A_438, %mul3A_440 : vector<16xi32>
        %get3A_442 = arith.index_cast %mul3A_424 : i32 to index
        %get3A_443 = tpu.vector_load %arg20[%get3A_442] {strides = array<i32>} : memref<2048xf32, #tpu.memory_space<vmem>>, vector<16xf32>,
        %sub3A_444 = arith.subf %get3A_443, %get3A_41 : vector<16xf32>
        %div3A_445 = arith.divf %sub3A_444, %get3A_37 : vector<16xf32>
        %add3A_446 = arith.constant 1.600000e+01 : f32
        %add3A_447 = vector.broadcast %add3A_446 : f32 to vector<16xf32>
        %add3A_448 = arith.addf %div3A_445, %add3A_447 : vector<16xf32>
        %convert_element_type3A_449 = arith.fptosi %add3A_448 : vector<16xf32> to vector<16xi32>
        %jit3A_450 = arith.constant 0 : i32
        %jit3A_451 = arith.constant 31 : i32
        %max3A_452 = vector.broadcast %jit3A_450 : i32 to vector<16xi32>
        %max3A_453 = arith.maxsi %max3A_452, %convert_element_type3A_449 : vector<16xi32>
        %min3A_454 = vector.broadcast %jit3A_451 : i32 to vector<16xi32>
        %min3A_455 = arith.minsi %min3A_454, %max3A_453 : vector<16xi32>
        %add3A_456 = arith.addi %mul3A_441, %min3A_455 : vector<16xi32>
        %mul3A_457 = arith.constant 32 : i32
        %mul3A_458 = vector.broadcast %mul3A_457 : i32 to vector<16xi32>
        %mul3A_459 = arith.muli %add3A_456, %mul3A_458 : vector<16xi32>
        %get3A_460 = arith.index_cast %mul3A_424 : i32 to index
        %get3A_461 = tpu.vector_load %arg21[%get3A_460] {strides = array<i32>} : memref<2048xf32, #tpu.memory_space<vmem>>, vector<16xf32>,
        %sub3A_462 = arith.subf %get3A_461, %get3A_43 : vector<16xf32>
        %div3A_463 = arith.divf %sub3A_462, %get3A_37 : vector<16xf32>
        %add3A_464 = arith.constant 1.600000e+01 : f32
        %add3A_465 = vector.broadcast %add3A_464 : f32 to vector<16xf32>
        %add3A_466 = arith.addf %div3A_463, %add3A_465 : vector<16xf32>
        %convert_element_type3A_467 = arith.fptosi %add3A_466 : vector<16xf32> to vector<16xi32>
        %jit3A_468 = arith.constant 0 : i32
        %jit3A_469 = arith.constant 31 : i32
        %max3A_470 = vector.broadcast %jit3A_468 : i32 to vector<16xi32>
        %max3A_471 = arith.maxsi %max3A_470, %convert_element_type3A_467 : vector<16xi32>
        %min3A_472 = vector.broadcast %jit3A_469 : i32 to vector<16xi32>
        %min3A_473 = arith.minsi %min3A_472, %max3A_471 : vector<16xi32>
        %add3A_474 = arith.addi %mul3A_459, %min3A_473 : vector<16xi32>
        %gather3A_475 = tpu.vector_load_idx %arg14[%add3A_474] : memref<32768xi32, #tpu.memory_space<vmem>>[vector<16xi32>], vector<16xi32>,
        %broadcast_in_dim3A_476 = arith.constant true
        %broadcast_in_dim3A_477 = vector.broadcast %broadcast_in_dim3A_476 : i1 to vector<16xi1>
        %unique3A, %unique3A_478 = tpu.scan_count mask(%broadcast_in_dim3A_477 : vector<16xi1>) value(%gather3A : vector<16xi32>) : vector<16xi1>, vector<16xi32>
        tpu.vector_store_idx %arg15[%gather3A], %unique3A_478 masked %unique3A {add = true} : memref<32768xi32, #tpu.memory_space<vmem>>[vector<16xi32>], vector<16xi32>, vector<16xi1>
        %mul3A_479 = arith.constant 4 : i32
        %mul3A_480 = arith.muli %scan3A_250, %mul3A_479 : i32
        %add3A_481 = arith.constant 0 : i32
        %add3A_482 = arith.addi %mul3A_480, %add3A_481 : i32
        %mul3A_483 = arith.constant 16 : i32
        %mul3A_484 = arith.muli %add3A_482, %mul3A_483 : i32
        %swap3A = arith.index_cast %mul3A_484 : i32 to index
        %swap3A_485 = tpu.vector_load %arg27[%swap3A] {strides = array<i32>} : memref<2048xi32, #tpu.memory_space<vmem>>, vector<16xi32>,
        tpu.vector_store %arg27[%swap3A], %gather3A {strides = array<i32>} : memref<2048xi32, #tpu.memory_space<vmem>>, vector<16xi32>,
        %broadcast_in_dim3A_486 = arith.constant true
        %broadcast_in_dim3A_487 = vector.broadcast %broadcast_in_dim3A_486 : i1 to vector<16xi1>
        %unique3A_488, %unique3A_489 = tpu.scan_count mask(%broadcast_in_dim3A_487 : vector<16xi1>) value(%gather3A_361 : vector<16xi32>) : vector<16xi1>, vector<16xi32>
        tpu.vector_store_idx %arg15[%gather3A_361], %unique3A_489 masked %unique3A_488 {add = true} : memref<32768xi32, #tpu.memory_space<vmem>>[vector<16xi32>], vector<16xi32>, vector<16xi1>
        %mul3A_490 = arith.constant 4 : i32
        %mul3A_491 = arith.muli %scan3A_250, %mul3A_490 : i32
        %add3A_492 = arith.constant 1 : i32
        %add3A_493 = arith.addi %mul3A_491, %add3A_492 : i32
        %mul3A_494 = arith.constant 16 : i32
        %mul3A_495 = arith.muli %add3A_493, %mul3A_494 : i32
        %swap3A_496 = arith.index_cast %mul3A_495 : i32 to index
        %swap3A_497 = tpu.vector_load %arg27[%swap3A_496] {strides = array<i32>} : memref<2048xi32, #tpu.memory_space<vmem>>, vector<16xi32>,
        tpu.vector_store %arg27[%swap3A_496], %gather3A_361 {strides = array<i32>} : memref<2048xi32, #tpu.memory_space<vmem>>, vector<16xi32>,
        %broadcast_in_dim3A_498 = arith.constant true
        %broadcast_in_dim3A_499 = vector.broadcast %broadcast_in_dim3A_498 : i1 to vector<16xi1>
        %unique3A_500, %unique3A_501 = tpu.scan_count mask(%broadcast_in_dim3A_499 : vector<16xi1>) value(%gather3A_418 : vector<16xi32>) : vector<16xi1>, vector<16xi32>
        tpu.vector_store_idx %arg15[%gather3A_418], %unique3A_501 masked %unique3A_500 {add = true} : memref<32768xi32, #tpu.memory_space<vmem>>[vector<16xi32>], vector<16xi32>, vector<16xi1>
        %mul3A_502 = arith.constant 4 : i32
        %mul3A_503 = arith.muli %scan3A_250, %mul3A_502 : i32
        %add3A_504 = arith.constant 2 : i32
        %add3A_505 = arith.addi %mul3A_503, %add3A_504 : i32
        %mul3A_506 = arith.constant 16 : i32
        %mul3A_507 = arith.muli %add3A_505, %mul3A_506 : i32
        %swap3A_508 = arith.index_cast %mul3A_507 : i32 to index
        %swap3A_509 = tpu.vector_load %arg27[%swap3A_508] {strides = array<i32>} : memref<2048xi32, #tpu.memory_space<vmem>>, vector<16xi32>,
        tpu.vector_store %arg27[%swap3A_508], %gather3A_418 {strides = array<i32>} : memref<2048xi32, #tpu.memory_space<vmem>>, vector<16xi32>,
        %broadcast_in_dim3A_510 = arith.constant true
        %broadcast_in_dim3A_511 = vector.broadcast %broadcast_in_dim3A_510 : i1 to vector<16xi1>
        %unique3A_512, %unique3A_513 = tpu.scan_count mask(%broadcast_in_dim3A_511 : vector<16xi1>) value(%gather3A_475 : vector<16xi32>) : vector<16xi1>, vector<16xi32>
        tpu.vector_store_idx %arg15[%gather3A_475], %unique3A_513 masked %unique3A_512 {add = true} : memref<32768xi32, #tpu.memory_space<vmem>>[vector<16xi32>], vector<16xi32>, vector<16xi1>
        %mul3A_514 = arith.constant 4 : i32
        %mul3A_515 = arith.muli %scan3A_250, %mul3A_514 : i32
        %add3A_516 = arith.constant 3 : i32
        %add3A_517 = arith.addi %mul3A_515, %add3A_516 : i32
        %mul3A_518 = arith.constant 16 : i32
        %mul3A_519 = arith.muli %add3A_517, %mul3A_518 : i32
        %swap3A_520 = arith.index_cast %mul3A_519 : i32 to index
        %swap3A_521 = tpu.vector_load %arg27[%swap3A_520] {strides = array<i32>} : memref<2048xi32, #tpu.memory_space<vmem>>, vector<16xi32>,
        tpu.vector_store %arg27[%swap3A_520], %gather3A_475 {strides = array<i32>} : memref<2048xi32, #tpu.memory_space<vmem>>, vector<16xi32>,
      }
      %scan3A_244 = arith.constant 32 : i32
      %mul3A_245 = arith.constant 2048 : i32
      %mul3A_246 = arith.muli %add3A_214, %mul3A_245 : i32
      %add3A_247 = arith.addi %add3A_35, %mul3A_246 : i32
      %dma_start3A_248 = tpu.memref_slice %arg13[%add3A_247] : memref<1048576xi32, #tpu.memory_space<hbm>> -> memref<2048xi32, #tpu.memory_space<hbm>>
      %dma_start3A_249 = tpu.memref_slice %arg13[%add3A_247] : memref<1048576xi32, #tpu.memory_space<hbm>> -> memref<2048xi32, #tpu.memory_space<hbm>>
      tpu.enqueue_dma source(%arg27 : memref<2048xi32, #tpu.memory_space<vmem>>) target(%dma_start3A_249 : memref<2048xi32, #tpu.memory_space<hbm>>) target_semaphore(%arg35 : memref<!tpu.dma_semaphore, #tpu.memory_space<semaphore_mem>>)
    }
    %scan3A_61 = arith.constant 8 : i32
    %dma_wait3A = arith.constant 0 : i32
    %dma_wait3A_62 = tpu.memref_slice %arg13[%dma_wait3A] : memref<1048576xi32, #tpu.memory_space<hbm>> -> memref<2048xi32, #tpu.memory_space<hbm>>
    %dma_wait3A_63 = arith.constant 0 : i32
    %dma_wait3A_64 = tpu.memref_slice %arg13[%dma_wait3A_63] : memref<1048576xi32, #tpu.memory_space<hbm>> -> memref<2048xi32, #tpu.memory_space<hbm>>
    tpu.wait_dma2 semaphore(%arg34 : memref<!tpu.dma_semaphore, #tpu.memory_space<semaphore_mem>>) src(%arg26 : memref<2048xi32, #tpu.memory_space<vmem>>) dst(%dma_wait3A_64 : memref<2048xi32, #tpu.memory_space<hbm>>)
    %dma_wait3A_65 = arith.constant 0 : i32
    %dma_wait3A_66 = tpu.memref_slice %arg13[%dma_wait3A_65] : memref<1048576xi32, #tpu.memory_space<hbm>> -> memref<2048xi32, #tpu.memory_space<hbm>>
    %dma_wait3A_67 = arith.constant 0 : i32
    %dma_wait3A_68 = tpu.memref_slice %arg13[%dma_wait3A_67] : memref<1048576xi32, #tpu.memory_space<hbm>> -> memref<2048xi32, #tpu.memory_space<hbm>>
    tpu.wait_dma2 semaphore(%arg35 : memref<!tpu.dma_semaphore, #tpu.memory_space<semaphore_mem>>) src(%arg27 : memref<2048xi32, #tpu.memory_space<vmem>>) dst(%dma_wait3A_68 : memref<2048xi32, #tpu.memory_space<hbm>>)
    %mul3A_69 = arith.constant 16 : i32
    %mul3A_70 = arith.muli %arg0, %mul3A_69 : i32
    %add3A_71 = arith.addi %mul3A_70, %arg1 : i32
    "tpu.region"() ({
      %run_scoped3A = tpu.sem_alloc : memref<!tpu.dma_semaphore, #tpu.memory_space<semaphore_mem>>
      %dma_start3A_174 = arith.constant 0 : i32
      %dma_start3A_175 = tpu.memref_slice %arg12[%add3A_71, %dma_start3A_174] : memref<32x32768xi32, #tpu.memory_space<hbm>> -> memref<1x32768xi32, #tpu.memory_space<hbm>>
      %dma_start3A_176 = tpu.memref_squeeze %dma_start3A_175 : memref<1x32768xi32, #tpu.memory_space<hbm>> -> memref<32768xi32, #tpu.memory_space<hbm>>
      %dma_start3A_177 = arith.constant 0 : i32
      %dma_start3A_178 = tpu.memref_slice %arg12[%add3A_71, %dma_start3A_177] : memref<32x32768xi32, #tpu.memory_space<hbm>> -> memref<1x32768xi32, #tpu.memory_space<hbm>>
      %dma_start3A_179 = tpu.memref_squeeze %dma_start3A_178 : memref<1x32768xi32, #tpu.memory_space<hbm>> -> memref<32768xi32, #tpu.memory_space<hbm>>
      tpu.enqueue_dma source(%arg15 : memref<32768xi32, #tpu.memory_space<vmem>>) target(%dma_start3A_179 : memref<32768xi32, #tpu.memory_space<hbm>>) target_semaphore(%run_scoped3A : memref<!tpu.dma_semaphore, #tpu.memory_space<semaphore_mem>>)
      %dma_wait3A_180 = arith.constant 0 : i32
      %dma_wait3A_181 = tpu.memref_slice %arg12[%add3A_71, %dma_wait3A_180] : memref<32x32768xi32, #tpu.memory_space<hbm>> -> memref<1x32768xi32, #tpu.memory_space<hbm>>
      %dma_wait3A_182 = tpu.memref_squeeze %dma_wait3A_181 : memref<1x32768xi32, #tpu.memory_space<hbm>> -> memref<32768xi32, #tpu.memory_space<hbm>>
      %dma_wait3A_183 = arith.constant 0 : i32
      %dma_wait3A_184 = tpu.memref_slice %arg12[%add3A_71, %dma_wait3A_183] : memref<32x32768xi32, #tpu.memory_space<hbm>> -> memref<1x32768xi32, #tpu.memory_space<hbm>>
      %dma_wait3A_185 = tpu.memref_squeeze %dma_wait3A_184 : memref<1x32768xi32, #tpu.memory_space<hbm>> -> memref<32768xi32, #tpu.memory_space<hbm>>
      tpu.wait_dma2 semaphore(%run_scoped3A : memref<!tpu.dma_semaphore, #tpu.memory_space<semaphore_mem>>) src(%arg15 : memref<32768xi32, #tpu.memory_space<vmem>>) dst(%dma_wait3A_185 : memref<32768xi32, #tpu.memory_space<hbm>>)
      tpu.yield
    }) : () -> ()
    %barrier3A = arith.constant 0 : index
    tpu.barrier barrier_id(%barrier3A)
    %broadcast_in_dim3A_72 = vector.broadcast %select_n3A_28 : i32 to vector<16xi32>
    %mul3A_73 = arith.constant 16 : i32
    %mul3A_74 = arith.muli %arg0, %mul3A_73 : i32
    %xor3A = arith.constant 1 : i32
    %xor3A_75 = arith.xori %arg1, %xor3A : i32
    %add3A_76 = arith.addi %mul3A_74, %xor3A_75 : i32
    %dma_start3A_77 = arith.constant 0 : i32
    %dma_start3A_78 = tpu.memref_slice %arg12[%add3A_76, %dma_start3A_77] : memref<32x32768xi32, #tpu.memory_space<hbm>> -> memref<1x2048xi32, #tpu.memory_space<hbm>>
    %dma_start3A_79 = tpu.memref_squeeze %dma_start3A_78 : memref<1x2048xi32, #tpu.memory_space<hbm>> -> memref<2048xi32, #tpu.memory_space<hbm>>
    %dma_start3A_80 = arith.constant 0 : i32
    %dma_start3A_81 = tpu.memref_slice %arg12[%add3A_76, %dma_start3A_80] : memref<32x32768xi32, #tpu.memory_space<hbm>> -> memref<1x2048xi32, #tpu.memory_space<hbm>>
    %dma_start3A_82 = tpu.memref_squeeze %dma_start3A_81 : memref<1x2048xi32, #tpu.memory_space<hbm>> -> memref<2048xi32, #tpu.memory_space<hbm>>
    tpu.enqueue_dma source(%dma_start3A_82 : memref<2048xi32, #tpu.memory_space<hbm>>) target(%arg24 : memref<2048xi32, #tpu.memory_space<vmem>>) target_semaphore(%arg32 : memref<!tpu.dma_semaphore, #tpu.memory_space<semaphore_mem>>)
    %mul3A_83 = arith.constant 65536 : i32
    %mul3A_84 = arith.muli %select_n3A, %mul3A_83 : i32
    %scan3A_85 = arith.constant 0 : i32
    %scan3A_86 = arith.constant 8 : i32
    %scan3A_87 = arith.addi %scan3A_85, %scan3A_86 : i32
    %scan3A_88 = arith.constant 1 : i32
    %scan3A_89 = scf.for %scan3A_174 = %scan3A_85 to %scan3A_87 step %scan3A_88 iter_args(%scan3A_175 = %mul3A_84) -> (i32)  : i32 {
      %mul3A_176 = arith.constant 2 : i32
      %mul3A_177 = arith.muli %scan3A_174, %mul3A_176 : i32
      %add3A_178 = arith.constant 0 : i32
      %add3A_179 = arith.addi %mul3A_177, %add3A_178 : i32
      %add3A_180 = arith.constant 1 : i32
      %add3A_181 = arith.addi %add3A_179, %add3A_180 : i32
      %lt3A_182 = arith.constant 16 : i32
      %lt3A_183 = arith.cmpi slt, %add3A_181, %lt3A_182 : i32
      %convert_element_type3A = arith.extui %lt3A_183 : i1 to i32
      %cond3A = arith.constant 0 : i32
      %cond3A_184 = arith.cmpi ne, %convert_element_type3A, %cond3A : i32
      scf.if %cond3A_184 {
        %add3A_222 = arith.constant 1 : i32
        %add3A_223 = arith.addi %add3A_179, %add3A_222 : i32
        %mul3A_224 = arith.constant 16 : i32
        %mul3A_225 = arith.muli %arg0, %mul3A_224 : i32
        %xor3A_226 = arith.constant 1 : i32
        %xor3A_227 = arith.xori %arg1, %xor3A_226 : i32
        %add3A_228 = arith.addi %mul3A_225, %xor3A_227 : i32
        %mul3A_229 = arith.constant 2048 : i32
        %mul3A_230 = arith.muli %add3A_223, %mul3A_229 : i32
        %dma_start3A_231 = tpu.memref_slice %arg12[%add3A_228, %mul3A_230] : memref<32x32768xi32, #tpu.memory_space<hbm>> -> memref<1x2048xi32, #tpu.memory_space<hbm>>
        %dma_start3A_232 = tpu.memref_squeeze %dma_start3A_231 : memref<1x2048xi32, #tpu.memory_space<hbm>> -> memref<2048xi32, #tpu.memory_space<hbm>>
        %dma_start3A_233 = tpu.memref_slice %arg12[%add3A_228, %mul3A_230] : memref<32x32768xi32, #tpu.memory_space<hbm>> -> memref<1x2048xi32, #tpu.memory_space<hbm>>
        %dma_start3A_234 = tpu.memref_squeeze %dma_start3A_233 : memref<1x2048xi32, #tpu.memory_space<hbm>> -> memref<2048xi32, #tpu.memory_space<hbm>>
        tpu.enqueue_dma source(%dma_start3A_234 : memref<2048xi32, #tpu.memory_space<hbm>>) target(%arg25 : memref<2048xi32, #tpu.memory_space<vmem>>) target_semaphore(%arg33 : memref<!tpu.dma_semaphore, #tpu.memory_space<semaphore_mem>>)
      } else {
      }
      %dma_wait3A_185 = arith.constant 0 : i32
      %dma_wait3A_186 = arith.constant 0 : i32
      %dma_wait3A_187 = tpu.memref_slice %arg12[%dma_wait3A_185, %dma_wait3A_186] : memref<32x32768xi32, #tpu.memory_space<hbm>> -> memref<1x2048xi32, #tpu.memory_space<hbm>>
      %dma_wait3A_188 = tpu.memref_squeeze %dma_wait3A_187 : memref<1x2048xi32, #tpu.memory_space<hbm>> -> memref<2048xi32, #tpu.memory_space<hbm>>
      %dma_wait3A_189 = arith.constant 0 : i32
      %dma_wait3A_190 = tpu.memref_slice %arg12[%dma_wait3A_185, %dma_wait3A_189] : memref<32x32768xi32, #tpu.memory_space<hbm>> -> memref<1x2048xi32, #tpu.memory_space<hbm>>
      %dma_wait3A_191 = tpu.memref_squeeze %dma_wait3A_190 : memref<1x2048xi32, #tpu.memory_space<hbm>> -> memref<2048xi32, #tpu.memory_space<hbm>>
      tpu.wait_dma2 semaphore(%arg32 : memref<!tpu.dma_semaphore, #tpu.memory_space<semaphore_mem>>) src(%dma_wait3A_191 : memref<2048xi32, #tpu.memory_space<hbm>>) dst(%arg24 : memref<2048xi32, #tpu.memory_space<vmem>>)
      %scan3A_192 = arith.constant 0 : i32
      %scan3A_193 = arith.constant 32 : i32
      %scan3A_194 = arith.addi %scan3A_192, %scan3A_193 : i32
      %scan3A_195 = arith.constant 1 : i32
      %scan3A_196 = scf.for %scan3A_222 = %scan3A_192 to %scan3A_194 step %scan3A_195 iter_args(%scan3A_223 = %scan3A_175) -> (i32)  : i32 {
        %mul3A_224 = arith.constant 2048 : i32
        %mul3A_225 = arith.muli %add3A_179, %mul3A_224 : i32
        %mul3A_226 = arith.constant 4 : i32
        %mul3A_227 = arith.muli %scan3A_222, %mul3A_226 : i32
        %add3A_228 = arith.constant 0 : i32
        %add3A_229 = arith.addi %mul3A_227, %add3A_228 : i32
        %mul3A_230 = arith.constant 16 : i32
        %mul3A_231 = arith.muli %add3A_229, %mul3A_230 : i32
        %add3A_232 = arith.addi %mul3A_225, %mul3A_231 : i32
        %get3A_233 = arith.index_cast %add3A_232 : i32 to index
        %get3A_234 = tpu.vector_load %arg15[%get3A_233] {strides = array<i32>} : memref<32768xi32, #tpu.memory_space<vmem>>, vector<16xi32>,
        %mul3A_235 = arith.constant 4 : i32
        %mul3A_236 = arith.muli %scan3A_222, %mul3A_235 : i32
        %add3A_237 = arith.constant 0 : i32
        %add3A_238 = arith.addi %mul3A_236, %add3A_237 : i32
        %mul3A_239 = arith.constant 16 : i32
        %mul3A_240 = arith.muli %add3A_238, %mul3A_239 : i32
        %get3A_241 = arith.index_cast %mul3A_240 : i32 to index
        %get3A_242 = tpu.vector_load %arg24[%get3A_241] {strides = array<i32>} : memref<2048xi32, #tpu.memory_space<vmem>>, vector<16xi32>,
        %eq3A_243 = arith.constant 0 : i32
        %eq3A_244 = vector.broadcast %eq3A_243 : i32 to vector<16xi32>
        %eq3A_245 = arith.cmpi eq, %broadcast_in_dim3A_72, %eq3A_244 : vector<16xi32>
        %select_n3A_246 = arith.select %eq3A_245, %get3A_234, %get3A_242 : vector<16xi1>, vector<16xi32>
        %add3A_247 = arith.addi %get3A_234, %get3A_242 : vector<16xi32>
        %broadcast_in_dim3A_248 = arith.constant true
        %broadcast_in_dim3A_249 = vector.broadcast %broadcast_in_dim3A_248 : i1 to vector<16xi1>
        %masked_cumsum3A = tpu.scan <sum>, %add3A_247 masked %broadcast_in_dim3A_249 : vector<16xi32>, vector<16xi1> -> vector<16xi32>
        %sub3A_250 = arith.subi %masked_cumsum3A, %add3A_247 : vector<16xi32>
        %add3A_251 = vector.broadcast %scan3A_223 : i32 to vector<16xi32>
        %add3A_252 = arith.addi %sub3A_250, %add3A_251 : vector<16xi32>
        %eq3A_253 = arith.constant 0 : i32
        %eq3A_254 = vector.broadcast %eq3A_253 : i32 to vector<16xi32>
        %eq3A_255 = arith.cmpi eq, %broadcast_in_dim3A_72, %eq3A_254 : vector<16xi32>
        %select_n3A_256 = arith.select %eq3A_255, %broadcast_in_dim3A_36, %select_n3A_246 : vector<16xi1>, vector<16xi32>
        %add3A_257 = arith.addi %add3A_252, %select_n3A_256 : vector<16xi32>
        %swap3A = arith.index_cast %add3A_232 : i32 to index
        %swap3A_258 = tpu.vector_load %arg15[%swap3A] {strides = array<i32>} : memref<32768xi32, #tpu.memory_space<vmem>>, vector<16xi32>,
        tpu.vector_store %arg15[%swap3A], %add3A_257 {strides = array<i32>} : memref<32768xi32, #tpu.memory_space<vmem>>, vector<16xi32>,
        %reduce_sum3A = arith.constant true
        %reduce_sum3A_259 = vector.broadcast %reduce_sum3A : i1 to vector<16xi1>
        %reduce_sum3A_260 = tpu.scan <sum>, %add3A_247 masked %reduce_sum3A_259 : vector<16xi32>, vector<16xi1> -> vector<16xi32>
        %reduce_sum3A_261 = vector.extract %reduce_sum3A_260[15] : i32 from vector<16xi32>
        %add3A_262 = arith.addi %scan3A_223, %reduce_sum3A_261 : i32
        %mul3A_263 = arith.constant 2048 : i32
        %mul3A_264 = arith.muli %add3A_179, %mul3A_263 : i32
        %mul3A_265 = arith.constant 4 : i32
        %mul3A_266 = arith.muli %scan3A_222, %mul3A_265 : i32
        %add3A_267 = arith.constant 1 : i32
        %add3A_268 = arith.addi %mul3A_266, %add3A_267 : i32
        %mul3A_269 = arith.constant 16 : i32
        %mul3A_270 = arith.muli %add3A_268, %mul3A_269 : i32
        %add3A_271 = arith.addi %mul3A_264, %mul3A_270 : i32
        %get3A_272 = arith.index_cast %add3A_271 : i32 to index
        %get3A_273 = tpu.vector_load %arg15[%get3A_272] {strides = array<i32>} : memref<32768xi32, #tpu.memory_space<vmem>>, vector<16xi32>,
        %mul3A_274 = arith.constant 4 : i32
        %mul3A_275 = arith.muli %scan3A_222, %mul3A_274 : i32
        %add3A_276 = arith.constant 1 : i32
        %add3A_277 = arith.addi %mul3A_275, %add3A_276 : i32
        %mul3A_278 = arith.constant 16 : i32
        %mul3A_279 = arith.muli %add3A_277, %mul3A_278 : i32
        %get3A_280 = arith.index_cast %mul3A_279 : i32 to index
        %get3A_281 = tpu.vector_load %arg24[%get3A_280] {strides = array<i32>} : memref<2048xi32, #tpu.memory_space<vmem>>, vector<16xi32>,
        %eq3A_282 = arith.constant 0 : i32
        %eq3A_283 = vector.broadcast %eq3A_282 : i32 to vector<16xi32>
        %eq3A_284 = arith.cmpi eq, %broadcast_in_dim3A_72, %eq3A_283 : vector<16xi32>
        %select_n3A_285 = arith.select %eq3A_284, %get3A_273, %get3A_281 : vector<16xi1>, vector<16xi32>
        %add3A_286 = arith.addi %get3A_273, %get3A_281 : vector<16xi32>
        %broadcast_in_dim3A_287 = arith.constant true
        %broadcast_in_dim3A_288 = vector.broadcast %broadcast_in_dim3A_287 : i1 to vector<16xi1>
        %masked_cumsum3A_289 = tpu.scan <sum>, %add3A_286 masked %broadcast_in_dim3A_288 : vector<16xi32>, vector<16xi1> -> vector<16xi32>
        %sub3A_290 = arith.subi %masked_cumsum3A_289, %add3A_286 : vector<16xi32>
        %add3A_291 = vector.broadcast %add3A_262 : i32 to vector<16xi32>
        %add3A_292 = arith.addi %sub3A_290, %add3A_291 : vector<16xi32>
        %eq3A_293 = arith.constant 0 : i32
        %eq3A_294 = vector.broadcast %eq3A_293 : i32 to vector<16xi32>
        %eq3A_295 = arith.cmpi eq, %broadcast_in_dim3A_72, %eq3A_294 : vector<16xi32>
        %select_n3A_296 = arith.select %eq3A_295, %broadcast_in_dim3A_36, %select_n3A_285 : vector<16xi1>, vector<16xi32>
        %add3A_297 = arith.addi %add3A_292, %select_n3A_296 : vector<16xi32>
        %swap3A_298 = arith.index_cast %add3A_271 : i32 to index
        %swap3A_299 = tpu.vector_load %arg15[%swap3A_298] {strides = array<i32>} : memref<32768xi32, #tpu.memory_space<vmem>>, vector<16xi32>,
        tpu.vector_store %arg15[%swap3A_298], %add3A_297 {strides = array<i32>} : memref<32768xi32, #tpu.memory_space<vmem>>, vector<16xi32>,
        %reduce_sum3A_300 = arith.constant true
        %reduce_sum3A_301 = vector.broadcast %reduce_sum3A_300 : i1 to vector<16xi1>
        %reduce_sum3A_302 = tpu.scan <sum>, %add3A_286 masked %reduce_sum3A_301 : vector<16xi32>, vector<16xi1> -> vector<16xi32>
        %reduce_sum3A_303 = vector.extract %reduce_sum3A_302[15] : i32 from vector<16xi32>
        %add3A_304 = arith.addi %add3A_262, %reduce_sum3A_303 : i32
        %mul3A_305 = arith.constant 2048 : i32
        %mul3A_306 = arith.muli %add3A_179, %mul3A_305 : i32
        %mul3A_307 = arith.constant 4 : i32
        %mul3A_308 = arith.muli %scan3A_222, %mul3A_307 : i32
        %add3A_309 = arith.constant 2 : i32
        %add3A_310 = arith.addi %mul3A_308, %add3A_309 : i32
        %mul3A_311 = arith.constant 16 : i32
        %mul3A_312 = arith.muli %add3A_310, %mul3A_311 : i32
        %add3A_313 = arith.addi %mul3A_306, %mul3A_312 : i32
        %get3A_314 = arith.index_cast %add3A_313 : i32 to index
        %get3A_315 = tpu.vector_load %arg15[%get3A_314] {strides = array<i32>} : memref<32768xi32, #tpu.memory_space<vmem>>, vector<16xi32>,
        %mul3A_316 = arith.constant 4 : i32
        %mul3A_317 = arith.muli %scan3A_222, %mul3A_316 : i32
        %add3A_318 = arith.constant 2 : i32
        %add3A_319 = arith.addi %mul3A_317, %add3A_318 : i32
        %mul3A_320 = arith.constant 16 : i32
        %mul3A_321 = arith.muli %add3A_319, %mul3A_320 : i32
        %get3A_322 = arith.index_cast %mul3A_321 : i32 to index
        %get3A_323 = tpu.vector_load %arg24[%get3A_322] {strides = array<i32>} : memref<2048xi32, #tpu.memory_space<vmem>>, vector<16xi32>,
        %eq3A_324 = arith.constant 0 : i32
        %eq3A_325 = vector.broadcast %eq3A_324 : i32 to vector<16xi32>
        %eq3A_326 = arith.cmpi eq, %broadcast_in_dim3A_72, %eq3A_325 : vector<16xi32>
        %select_n3A_327 = arith.select %eq3A_326, %get3A_315, %get3A_323 : vector<16xi1>, vector<16xi32>
        %add3A_328 = arith.addi %get3A_315, %get3A_323 : vector<16xi32>
        %broadcast_in_dim3A_329 = arith.constant true
        %broadcast_in_dim3A_330 = vector.broadcast %broadcast_in_dim3A_329 : i1 to vector<16xi1>
        %masked_cumsum3A_331 = tpu.scan <sum>, %add3A_328 masked %broadcast_in_dim3A_330 : vector<16xi32>, vector<16xi1> -> vector<16xi32>
        %sub3A_332 = arith.subi %masked_cumsum3A_331, %add3A_328 : vector<16xi32>
        %add3A_333 = vector.broadcast %add3A_304 : i32 to vector<16xi32>
        %add3A_334 = arith.addi %sub3A_332, %add3A_333 : vector<16xi32>
        %eq3A_335 = arith.constant 0 : i32
        %eq3A_336 = vector.broadcast %eq3A_335 : i32 to vector<16xi32>
        %eq3A_337 = arith.cmpi eq, %broadcast_in_dim3A_72, %eq3A_336 : vector<16xi32>
        %select_n3A_338 = arith.select %eq3A_337, %broadcast_in_dim3A_36, %select_n3A_327 : vector<16xi1>, vector<16xi32>
        %add3A_339 = arith.addi %add3A_334, %select_n3A_338 : vector<16xi32>
        %swap3A_340 = arith.index_cast %add3A_313 : i32 to index
        %swap3A_341 = tpu.vector_load %arg15[%swap3A_340] {strides = array<i32>} : memref<32768xi32, #tpu.memory_space<vmem>>, vector<16xi32>,
        tpu.vector_store %arg15[%swap3A_340], %add3A_339 {strides = array<i32>} : memref<32768xi32, #tpu.memory_space<vmem>>, vector<16xi32>,
        %reduce_sum3A_342 = arith.constant true
        %reduce_sum3A_343 = vector.broadcast %reduce_sum3A_342 : i1 to vector<16xi1>
        %reduce_sum3A_344 = tpu.scan <sum>, %add3A_328 masked %reduce_sum3A_343 : vector<16xi32>, vector<16xi1> -> vector<16xi32>
        %reduce_sum3A_345 = vector.extract %reduce_sum3A_344[15] : i32 from vector<16xi32>
        %add3A_346 = arith.addi %add3A_304, %reduce_sum3A_345 : i32
        %mul3A_347 = arith.constant 2048 : i32
        %mul3A_348 = arith.muli %add3A_179, %mul3A_347 : i32
        %mul3A_349 = arith.constant 4 : i32
        %mul3A_350 = arith.muli %scan3A_222, %mul3A_349 : i32
        %add3A_351 = arith.constant 3 : i32
        %add3A_352 = arith.addi %mul3A_350, %add3A_351 : i32
        %mul3A_353 = arith.constant 16 : i32
        %mul3A_354 = arith.muli %add3A_352, %mul3A_353 : i32
        %add3A_355 = arith.addi %mul3A_348, %mul3A_354 : i32
        %get3A_356 = arith.index_cast %add3A_355 : i32 to index
        %get3A_357 = tpu.vector_load %arg15[%get3A_356] {strides = array<i32>} : memref<32768xi32, #tpu.memory_space<vmem>>, vector<16xi32>,
        %mul3A_358 = arith.constant 4 : i32
        %mul3A_359 = arith.muli %scan3A_222, %mul3A_358 : i32
        %add3A_360 = arith.constant 3 : i32
        %add3A_361 = arith.addi %mul3A_359, %add3A_360 : i32
        %mul3A_362 = arith.constant 16 : i32
        %mul3A_363 = arith.muli %add3A_361, %mul3A_362 : i32
        %get3A_364 = arith.index_cast %mul3A_363 : i32 to index
        %get3A_365 = tpu.vector_load %arg24[%get3A_364] {strides = array<i32>} : memref<2048xi32, #tpu.memory_space<vmem>>, vector<16xi32>,
        %eq3A_366 = arith.constant 0 : i32
        %eq3A_367 = vector.broadcast %eq3A_366 : i32 to vector<16xi32>
        %eq3A_368 = arith.cmpi eq, %broadcast_in_dim3A_72, %eq3A_367 : vector<16xi32>
        %select_n3A_369 = arith.select %eq3A_368, %get3A_357, %get3A_365 : vector<16xi1>, vector<16xi32>
        %add3A_370 = arith.addi %get3A_357, %get3A_365 : vector<16xi32>
        %broadcast_in_dim3A_371 = arith.constant true
        %broadcast_in_dim3A_372 = vector.broadcast %broadcast_in_dim3A_371 : i1 to vector<16xi1>
        %masked_cumsum3A_373 = tpu.scan <sum>, %add3A_370 masked %broadcast_in_dim3A_372 : vector<16xi32>, vector<16xi1> -> vector<16xi32>
        %sub3A_374 = arith.subi %masked_cumsum3A_373, %add3A_370 : vector<16xi32>
        %add3A_375 = vector.broadcast %add3A_346 : i32 to vector<16xi32>
        %add3A_376 = arith.addi %sub3A_374, %add3A_375 : vector<16xi32>
        %eq3A_377 = arith.constant 0 : i32
        %eq3A_378 = vector.broadcast %eq3A_377 : i32 to vector<16xi32>
        %eq3A_379 = arith.cmpi eq, %broadcast_in_dim3A_72, %eq3A_378 : vector<16xi32>
        %select_n3A_380 = arith.select %eq3A_379, %broadcast_in_dim3A_36, %select_n3A_369 : vector<16xi1>, vector<16xi32>
        %add3A_381 = arith.addi %add3A_376, %select_n3A_380 : vector<16xi32>
        %swap3A_382 = arith.index_cast %add3A_355 : i32 to index
        %swap3A_383 = tpu.vector_load %arg15[%swap3A_382] {strides = array<i32>} : memref<32768xi32, #tpu.memory_space<vmem>>, vector<16xi32>,
        tpu.vector_store %arg15[%swap3A_382], %add3A_381 {strides = array<i32>} : memref<32768xi32, #tpu.memory_space<vmem>>, vector<16xi32>,
        %reduce_sum3A_384 = arith.constant true
        %reduce_sum3A_385 = vector.broadcast %reduce_sum3A_384 : i1 to vector<16xi1>
        %reduce_sum3A_386 = tpu.scan <sum>, %add3A_370 masked %reduce_sum3A_385 : vector<16xi32>, vector<16xi1> -> vector<16xi32>
        %reduce_sum3A_387 = vector.extract %reduce_sum3A_386[15] : i32 from vector<16xi32>
        %add3A_388 = arith.addi %add3A_346, %reduce_sum3A_387 : i32
        scf.yield %add3A_388 : i32
      }
      %scan3A_197 = arith.constant 32 : i32
      %mul3A_198 = arith.constant 2 : i32
      %mul3A_199 = arith.muli %scan3A_174, %mul3A_198 : i32
      %add3A_200 = arith.constant 1 : i32
      %add3A_201 = arith.addi %mul3A_199, %add3A_200 : i32
      %add3A_202 = arith.constant 1 : i32
      %add3A_203 = arith.addi %add3A_201, %add3A_202 : i32
      %lt3A_204 = arith.constant 16 : i32
      %lt3A_205 = arith.cmpi slt, %add3A_203, %lt3A_204 : i32
      %convert_element_type3A_206 = arith.extui %lt3A_205 : i1 to i32
      %cond3A_207 = arith.constant 0 : i32
      %cond3A_208 = arith.cmpi ne, %convert_element_type3A_206, %cond3A_207 : i32
      scf.if %cond3A_208 {
        %add3A_222 = arith.constant 1 : i32
        %add3A_223 = arith.addi %add3A_201, %add3A_222 : i32
        %mul3A_224 = arith.constant 16 : i32
        %mul3A_225 = arith.muli %arg0, %mul3A_224 : i32
        %xor3A_226 = arith.constant 1 : i32
        %xor3A_227 = arith.xori %arg1, %xor3A_226 : i32
        %add3A_228 = arith.addi %mul3A_225, %xor3A_227 : i32
        %mul3A_229 = arith.constant 2048 : i32
        %mul3A_230 = arith.muli %add3A_223, %mul3A_229 : i32
        %dma_start3A_231 = tpu.memref_slice %arg12[%add3A_228, %mul3A_230] : memref<32x32768xi32, #tpu.memory_space<hbm>> -> memref<1x2048xi32, #tpu.memory_space<hbm>>
        %dma_start3A_232 = tpu.memref_squeeze %dma_start3A_231 : memref<1x2048xi32, #tpu.memory_space<hbm>> -> memref<2048xi32, #tpu.memory_space<hbm>>
        %dma_start3A_233 = tpu.memref_slice %arg12[%add3A_228, %mul3A_230] : memref<32x32768xi32, #tpu.memory_space<hbm>> -> memref<1x2048xi32, #tpu.memory_space<hbm>>
        %dma_start3A_234 = tpu.memref_squeeze %dma_start3A_233 : memref<1x2048xi32, #tpu.memory_space<hbm>> -> memref<2048xi32, #tpu.memory_space<hbm>>
        tpu.enqueue_dma source(%dma_start3A_234 : memref<2048xi32, #tpu.memory_space<hbm>>) target(%arg24 : memref<2048xi32, #tpu.memory_space<vmem>>) target_semaphore(%arg32 : memref<!tpu.dma_semaphore, #tpu.memory_space<semaphore_mem>>)
      } else {
      }
      %dma_wait3A_209 = arith.constant 0 : i32
      %dma_wait3A_210 = arith.constant 0 : i32
      %dma_wait3A_211 = tpu.memref_slice %arg12[%dma_wait3A_209, %dma_wait3A_210] : memref<32x32768xi32, #tpu.memory_space<hbm>> -> memref<1x2048xi32, #tpu.memory_space<hbm>>
      %dma_wait3A_212 = tpu.memref_squeeze %dma_wait3A_211 : memref<1x2048xi32, #tpu.memory_space<hbm>> -> memref<2048xi32, #tpu.memory_space<hbm>>
      %dma_wait3A_213 = arith.constant 0 : i32
      %dma_wait3A_214 = tpu.memref_slice %arg12[%dma_wait3A_209, %dma_wait3A_213] : memref<32x32768xi32, #tpu.memory_space<hbm>> -> memref<1x2048xi32, #tpu.memory_space<hbm>>
      %dma_wait3A_215 = tpu.memref_squeeze %dma_wait3A_214 : memref<1x2048xi32, #tpu.memory_space<hbm>> -> memref<2048xi32, #tpu.memory_space<hbm>>
      tpu.wait_dma2 semaphore(%arg33 : memref<!tpu.dma_semaphore, #tpu.memory_space<semaphore_mem>>) src(%dma_wait3A_215 : memref<2048xi32, #tpu.memory_space<hbm>>) dst(%arg25 : memref<2048xi32, #tpu.memory_space<vmem>>)
      %scan3A_216 = arith.constant 0 : i32
      %scan3A_217 = arith.constant 32 : i32
      %scan3A_218 = arith.addi %scan3A_216, %scan3A_217 : i32
      %scan3A_219 = arith.constant 1 : i32
      %scan3A_220 = scf.for %scan3A_222 = %scan3A_216 to %scan3A_218 step %scan3A_219 iter_args(%scan3A_223 = %scan3A_196) -> (i32)  : i32 {
        %mul3A_224 = arith.constant 2048 : i32
        %mul3A_225 = arith.muli %add3A_201, %mul3A_224 : i32
        %mul3A_226 = arith.constant 4 : i32
        %mul3A_227 = arith.muli %scan3A_222, %mul3A_226 : i32
        %add3A_228 = arith.constant 0 : i32
        %add3A_229 = arith.addi %mul3A_227, %add3A_228 : i32
        %mul3A_230 = arith.constant 16 : i32
        %mul3A_231 = arith.muli %add3A_229, %mul3A_230 : i32
        %add3A_232 = arith.addi %mul3A_225, %mul3A_231 : i32
        %get3A_233 = arith.index_cast %add3A_232 : i32 to index
        %get3A_234 = tpu.vector_load %arg15[%get3A_233] {strides = array<i32>} : memref<32768xi32, #tpu.memory_space<vmem>>, vector<16xi32>,
        %mul3A_235 = arith.constant 4 : i32
        %mul3A_236 = arith.muli %scan3A_222, %mul3A_235 : i32
        %add3A_237 = arith.constant 0 : i32
        %add3A_238 = arith.addi %mul3A_236, %add3A_237 : i32
        %mul3A_239 = arith.constant 16 : i32
        %mul3A_240 = arith.muli %add3A_238, %mul3A_239 : i32
        %get3A_241 = arith.index_cast %mul3A_240 : i32 to index
        %get3A_242 = tpu.vector_load %arg25[%get3A_241] {strides = array<i32>} : memref<2048xi32, #tpu.memory_space<vmem>>, vector<16xi32>,
        %eq3A_243 = arith.constant 0 : i32
        %eq3A_244 = vector.broadcast %eq3A_243 : i32 to vector<16xi32>
        %eq3A_245 = arith.cmpi eq, %broadcast_in_dim3A_72, %eq3A_244 : vector<16xi32>
        %select_n3A_246 = arith.select %eq3A_245, %get3A_234, %get3A_242 : vector<16xi1>, vector<16xi32>
        %add3A_247 = arith.addi %get3A_234, %get3A_242 : vector<16xi32>
        %broadcast_in_dim3A_248 = arith.constant true
        %broadcast_in_dim3A_249 = vector.broadcast %broadcast_in_dim3A_248 : i1 to vector<16xi1>
        %masked_cumsum3A = tpu.scan <sum>, %add3A_247 masked %broadcast_in_dim3A_249 : vector<16xi32>, vector<16xi1> -> vector<16xi32>
        %sub3A_250 = arith.subi %masked_cumsum3A, %add3A_247 : vector<16xi32>
        %add3A_251 = vector.broadcast %scan3A_223 : i32 to vector<16xi32>
        %add3A_252 = arith.addi %sub3A_250, %add3A_251 : vector<16xi32>
        %eq3A_253 = arith.constant 0 : i32
        %eq3A_254 = vector.broadcast %eq3A_253 : i32 to vector<16xi32>
        %eq3A_255 = arith.cmpi eq, %broadcast_in_dim3A_72, %eq3A_254 : vector<16xi32>
        %select_n3A_256 = arith.select %eq3A_255, %broadcast_in_dim3A_36, %select_n3A_246 : vector<16xi1>, vector<16xi32>
        %add3A_257 = arith.addi %add3A_252, %select_n3A_256 : vector<16xi32>
        %swap3A = arith.index_cast %add3A_232 : i32 to index
        %swap3A_258 = tpu.vector_load %arg15[%swap3A] {strides = array<i32>} : memref<32768xi32, #tpu.memory_space<vmem>>, vector<16xi32>,
        tpu.vector_store %arg15[%swap3A], %add3A_257 {strides = array<i32>} : memref<32768xi32, #tpu.memory_space<vmem>>, vector<16xi32>,
        %reduce_sum3A = arith.constant true
        %reduce_sum3A_259 = vector.broadcast %reduce_sum3A : i1 to vector<16xi1>
        %reduce_sum3A_260 = tpu.scan <sum>, %add3A_247 masked %reduce_sum3A_259 : vector<16xi32>, vector<16xi1> -> vector<16xi32>
        %reduce_sum3A_261 = vector.extract %reduce_sum3A_260[15] : i32 from vector<16xi32>
        %add3A_262 = arith.addi %scan3A_223, %reduce_sum3A_261 : i32
        %mul3A_263 = arith.constant 2048 : i32
        %mul3A_264 = arith.muli %add3A_201, %mul3A_263 : i32
        %mul3A_265 = arith.constant 4 : i32
        %mul3A_266 = arith.muli %scan3A_222, %mul3A_265 : i32
        %add3A_267 = arith.constant 1 : i32
        %add3A_268 = arith.addi %mul3A_266, %add3A_267 : i32
        %mul3A_269 = arith.constant 16 : i32
        %mul3A_270 = arith.muli %add3A_268, %mul3A_269 : i32
        %add3A_271 = arith.addi %mul3A_264, %mul3A_270 : i32
        %get3A_272 = arith.index_cast %add3A_271 : i32 to index
        %get3A_273 = tpu.vector_load %arg15[%get3A_272] {strides = array<i32>} : memref<32768xi32, #tpu.memory_space<vmem>>, vector<16xi32>,
        %mul3A_274 = arith.constant 4 : i32
        %mul3A_275 = arith.muli %scan3A_222, %mul3A_274 : i32
        %add3A_276 = arith.constant 1 : i32
        %add3A_277 = arith.addi %mul3A_275, %add3A_276 : i32
        %mul3A_278 = arith.constant 16 : i32
        %mul3A_279 = arith.muli %add3A_277, %mul3A_278 : i32
        %get3A_280 = arith.index_cast %mul3A_279 : i32 to index
        %get3A_281 = tpu.vector_load %arg25[%get3A_280] {strides = array<i32>} : memref<2048xi32, #tpu.memory_space<vmem>>, vector<16xi32>,
        %eq3A_282 = arith.constant 0 : i32
        %eq3A_283 = vector.broadcast %eq3A_282 : i32 to vector<16xi32>
        %eq3A_284 = arith.cmpi eq, %broadcast_in_dim3A_72, %eq3A_283 : vector<16xi32>
        %select_n3A_285 = arith.select %eq3A_284, %get3A_273, %get3A_281 : vector<16xi1>, vector<16xi32>
        %add3A_286 = arith.addi %get3A_273, %get3A_281 : vector<16xi32>
        %broadcast_in_dim3A_287 = arith.constant true
        %broadcast_in_dim3A_288 = vector.broadcast %broadcast_in_dim3A_287 : i1 to vector<16xi1>
        %masked_cumsum3A_289 = tpu.scan <sum>, %add3A_286 masked %broadcast_in_dim3A_288 : vector<16xi32>, vector<16xi1> -> vector<16xi32>
        %sub3A_290 = arith.subi %masked_cumsum3A_289, %add3A_286 : vector<16xi32>
        %add3A_291 = vector.broadcast %add3A_262 : i32 to vector<16xi32>
        %add3A_292 = arith.addi %sub3A_290, %add3A_291 : vector<16xi32>
        %eq3A_293 = arith.constant 0 : i32
        %eq3A_294 = vector.broadcast %eq3A_293 : i32 to vector<16xi32>
        %eq3A_295 = arith.cmpi eq, %broadcast_in_dim3A_72, %eq3A_294 : vector<16xi32>
        %select_n3A_296 = arith.select %eq3A_295, %broadcast_in_dim3A_36, %select_n3A_285 : vector<16xi1>, vector<16xi32>
        %add3A_297 = arith.addi %add3A_292, %select_n3A_296 : vector<16xi32>
        %swap3A_298 = arith.index_cast %add3A_271 : i32 to index
        %swap3A_299 = tpu.vector_load %arg15[%swap3A_298] {strides = array<i32>} : memref<32768xi32, #tpu.memory_space<vmem>>, vector<16xi32>,
        tpu.vector_store %arg15[%swap3A_298], %add3A_297 {strides = array<i32>} : memref<32768xi32, #tpu.memory_space<vmem>>, vector<16xi32>,
        %reduce_sum3A_300 = arith.constant true
        %reduce_sum3A_301 = vector.broadcast %reduce_sum3A_300 : i1 to vector<16xi1>
        %reduce_sum3A_302 = tpu.scan <sum>, %add3A_286 masked %reduce_sum3A_301 : vector<16xi32>, vector<16xi1> -> vector<16xi32>
        %reduce_sum3A_303 = vector.extract %reduce_sum3A_302[15] : i32 from vector<16xi32>
        %add3A_304 = arith.addi %add3A_262, %reduce_sum3A_303 : i32
        %mul3A_305 = arith.constant 2048 : i32
        %mul3A_306 = arith.muli %add3A_201, %mul3A_305 : i32
        %mul3A_307 = arith.constant 4 : i32
        %mul3A_308 = arith.muli %scan3A_222, %mul3A_307 : i32
        %add3A_309 = arith.constant 2 : i32
        %add3A_310 = arith.addi %mul3A_308, %add3A_309 : i32
        %mul3A_311 = arith.constant 16 : i32
        %mul3A_312 = arith.muli %add3A_310, %mul3A_311 : i32
        %add3A_313 = arith.addi %mul3A_306, %mul3A_312 : i32
        %get3A_314 = arith.index_cast %add3A_313 : i32 to index
        %get3A_315 = tpu.vector_load %arg15[%get3A_314] {strides = array<i32>} : memref<32768xi32, #tpu.memory_space<vmem>>, vector<16xi32>,
        %mul3A_316 = arith.constant 4 : i32
        %mul3A_317 = arith.muli %scan3A_222, %mul3A_316 : i32
        %add3A_318 = arith.constant 2 : i32
        %add3A_319 = arith.addi %mul3A_317, %add3A_318 : i32
        %mul3A_320 = arith.constant 16 : i32
        %mul3A_321 = arith.muli %add3A_319, %mul3A_320 : i32
        %get3A_322 = arith.index_cast %mul3A_321 : i32 to index
        %get3A_323 = tpu.vector_load %arg25[%get3A_322] {strides = array<i32>} : memref<2048xi32, #tpu.memory_space<vmem>>, vector<16xi32>,
        %eq3A_324 = arith.constant 0 : i32
        %eq3A_325 = vector.broadcast %eq3A_324 : i32 to vector<16xi32>
        %eq3A_326 = arith.cmpi eq, %broadcast_in_dim3A_72, %eq3A_325 : vector<16xi32>
        %select_n3A_327 = arith.select %eq3A_326, %get3A_315, %get3A_323 : vector<16xi1>, vector<16xi32>
        %add3A_328 = arith.addi %get3A_315, %get3A_323 : vector<16xi32>
        %broadcast_in_dim3A_329 = arith.constant true
        %broadcast_in_dim3A_330 = vector.broadcast %broadcast_in_dim3A_329 : i1 to vector<16xi1>
        %masked_cumsum3A_331 = tpu.scan <sum>, %add3A_328 masked %broadcast_in_dim3A_330 : vector<16xi32>, vector<16xi1> -> vector<16xi32>
        %sub3A_332 = arith.subi %masked_cumsum3A_331, %add3A_328 : vector<16xi32>
        %add3A_333 = vector.broadcast %add3A_304 : i32 to vector<16xi32>
        %add3A_334 = arith.addi %sub3A_332, %add3A_333 : vector<16xi32>
        %eq3A_335 = arith.constant 0 : i32
        %eq3A_336 = vector.broadcast %eq3A_335 : i32 to vector<16xi32>
        %eq3A_337 = arith.cmpi eq, %broadcast_in_dim3A_72, %eq3A_336 : vector<16xi32>
        %select_n3A_338 = arith.select %eq3A_337, %broadcast_in_dim3A_36, %select_n3A_327 : vector<16xi1>, vector<16xi32>
        %add3A_339 = arith.addi %add3A_334, %select_n3A_338 : vector<16xi32>
        %swap3A_340 = arith.index_cast %add3A_313 : i32 to index
        %swap3A_341 = tpu.vector_load %arg15[%swap3A_340] {strides = array<i32>} : memref<32768xi32, #tpu.memory_space<vmem>>, vector<16xi32>,
        tpu.vector_store %arg15[%swap3A_340], %add3A_339 {strides = array<i32>} : memref<32768xi32, #tpu.memory_space<vmem>>, vector<16xi32>,
        %reduce_sum3A_342 = arith.constant true
        %reduce_sum3A_343 = vector.broadcast %reduce_sum3A_342 : i1 to vector<16xi1>
        %reduce_sum3A_344 = tpu.scan <sum>, %add3A_328 masked %reduce_sum3A_343 : vector<16xi32>, vector<16xi1> -> vector<16xi32>
        %reduce_sum3A_345 = vector.extract %reduce_sum3A_344[15] : i32 from vector<16xi32>
        %add3A_346 = arith.addi %add3A_304, %reduce_sum3A_345 : i32
        %mul3A_347 = arith.constant 2048 : i32
        %mul3A_348 = arith.muli %add3A_201, %mul3A_347 : i32
        %mul3A_349 = arith.constant 4 : i32
        %mul3A_350 = arith.muli %scan3A_222, %mul3A_349 : i32
        %add3A_351 = arith.constant 3 : i32
        %add3A_352 = arith.addi %mul3A_350, %add3A_351 : i32
        %mul3A_353 = arith.constant 16 : i32
        %mul3A_354 = arith.muli %add3A_352, %mul3A_353 : i32
        %add3A_355 = arith.addi %mul3A_348, %mul3A_354 : i32
        %get3A_356 = arith.index_cast %add3A_355 : i32 to index
        %get3A_357 = tpu.vector_load %arg15[%get3A_356] {strides = array<i32>} : memref<32768xi32, #tpu.memory_space<vmem>>, vector<16xi32>,
        %mul3A_358 = arith.constant 4 : i32
        %mul3A_359 = arith.muli %scan3A_222, %mul3A_358 : i32
        %add3A_360 = arith.constant 3 : i32
        %add3A_361 = arith.addi %mul3A_359, %add3A_360 : i32
        %mul3A_362 = arith.constant 16 : i32
        %mul3A_363 = arith.muli %add3A_361, %mul3A_362 : i32
        %get3A_364 = arith.index_cast %mul3A_363 : i32 to index
        %get3A_365 = tpu.vector_load %arg25[%get3A_364] {strides = array<i32>} : memref<2048xi32, #tpu.memory_space<vmem>>, vector<16xi32>,
        %eq3A_366 = arith.constant 0 : i32
        %eq3A_367 = vector.broadcast %eq3A_366 : i32 to vector<16xi32>
        %eq3A_368 = arith.cmpi eq, %broadcast_in_dim3A_72, %eq3A_367 : vector<16xi32>
        %select_n3A_369 = arith.select %eq3A_368, %get3A_357, %get3A_365 : vector<16xi1>, vector<16xi32>
        %add3A_370 = arith.addi %get3A_357, %get3A_365 : vector<16xi32>
        %broadcast_in_dim3A_371 = arith.constant true
        %broadcast_in_dim3A_372 = vector.broadcast %broadcast_in_dim3A_371 : i1 to vector<16xi1>
        %masked_cumsum3A_373 = tpu.scan <sum>, %add3A_370 masked %broadcast_in_dim3A_372 : vector<16xi32>, vector<16xi1> -> vector<16xi32>
        %sub3A_374 = arith.subi %masked_cumsum3A_373, %add3A_370 : vector<16xi32>
        %add3A_375 = vector.broadcast %add3A_346 : i32 to vector<16xi32>
        %add3A_376 = arith.addi %sub3A_374, %add3A_375 : vector<16xi32>
        %eq3A_377 = arith.constant 0 : i32
        %eq3A_378 = vector.broadcast %eq3A_377 : i32 to vector<16xi32>
        %eq3A_379 = arith.cmpi eq, %broadcast_in_dim3A_72, %eq3A_378 : vector<16xi32>
        %select_n3A_380 = arith.select %eq3A_379, %broadcast_in_dim3A_36, %select_n3A_369 : vector<16xi1>, vector<16xi32>
        %add3A_381 = arith.addi %add3A_376, %select_n3A_380 : vector<16xi32>
        %swap3A_382 = arith.index_cast %add3A_355 : i32 to index
        %swap3A_383 = tpu.vector_load %arg15[%swap3A_382] {strides = array<i32>} : memref<32768xi32, #tpu.memory_space<vmem>>, vector<16xi32>,
        tpu.vector_store %arg15[%swap3A_382], %add3A_381 {strides = array<i32>} : memref<32768xi32, #tpu.memory_space<vmem>>, vector<16xi32>,
        %reduce_sum3A_384 = arith.constant true
        %reduce_sum3A_385 = vector.broadcast %reduce_sum3A_384 : i1 to vector<16xi1>
        %reduce_sum3A_386 = tpu.scan <sum>, %add3A_370 masked %reduce_sum3A_385 : vector<16xi32>, vector<16xi1> -> vector<16xi32>
        %reduce_sum3A_387 = vector.extract %reduce_sum3A_386[15] : i32 from vector<16xi32>
        %add3A_388 = arith.addi %add3A_346, %reduce_sum3A_387 : i32
        scf.yield %add3A_388 : i32
      }
      %scan3A_221 = arith.constant 32 : i32
      scf.yield %scan3A_220 : i32
    }
    %scan3A_90 = arith.constant 8 : i32
    %add3A_91 = arith.constant 0 : i32
    %add3A_92 = arith.addi %add3A_35, %add3A_91 : i32
    %dma_start3A_93 = tpu.memref_slice %arg13[%add3A_92] : memref<1048576xi32, #tpu.memory_space<hbm>> -> memref<2048xi32, #tpu.memory_space<hbm>>
    %dma_start3A_94 = tpu.memref_slice %arg13[%add3A_92] : memref<1048576xi32, #tpu.memory_space<hbm>> -> memref<2048xi32, #tpu.memory_space<hbm>>
    tpu.enqueue_dma source(%dma_start3A_94 : memref<2048xi32, #tpu.memory_space<hbm>>) target(%arg26 : memref<2048xi32, #tpu.memory_space<vmem>>) target_semaphore(%arg32 : memref<!tpu.dma_semaphore, #tpu.memory_space<semaphore_mem>>)
    %scan3A_95 = arith.constant 0 : i32
    %scan3A_96 = arith.constant 0 : i32
    %scan3A_97 = arith.constant 8 : i32
    %scan3A_98 = arith.addi %scan3A_96, %scan3A_97 : i32
    %scan3A_99 = arith.constant 1 : i32
    scf.for %scan3A_174 = %scan3A_96 to %scan3A_98 step %scan3A_99  : i32 {
      %mul3A_175 = arith.constant 2 : i32
      %mul3A_176 = arith.muli %scan3A_174, %mul3A_175 : i32
      %add3A_177 = arith.constant 0 : i32
      %add3A_178 = arith.addi %mul3A_176, %add3A_177 : i32
      %add3A_179 = arith.constant 1 : i32
      %add3A_180 = arith.addi %add3A_178, %add3A_179 : i32
      %lt3A_181 = arith.constant 16 : i32
      %lt3A_182 = arith.cmpi slt, %add3A_180, %lt3A_181 : i32
      %convert_element_type3A = arith.extui %lt3A_182 : i1 to i32
      %cond3A = arith.constant 0 : i32
      %cond3A_183 = arith.cmpi ne, %convert_element_type3A, %cond3A : i32
      scf.if %cond3A_183 {
        %add3A_228 = arith.constant 1 : i32
        %add3A_229 = arith.addi %add3A_178, %add3A_228 : i32
        %mul3A_230 = arith.constant 2048 : i32
        %mul3A_231 = arith.muli %add3A_229, %mul3A_230 : i32
        %add3A_232 = arith.addi %add3A_35, %mul3A_231 : i32
        %dma_start3A_233 = tpu.memref_slice %arg13[%add3A_232] : memref<1048576xi32, #tpu.memory_space<hbm>> -> memref<2048xi32, #tpu.memory_space<hbm>>
        %dma_start3A_234 = tpu.memref_slice %arg13[%add3A_232] : memref<1048576xi32, #tpu.memory_space<hbm>> -> memref<2048xi32, #tpu.memory_space<hbm>>
        tpu.enqueue_dma source(%dma_start3A_234 : memref<2048xi32, #tpu.memory_space<hbm>>) target(%arg27 : memref<2048xi32, #tpu.memory_space<vmem>>) target_semaphore(%arg33 : memref<!tpu.dma_semaphore, #tpu.memory_space<semaphore_mem>>)
      } else {
      }
      %dma_wait3A_184 = arith.constant 0 : i32
      %dma_wait3A_185 = tpu.memref_slice %arg13[%dma_wait3A_184] : memref<1048576xi32, #tpu.memory_space<hbm>> -> memref<2048xi32, #tpu.memory_space<hbm>>
      %dma_wait3A_186 = arith.constant 0 : i32
      %dma_wait3A_187 = tpu.memref_slice %arg13[%dma_wait3A_186] : memref<1048576xi32, #tpu.memory_space<hbm>> -> memref<2048xi32, #tpu.memory_space<hbm>>
      tpu.wait_dma2 semaphore(%arg32 : memref<!tpu.dma_semaphore, #tpu.memory_space<semaphore_mem>>) src(%dma_wait3A_187 : memref<2048xi32, #tpu.memory_space<hbm>>) dst(%arg26 : memref<2048xi32, #tpu.memory_space<vmem>>)
      %ge3A = arith.constant 2 : i32
      %ge3A_188 = arith.cmpi sge, %add3A_178, %ge3A : i32
      %convert_element_type3A_189 = arith.extui %ge3A_188 : i1 to i32
      %cond3A_190 = arith.constant 0 : i32
      %cond3A_191 = arith.cmpi ne, %convert_element_type3A_189, %cond3A_190 : i32
      scf.if %cond3A_191 {
        %dma_wait3A_228 = arith.constant 0 : i32
        %dma_wait3A_229 = tpu.memref_slice %arg30[%dma_wait3A_228] : memref<524288xi32, #tpu.memory_space<vmem_shared>> -> memref<524288xi32, #tpu.memory_space<vmem_shared>>
        tpu.wait_indirect_dma semaphore(%arg34 : memref<!tpu.dma_semaphore, #tpu.memory_space<semaphore_mem>>) src(%arg24 : memref<2048xi32, #tpu.memory_space<vmem>>) dst(%dma_wait3A_229 : memref<524288xi32, #tpu.memory_space<vmem_shared>>)
      } else {
      }
      %scan3A_192 = arith.constant 0 : i32
      %scan3A_193 = arith.constant 0 : i32
      %scan3A_194 = arith.constant 32 : i32
      %scan3A_195 = arith.addi %scan3A_193, %scan3A_194 : i32
      %scan3A_196 = arith.constant 1 : i32
      scf.for %scan3A_228 = %scan3A_193 to %scan3A_195 step %scan3A_196  : i32 {
        %mul3A_229 = arith.constant 4 : i32
        %mul3A_230 = arith.muli %scan3A_228, %mul3A_229 : i32
        %add3A_231 = arith.constant 0 : i32
        %add3A_232 = arith.addi %mul3A_230, %add3A_231 : i32
        %mul3A_233 = arith.constant 16 : i32
        %mul3A_234 = arith.muli %add3A_232, %mul3A_233 : i32
        %get3A_235 = arith.index_cast %mul3A_234 : i32 to index
        %get3A_236 = tpu.vector_load %arg26[%get3A_235] {strides = array<i32>} : memref<2048xi32, #tpu.memory_space<vmem>>, vector<16xi32>,
        %broadcast_in_dim3A_237 = arith.constant true
        %broadcast_in_dim3A_238 = vector.broadcast %broadcast_in_dim3A_237 : i1 to vector<16xi1>
        %unique3A, %unique3A_239 = tpu.scan_count mask(%broadcast_in_dim3A_238 : vector<16xi1>) value(%get3A_236 : vector<16xi32>) : vector<16xi1>, vector<16xi32>
        %gather3A = tpu.vector_load_idx %arg15[%get3A_236] : memref<32768xi32, #tpu.memory_space<vmem>>[vector<16xi32>], vector<16xi32>,
        %add3A_240 = arith.addi %gather3A, %unique3A_239 : vector<16xi32>
        %sub3A_241 = arith.constant 1 : i32
        %sub3A_242 = vector.broadcast %sub3A_241 : i32 to vector<16xi32>
        %sub3A_243 = arith.subi %add3A_240, %sub3A_242 : vector<16xi32>
        %mul3A_244 = arith.constant 16 : i32
        %mul3A_245 = arith.muli %add3A_232, %mul3A_244 : i32
        %swap3A = arith.index_cast %mul3A_245 : i32 to index
        %swap3A_246 = tpu.vector_load %arg22[%swap3A] {strides = array<i32>} : memref<2048xi32, #tpu.memory_space<vmem>>, vector<16xi32>,
        tpu.vector_store %arg22[%swap3A], %sub3A_243 {strides = array<i32>} : memref<2048xi32, #tpu.memory_space<vmem>>, vector<16xi32>,
        tpu.vector_store_idx %arg15[%get3A_236], %unique3A_239 masked %unique3A {add = true} : memref<32768xi32, #tpu.memory_space<vmem>>[vector<16xi32>], vector<16xi32>, vector<16xi1>
        %mul3A_247 = arith.constant 32768 : i32
        %mul3A_248 = arith.muli %select_n3A_28, %mul3A_247 : i32
        %mul3A_249 = arith.constant 2048 : i32
        %mul3A_250 = arith.muli %add3A_178, %mul3A_249 : i32
        %add3A_251 = arith.addi %mul3A_248, %mul3A_250 : i32
        %mul3A_252 = arith.constant 16 : i32
        %mul3A_253 = arith.muli %add3A_232, %mul3A_252 : i32
        %add3A_254 = arith.addi %add3A_251, %mul3A_253 : i32
        %add3A_255 = vector.broadcast %add3A_254 : i32 to vector<16xi32>
        %add3A_256 = arith.addi %add3A_255, %iota3A : vector<16xi32>
        %mul3A_257 = arith.constant 16 : i32
        %mul3A_258 = arith.muli %add3A_232, %mul3A_257 : i32
        %swap3A_259 = arith.index_cast %mul3A_258 : i32 to index
        %swap3A_260 = tpu.vector_load %arg24[%swap3A_259] {strides = array<i32>} : memref<2048xi32, #tpu.memory_space<vmem>>, vector<16xi32>,
        tpu.vector_store %arg24[%swap3A_259], %add3A_256 {strides = array<i32>} : memref<2048xi32, #tpu.memory_space<vmem>>, vector<16xi32>,
        %mul3A_261 = arith.constant 4 : i32
        %mul3A_262 = arith.muli %scan3A_228, %mul3A_261 : i32
        %add3A_263 = arith.constant 1 : i32
        %add3A_264 = arith.addi %mul3A_262, %add3A_263 : i32
        %mul3A_265 = arith.constant 16 : i32
        %mul3A_266 = arith.muli %add3A_264, %mul3A_265 : i32
        %get3A_267 = arith.index_cast %mul3A_266 : i32 to index
        %get3A_268 = tpu.vector_load %arg26[%get3A_267] {strides = array<i32>} : memref<2048xi32, #tpu.memory_space<vmem>>, vector<16xi32>,
        %broadcast_in_dim3A_269 = arith.constant true
        %broadcast_in_dim3A_270 = vector.broadcast %broadcast_in_dim3A_269 : i1 to vector<16xi1>
        %unique3A_271, %unique3A_272 = tpu.scan_count mask(%broadcast_in_dim3A_270 : vector<16xi1>) value(%get3A_268 : vector<16xi32>) : vector<16xi1>, vector<16xi32>
        %gather3A_273 = tpu.vector_load_idx %arg15[%get3A_268] : memref<32768xi32, #tpu.memory_space<vmem>>[vector<16xi32>], vector<16xi32>,
        %add3A_274 = arith.addi %gather3A_273, %unique3A_272 : vector<16xi32>
        %sub3A_275 = arith.constant 1 : i32
        %sub3A_276 = vector.broadcast %sub3A_275 : i32 to vector<16xi32>
        %sub3A_277 = arith.subi %add3A_274, %sub3A_276 : vector<16xi32>
        %mul3A_278 = arith.constant 16 : i32
        %mul3A_279 = arith.muli %add3A_264, %mul3A_278 : i32
        %swap3A_280 = arith.index_cast %mul3A_279 : i32 to index
        %swap3A_281 = tpu.vector_load %arg22[%swap3A_280] {strides = array<i32>} : memref<2048xi32, #tpu.memory_space<vmem>>, vector<16xi32>,
        tpu.vector_store %arg22[%swap3A_280], %sub3A_277 {strides = array<i32>} : memref<2048xi32, #tpu.memory_space<vmem>>, vector<16xi32>,
        tpu.vector_store_idx %arg15[%get3A_268], %unique3A_272 masked %unique3A_271 {add = true} : memref<32768xi32, #tpu.memory_space<vmem>>[vector<16xi32>], vector<16xi32>, vector<16xi1>
        %mul3A_282 = arith.constant 32768 : i32
        %mul3A_283 = arith.muli %select_n3A_28, %mul3A_282 : i32
        %mul3A_284 = arith.constant 2048 : i32
        %mul3A_285 = arith.muli %add3A_178, %mul3A_284 : i32
        %add3A_286 = arith.addi %mul3A_283, %mul3A_285 : i32
        %mul3A_287 = arith.constant 16 : i32
        %mul3A_288 = arith.muli %add3A_264, %mul3A_287 : i32
        %add3A_289 = arith.addi %add3A_286, %mul3A_288 : i32
        %add3A_290 = vector.broadcast %add3A_289 : i32 to vector<16xi32>
        %add3A_291 = arith.addi %add3A_290, %iota3A : vector<16xi32>
        %mul3A_292 = arith.constant 16 : i32
        %mul3A_293 = arith.muli %add3A_264, %mul3A_292 : i32
        %swap3A_294 = arith.index_cast %mul3A_293 : i32 to index
        %swap3A_295 = tpu.vector_load %arg24[%swap3A_294] {strides = array<i32>} : memref<2048xi32, #tpu.memory_space<vmem>>, vector<16xi32>,
        tpu.vector_store %arg24[%swap3A_294], %add3A_291 {strides = array<i32>} : memref<2048xi32, #tpu.memory_space<vmem>>, vector<16xi32>,
        %mul3A_296 = arith.constant 4 : i32
        %mul3A_297 = arith.muli %scan3A_228, %mul3A_296 : i32
        %add3A_298 = arith.constant 2 : i32
        %add3A_299 = arith.addi %mul3A_297, %add3A_298 : i32
        %mul3A_300 = arith.constant 16 : i32
        %mul3A_301 = arith.muli %add3A_299, %mul3A_300 : i32
        %get3A_302 = arith.index_cast %mul3A_301 : i32 to index
        %get3A_303 = tpu.vector_load %arg26[%get3A_302] {strides = array<i32>} : memref<2048xi32, #tpu.memory_space<vmem>>, vector<16xi32>,
        %broadcast_in_dim3A_304 = arith.constant true
        %broadcast_in_dim3A_305 = vector.broadcast %broadcast_in_dim3A_304 : i1 to vector<16xi1>
        %unique3A_306, %unique3A_307 = tpu.scan_count mask(%broadcast_in_dim3A_305 : vector<16xi1>) value(%get3A_303 : vector<16xi32>) : vector<16xi1>, vector<16xi32>
        %gather3A_308 = tpu.vector_load_idx %arg15[%get3A_303] : memref<32768xi32, #tpu.memory_space<vmem>>[vector<16xi32>], vector<16xi32>,
        %add3A_309 = arith.addi %gather3A_308, %unique3A_307 : vector<16xi32>
        %sub3A_310 = arith.constant 1 : i32
        %sub3A_311 = vector.broadcast %sub3A_310 : i32 to vector<16xi32>
        %sub3A_312 = arith.subi %add3A_309, %sub3A_311 : vector<16xi32>
        %mul3A_313 = arith.constant 16 : i32
        %mul3A_314 = arith.muli %add3A_299, %mul3A_313 : i32
        %swap3A_315 = arith.index_cast %mul3A_314 : i32 to index
        %swap3A_316 = tpu.vector_load %arg22[%swap3A_315] {strides = array<i32>} : memref<2048xi32, #tpu.memory_space<vmem>>, vector<16xi32>,
        tpu.vector_store %arg22[%swap3A_315], %sub3A_312 {strides = array<i32>} : memref<2048xi32, #tpu.memory_space<vmem>>, vector<16xi32>,
        tpu.vector_store_idx %arg15[%get3A_303], %unique3A_307 masked %unique3A_306 {add = true} : memref<32768xi32, #tpu.memory_space<vmem>>[vector<16xi32>], vector<16xi32>, vector<16xi1>
        %mul3A_317 = arith.constant 32768 : i32
        %mul3A_318 = arith.muli %select_n3A_28, %mul3A_317 : i32
        %mul3A_319 = arith.constant 2048 : i32
        %mul3A_320 = arith.muli %add3A_178, %mul3A_319 : i32
        %add3A_321 = arith.addi %mul3A_318, %mul3A_320 : i32
        %mul3A_322 = arith.constant 16 : i32
        %mul3A_323 = arith.muli %add3A_299, %mul3A_322 : i32
        %add3A_324 = arith.addi %add3A_321, %mul3A_323 : i32
        %add3A_325 = vector.broadcast %add3A_324 : i32 to vector<16xi32>
        %add3A_326 = arith.addi %add3A_325, %iota3A : vector<16xi32>
        %mul3A_327 = arith.constant 16 : i32
        %mul3A_328 = arith.muli %add3A_299, %mul3A_327 : i32
        %swap3A_329 = arith.index_cast %mul3A_328 : i32 to index
        %swap3A_330 = tpu.vector_load %arg24[%swap3A_329] {strides = array<i32>} : memref<2048xi32, #tpu.memory_space<vmem>>, vector<16xi32>,
        tpu.vector_store %arg24[%swap3A_329], %add3A_326 {strides = array<i32>} : memref<2048xi32, #tpu.memory_space<vmem>>, vector<16xi32>,
        %mul3A_331 = arith.constant 4 : i32
        %mul3A_332 = arith.muli %scan3A_228, %mul3A_331 : i32
        %add3A_333 = arith.constant 3 : i32
        %add3A_334 = arith.addi %mul3A_332, %add3A_333 : i32
        %mul3A_335 = arith.constant 16 : i32
        %mul3A_336 = arith.muli %add3A_334, %mul3A_335 : i32
        %get3A_337 = arith.index_cast %mul3A_336 : i32 to index
        %get3A_338 = tpu.vector_load %arg26[%get3A_337] {strides = array<i32>} : memref<2048xi32, #tpu.memory_space<vmem>>, vector<16xi32>,
        %broadcast_in_dim3A_339 = arith.constant true
        %broadcast_in_dim3A_340 = vector.broadcast %broadcast_in_dim3A_339 : i1 to vector<16xi1>
        %unique3A_341, %unique3A_342 = tpu.scan_count mask(%broadcast_in_dim3A_340 : vector<16xi1>) value(%get3A_338 : vector<16xi32>) : vector<16xi1>, vector<16xi32>
        %gather3A_343 = tpu.vector_load_idx %arg15[%get3A_338] : memref<32768xi32, #tpu.memory_space<vmem>>[vector<16xi32>], vector<16xi32>,
        %add3A_344 = arith.addi %gather3A_343, %unique3A_342 : vector<16xi32>
        %sub3A_345 = arith.constant 1 : i32
        %sub3A_346 = vector.broadcast %sub3A_345 : i32 to vector<16xi32>
        %sub3A_347 = arith.subi %add3A_344, %sub3A_346 : vector<16xi32>
        %mul3A_348 = arith.constant 16 : i32
        %mul3A_349 = arith.muli %add3A_334, %mul3A_348 : i32
        %swap3A_350 = arith.index_cast %mul3A_349 : i32 to index
        %swap3A_351 = tpu.vector_load %arg22[%swap3A_350] {strides = array<i32>} : memref<2048xi32, #tpu.memory_space<vmem>>, vector<16xi32>,
        tpu.vector_store %arg22[%swap3A_350], %sub3A_347 {strides = array<i32>} : memref<2048xi32, #tpu.memory_space<vmem>>, vector<16xi32>,
        tpu.vector_store_idx %arg15[%get3A_338], %unique3A_342 masked %unique3A_341 {add = true} : memref<32768xi32, #tpu.memory_space<vmem>>[vector<16xi32>], vector<16xi32>, vector<16xi1>
        %mul3A_352 = arith.constant 32768 : i32
        %mul3A_353 = arith.muli %select_n3A_28, %mul3A_352 : i32
        %mul3A_354 = arith.constant 2048 : i32
        %mul3A_355 = arith.muli %add3A_178, %mul3A_354 : i32
        %add3A_356 = arith.addi %mul3A_353, %mul3A_355 : i32
        %mul3A_357 = arith.constant 16 : i32
        %mul3A_358 = arith.muli %add3A_334, %mul3A_357 : i32
        %add3A_359 = arith.addi %add3A_356, %mul3A_358 : i32
        %add3A_360 = vector.broadcast %add3A_359 : i32 to vector<16xi32>
        %add3A_361 = arith.addi %add3A_360, %iota3A : vector<16xi32>
        %mul3A_362 = arith.constant 16 : i32
        %mul3A_363 = arith.muli %add3A_334, %mul3A_362 : i32
        %swap3A_364 = arith.index_cast %mul3A_363 : i32 to index
        %swap3A_365 = tpu.vector_load %arg24[%swap3A_364] {strides = array<i32>} : memref<2048xi32, #tpu.memory_space<vmem>>, vector<16xi32>,
        tpu.vector_store %arg24[%swap3A_364], %add3A_361 {strides = array<i32>} : memref<2048xi32, #tpu.memory_space<vmem>>, vector<16xi32>,
      }
      %scan3A_197 = arith.constant 32 : i32
      %dma_start3A_198 = arith.constant 0 : i32
      %dma_start3A_199 = tpu.memref_slice %arg30[%dma_start3A_198] : memref<524288xi32, #tpu.memory_space<vmem_shared>> -> memref<524288xi32, #tpu.memory_space<vmem_shared>>
      tpu.enqueue_indirect_dma source(%arg24 : memref<2048xi32, #tpu.memory_space<vmem>>) target(%dma_start3A_199 : memref<524288xi32, #tpu.memory_space<vmem_shared>>) offsets(%arg22 : memref<2048xi32, #tpu.memory_space<vmem>>) semaphore(%arg34 : memref<!tpu.dma_semaphore, #tpu.memory_space<semaphore_mem>>)
      %mul3A_200 = arith.constant 2 : i32
      %mul3A_201 = arith.muli %scan3A_174, %mul3A_200 : i32
      %add3A_202 = arith.constant 1 : i32
      %add3A_203 = arith.addi %mul3A_201, %add3A_202 : i32
      %add3A_204 = arith.constant 1 : i32
      %add3A_205 = arith.addi %add3A_203, %add3A_204 : i32
      %lt3A_206 = arith.constant 16 : i32
      %lt3A_207 = arith.cmpi slt, %add3A_205, %lt3A_206 : i32
      %convert_element_type3A_208 = arith.extui %lt3A_207 : i1 to i32
      %cond3A_209 = arith.constant 0 : i32
      %cond3A_210 = arith.cmpi ne, %convert_element_type3A_208, %cond3A_209 : i32
      scf.if %cond3A_210 {
        %add3A_228 = arith.constant 1 : i32
        %add3A_229 = arith.addi %add3A_203, %add3A_228 : i32
        %mul3A_230 = arith.constant 2048 : i32
        %mul3A_231 = arith.muli %add3A_229, %mul3A_230 : i32
        %add3A_232 = arith.addi %add3A_35, %mul3A_231 : i32
        %dma_start3A_233 = tpu.memref_slice %arg13[%add3A_232] : memref<1048576xi32, #tpu.memory_space<hbm>> -> memref<2048xi32, #tpu.memory_space<hbm>>
        %dma_start3A_234 = tpu.memref_slice %arg13[%add3A_232] : memref<1048576xi32, #tpu.memory_space<hbm>> -> memref<2048xi32, #tpu.memory_space<hbm>>
        tpu.enqueue_dma source(%dma_start3A_234 : memref<2048xi32, #tpu.memory_space<hbm>>) target(%arg26 : memref<2048xi32, #tpu.memory_space<vmem>>) target_semaphore(%arg32 : memref<!tpu.dma_semaphore, #tpu.memory_space<semaphore_mem>>)
      } else {
      }
      %dma_wait3A_211 = arith.constant 0 : i32
      %dma_wait3A_212 = tpu.memref_slice %arg13[%dma_wait3A_211] : memref<1048576xi32, #tpu.memory_space<hbm>> -> memref<2048xi32, #tpu.memory_space<hbm>>
      %dma_wait3A_213 = arith.constant 0 : i32
      %dma_wait3A_214 = tpu.memref_slice %arg13[%dma_wait3A_213] : memref<1048576xi32, #tpu.memory_space<hbm>> -> memref<2048xi32, #tpu.memory_space<hbm>>
      tpu.wait_dma2 semaphore(%arg33 : memref<!tpu.dma_semaphore, #tpu.memory_space<semaphore_mem>>) src(%dma_wait3A_214 : memref<2048xi32, #tpu.memory_space<hbm>>) dst(%arg27 : memref<2048xi32, #tpu.memory_space<vmem>>)
      %ge3A_215 = arith.constant 2 : i32
      %ge3A_216 = arith.cmpi sge, %add3A_203, %ge3A_215 : i32
      %convert_element_type3A_217 = arith.extui %ge3A_216 : i1 to i32
      %cond3A_218 = arith.constant 0 : i32
      %cond3A_219 = arith.cmpi ne, %convert_element_type3A_217, %cond3A_218 : i32
      scf.if %cond3A_219 {
        %dma_wait3A_228 = arith.constant 0 : i32
        %dma_wait3A_229 = tpu.memref_slice %arg30[%dma_wait3A_228] : memref<524288xi32, #tpu.memory_space<vmem_shared>> -> memref<524288xi32, #tpu.memory_space<vmem_shared>>
        tpu.wait_indirect_dma semaphore(%arg35 : memref<!tpu.dma_semaphore, #tpu.memory_space<semaphore_mem>>) src(%arg25 : memref<2048xi32, #tpu.memory_space<vmem>>) dst(%dma_wait3A_229 : memref<524288xi32, #tpu.memory_space<vmem_shared>>)
      } else {
      }
      %scan3A_220 = arith.constant 0 : i32
      %scan3A_221 = arith.constant 0 : i32
      %scan3A_222 = arith.constant 32 : i32
      %scan3A_223 = arith.addi %scan3A_221, %scan3A_222 : i32
      %scan3A_224 = arith.constant 1 : i32
      scf.for %scan3A_228 = %scan3A_221 to %scan3A_223 step %scan3A_224  : i32 {
        %mul3A_229 = arith.constant 4 : i32
        %mul3A_230 = arith.muli %scan3A_228, %mul3A_229 : i32
        %add3A_231 = arith.constant 0 : i32
        %add3A_232 = arith.addi %mul3A_230, %add3A_231 : i32
        %mul3A_233 = arith.constant 16 : i32
        %mul3A_234 = arith.muli %add3A_232, %mul3A_233 : i32
        %get3A_235 = arith.index_cast %mul3A_234 : i32 to index
        %get3A_236 = tpu.vector_load %arg27[%get3A_235] {strides = array<i32>} : memref<2048xi32, #tpu.memory_space<vmem>>, vector<16xi32>,
        %broadcast_in_dim3A_237 = arith.constant true
        %broadcast_in_dim3A_238 = vector.broadcast %broadcast_in_dim3A_237 : i1 to vector<16xi1>
        %unique3A, %unique3A_239 = tpu.scan_count mask(%broadcast_in_dim3A_238 : vector<16xi1>) value(%get3A_236 : vector<16xi32>) : vector<16xi1>, vector<16xi32>
        %gather3A = tpu.vector_load_idx %arg15[%get3A_236] : memref<32768xi32, #tpu.memory_space<vmem>>[vector<16xi32>], vector<16xi32>,
        %add3A_240 = arith.addi %gather3A, %unique3A_239 : vector<16xi32>
        %sub3A_241 = arith.constant 1 : i32
        %sub3A_242 = vector.broadcast %sub3A_241 : i32 to vector<16xi32>
        %sub3A_243 = arith.subi %add3A_240, %sub3A_242 : vector<16xi32>
        %mul3A_244 = arith.constant 16 : i32
        %mul3A_245 = arith.muli %add3A_232, %mul3A_244 : i32
        %swap3A = arith.index_cast %mul3A_245 : i32 to index
        %swap3A_246 = tpu.vector_load %arg23[%swap3A] {strides = array<i32>} : memref<2048xi32, #tpu.memory_space<vmem>>, vector<16xi32>,
        tpu.vector_store %arg23[%swap3A], %sub3A_243 {strides = array<i32>} : memref<2048xi32, #tpu.memory_space<vmem>>, vector<16xi32>,
        tpu.vector_store_idx %arg15[%get3A_236], %unique3A_239 masked %unique3A {add = true} : memref<32768xi32, #tpu.memory_space<vmem>>[vector<16xi32>], vector<16xi32>, vector<16xi1>
        %mul3A_247 = arith.constant 32768 : i32
        %mul3A_248 = arith.muli %select_n3A_28, %mul3A_247 : i32
        %mul3A_249 = arith.constant 2048 : i32
        %mul3A_250 = arith.muli %add3A_203, %mul3A_249 : i32
        %add3A_251 = arith.addi %mul3A_248, %mul3A_250 : i32
        %mul3A_252 = arith.constant 16 : i32
        %mul3A_253 = arith.muli %add3A_232, %mul3A_252 : i32
        %add3A_254 = arith.addi %add3A_251, %mul3A_253 : i32
        %add3A_255 = vector.broadcast %add3A_254 : i32 to vector<16xi32>
        %add3A_256 = arith.addi %add3A_255, %iota3A : vector<16xi32>
        %mul3A_257 = arith.constant 16 : i32
        %mul3A_258 = arith.muli %add3A_232, %mul3A_257 : i32
        %swap3A_259 = arith.index_cast %mul3A_258 : i32 to index
        %swap3A_260 = tpu.vector_load %arg25[%swap3A_259] {strides = array<i32>} : memref<2048xi32, #tpu.memory_space<vmem>>, vector<16xi32>,
        tpu.vector_store %arg25[%swap3A_259], %add3A_256 {strides = array<i32>} : memref<2048xi32, #tpu.memory_space<vmem>>, vector<16xi32>,
        %mul3A_261 = arith.constant 4 : i32
        %mul3A_262 = arith.muli %scan3A_228, %mul3A_261 : i32
        %add3A_263 = arith.constant 1 : i32
        %add3A_264 = arith.addi %mul3A_262, %add3A_263 : i32
        %mul3A_265 = arith.constant 16 : i32
        %mul3A_266 = arith.muli %add3A_264, %mul3A_265 : i32
        %get3A_267 = arith.index_cast %mul3A_266 : i32 to index
        %get3A_268 = tpu.vector_load %arg27[%get3A_267] {strides = array<i32>} : memref<2048xi32, #tpu.memory_space<vmem>>, vector<16xi32>,
        %broadcast_in_dim3A_269 = arith.constant true
        %broadcast_in_dim3A_270 = vector.broadcast %broadcast_in_dim3A_269 : i1 to vector<16xi1>
        %unique3A_271, %unique3A_272 = tpu.scan_count mask(%broadcast_in_dim3A_270 : vector<16xi1>) value(%get3A_268 : vector<16xi32>) : vector<16xi1>, vector<16xi32>
        %gather3A_273 = tpu.vector_load_idx %arg15[%get3A_268] : memref<32768xi32, #tpu.memory_space<vmem>>[vector<16xi32>], vector<16xi32>,
        %add3A_274 = arith.addi %gather3A_273, %unique3A_272 : vector<16xi32>
        %sub3A_275 = arith.constant 1 : i32
        %sub3A_276 = vector.broadcast %sub3A_275 : i32 to vector<16xi32>
        %sub3A_277 = arith.subi %add3A_274, %sub3A_276 : vector<16xi32>
        %mul3A_278 = arith.constant 16 : i32
        %mul3A_279 = arith.muli %add3A_264, %mul3A_278 : i32
        %swap3A_280 = arith.index_cast %mul3A_279 : i32 to index
        %swap3A_281 = tpu.vector_load %arg23[%swap3A_280] {strides = array<i32>} : memref<2048xi32, #tpu.memory_space<vmem>>, vector<16xi32>,
        tpu.vector_store %arg23[%swap3A_280], %sub3A_277 {strides = array<i32>} : memref<2048xi32, #tpu.memory_space<vmem>>, vector<16xi32>,
        tpu.vector_store_idx %arg15[%get3A_268], %unique3A_272 masked %unique3A_271 {add = true} : memref<32768xi32, #tpu.memory_space<vmem>>[vector<16xi32>], vector<16xi32>, vector<16xi1>
        %mul3A_282 = arith.constant 32768 : i32
        %mul3A_283 = arith.muli %select_n3A_28, %mul3A_282 : i32
        %mul3A_284 = arith.constant 2048 : i32
        %mul3A_285 = arith.muli %add3A_203, %mul3A_284 : i32
        %add3A_286 = arith.addi %mul3A_283, %mul3A_285 : i32
        %mul3A_287 = arith.constant 16 : i32
        %mul3A_288 = arith.muli %add3A_264, %mul3A_287 : i32
        %add3A_289 = arith.addi %add3A_286, %mul3A_288 : i32
        %add3A_290 = vector.broadcast %add3A_289 : i32 to vector<16xi32>
        %add3A_291 = arith.addi %add3A_290, %iota3A : vector<16xi32>
        %mul3A_292 = arith.constant 16 : i32
        %mul3A_293 = arith.muli %add3A_264, %mul3A_292 : i32
        %swap3A_294 = arith.index_cast %mul3A_293 : i32 to index
        %swap3A_295 = tpu.vector_load %arg25[%swap3A_294] {strides = array<i32>} : memref<2048xi32, #tpu.memory_space<vmem>>, vector<16xi32>,
        tpu.vector_store %arg25[%swap3A_294], %add3A_291 {strides = array<i32>} : memref<2048xi32, #tpu.memory_space<vmem>>, vector<16xi32>,
        %mul3A_296 = arith.constant 4 : i32
        %mul3A_297 = arith.muli %scan3A_228, %mul3A_296 : i32
        %add3A_298 = arith.constant 2 : i32
        %add3A_299 = arith.addi %mul3A_297, %add3A_298 : i32
        %mul3A_300 = arith.constant 16 : i32
        %mul3A_301 = arith.muli %add3A_299, %mul3A_300 : i32
        %get3A_302 = arith.index_cast %mul3A_301 : i32 to index
        %get3A_303 = tpu.vector_load %arg27[%get3A_302] {strides = array<i32>} : memref<2048xi32, #tpu.memory_space<vmem>>, vector<16xi32>,
        %broadcast_in_dim3A_304 = arith.constant true
        %broadcast_in_dim3A_305 = vector.broadcast %broadcast_in_dim3A_304 : i1 to vector<16xi1>
        %unique3A_306, %unique3A_307 = tpu.scan_count mask(%broadcast_in_dim3A_305 : vector<16xi1>) value(%get3A_303 : vector<16xi32>) : vector<16xi1>, vector<16xi32>
        %gather3A_308 = tpu.vector_load_idx %arg15[%get3A_303] : memref<32768xi32, #tpu.memory_space<vmem>>[vector<16xi32>], vector<16xi32>,
        %add3A_309 = arith.addi %gather3A_308, %unique3A_307 : vector<16xi32>
        %sub3A_310 = arith.constant 1 : i32
        %sub3A_311 = vector.broadcast %sub3A_310 : i32 to vector<16xi32>
        %sub3A_312 = arith.subi %add3A_309, %sub3A_311 : vector<16xi32>
        %mul3A_313 = arith.constant 16 : i32
        %mul3A_314 = arith.muli %add3A_299, %mul3A_313 : i32
        %swap3A_315 = arith.index_cast %mul3A_314 : i32 to index
        %swap3A_316 = tpu.vector_load %arg23[%swap3A_315] {strides = array<i32>} : memref<2048xi32, #tpu.memory_space<vmem>>, vector<16xi32>,
        tpu.vector_store %arg23[%swap3A_315], %sub3A_312 {strides = array<i32>} : memref<2048xi32, #tpu.memory_space<vmem>>, vector<16xi32>,
        tpu.vector_store_idx %arg15[%get3A_303], %unique3A_307 masked %unique3A_306 {add = true} : memref<32768xi32, #tpu.memory_space<vmem>>[vector<16xi32>], vector<16xi32>, vector<16xi1>
        %mul3A_317 = arith.constant 32768 : i32
        %mul3A_318 = arith.muli %select_n3A_28, %mul3A_317 : i32
        %mul3A_319 = arith.constant 2048 : i32
        %mul3A_320 = arith.muli %add3A_203, %mul3A_319 : i32
        %add3A_321 = arith.addi %mul3A_318, %mul3A_320 : i32
        %mul3A_322 = arith.constant 16 : i32
        %mul3A_323 = arith.muli %add3A_299, %mul3A_322 : i32
        %add3A_324 = arith.addi %add3A_321, %mul3A_323 : i32
        %add3A_325 = vector.broadcast %add3A_324 : i32 to vector<16xi32>
        %add3A_326 = arith.addi %add3A_325, %iota3A : vector<16xi32>
        %mul3A_327 = arith.constant 16 : i32
        %mul3A_328 = arith.muli %add3A_299, %mul3A_327 : i32
        %swap3A_329 = arith.index_cast %mul3A_328 : i32 to index
        %swap3A_330 = tpu.vector_load %arg25[%swap3A_329] {strides = array<i32>} : memref<2048xi32, #tpu.memory_space<vmem>>, vector<16xi32>,
        tpu.vector_store %arg25[%swap3A_329], %add3A_326 {strides = array<i32>} : memref<2048xi32, #tpu.memory_space<vmem>>, vector<16xi32>,
        %mul3A_331 = arith.constant 4 : i32
        %mul3A_332 = arith.muli %scan3A_228, %mul3A_331 : i32
        %add3A_333 = arith.constant 3 : i32
        %add3A_334 = arith.addi %mul3A_332, %add3A_333 : i32
        %mul3A_335 = arith.constant 16 : i32
        %mul3A_336 = arith.muli %add3A_334, %mul3A_335 : i32
        %get3A_337 = arith.index_cast %mul3A_336 : i32 to index
        %get3A_338 = tpu.vector_load %arg27[%get3A_337] {strides = array<i32>} : memref<2048xi32, #tpu.memory_space<vmem>>, vector<16xi32>,
        %broadcast_in_dim3A_339 = arith.constant true
        %broadcast_in_dim3A_340 = vector.broadcast %broadcast_in_dim3A_339 : i1 to vector<16xi1>
        %unique3A_341, %unique3A_342 = tpu.scan_count mask(%broadcast_in_dim3A_340 : vector<16xi1>) value(%get3A_338 : vector<16xi32>) : vector<16xi1>, vector<16xi32>
        %gather3A_343 = tpu.vector_load_idx %arg15[%get3A_338] : memref<32768xi32, #tpu.memory_space<vmem>>[vector<16xi32>], vector<16xi32>,
        %add3A_344 = arith.addi %gather3A_343, %unique3A_342 : vector<16xi32>
        %sub3A_345 = arith.constant 1 : i32
        %sub3A_346 = vector.broadcast %sub3A_345 : i32 to vector<16xi32>
        %sub3A_347 = arith.subi %add3A_344, %sub3A_346 : vector<16xi32>
        %mul3A_348 = arith.constant 16 : i32
        %mul3A_349 = arith.muli %add3A_334, %mul3A_348 : i32
        %swap3A_350 = arith.index_cast %mul3A_349 : i32 to index
        %swap3A_351 = tpu.vector_load %arg23[%swap3A_350] {strides = array<i32>} : memref<2048xi32, #tpu.memory_space<vmem>>, vector<16xi32>,
        tpu.vector_store %arg23[%swap3A_350], %sub3A_347 {strides = array<i32>} : memref<2048xi32, #tpu.memory_space<vmem>>, vector<16xi32>,
        tpu.vector_store_idx %arg15[%get3A_338], %unique3A_342 masked %unique3A_341 {add = true} : memref<32768xi32, #tpu.memory_space<vmem>>[vector<16xi32>], vector<16xi32>, vector<16xi1>
        %mul3A_352 = arith.constant 32768 : i32
        %mul3A_353 = arith.muli %select_n3A_28, %mul3A_352 : i32
        %mul3A_354 = arith.constant 2048 : i32
        %mul3A_355 = arith.muli %add3A_203, %mul3A_354 : i32
        %add3A_356 = arith.addi %mul3A_353, %mul3A_355 : i32
        %mul3A_357 = arith.constant 16 : i32
        %mul3A_358 = arith.muli %add3A_334, %mul3A_357 : i32
        %add3A_359 = arith.addi %add3A_356, %mul3A_358 : i32
        %add3A_360 = vector.broadcast %add3A_359 : i32 to vector<16xi32>
        %add3A_361 = arith.addi %add3A_360, %iota3A : vector<16xi32>
        %mul3A_362 = arith.constant 16 : i32
        %mul3A_363 = arith.muli %add3A_334, %mul3A_362 : i32
        %swap3A_364 = arith.index_cast %mul3A_363 : i32 to index
        %swap3A_365 = tpu.vector_load %arg25[%swap3A_364] {strides = array<i32>} : memref<2048xi32, #tpu.memory_space<vmem>>, vector<16xi32>,
        tpu.vector_store %arg25[%swap3A_364], %add3A_361 {strides = array<i32>} : memref<2048xi32, #tpu.memory_space<vmem>>, vector<16xi32>,
      }
      %scan3A_225 = arith.constant 32 : i32
      %dma_start3A_226 = arith.constant 0 : i32
      %dma_start3A_227 = tpu.memref_slice %arg30[%dma_start3A_226] : memref<524288xi32, #tpu.memory_space<vmem_shared>> -> memref<524288xi32, #tpu.memory_space<vmem_shared>>
      tpu.enqueue_indirect_dma source(%arg25 : memref<2048xi32, #tpu.memory_space<vmem>>) target(%dma_start3A_227 : memref<524288xi32, #tpu.memory_space<vmem_shared>>) offsets(%arg23 : memref<2048xi32, #tpu.memory_space<vmem>>) semaphore(%arg35 : memref<!tpu.dma_semaphore, #tpu.memory_space<semaphore_mem>>)
    }
    %scan3A_100 = arith.constant 8 : i32
    %dma_wait3A_101 = arith.constant 0 : i32
    %dma_wait3A_102 = tpu.memref_slice %arg30[%dma_wait3A_101] : memref<524288xi32, #tpu.memory_space<vmem_shared>> -> memref<524288xi32, #tpu.memory_space<vmem_shared>>
    tpu.wait_indirect_dma semaphore(%arg34 : memref<!tpu.dma_semaphore, #tpu.memory_space<semaphore_mem>>) src(%arg24 : memref<2048xi32, #tpu.memory_space<vmem>>) dst(%dma_wait3A_102 : memref<524288xi32, #tpu.memory_space<vmem_shared>>)
    %dma_wait3A_103 = arith.constant 0 : i32
    %dma_wait3A_104 = tpu.memref_slice %arg30[%dma_wait3A_103] : memref<524288xi32, #tpu.memory_space<vmem_shared>> -> memref<524288xi32, #tpu.memory_space<vmem_shared>>
    tpu.wait_indirect_dma semaphore(%arg35 : memref<!tpu.dma_semaphore, #tpu.memory_space<semaphore_mem>>) src(%arg25 : memref<2048xi32, #tpu.memory_space<vmem>>) dst(%dma_wait3A_104 : memref<524288xi32, #tpu.memory_space<vmem_shared>>)
    %barrier3A_105 = arith.constant 0 : index
    tpu.barrier barrier_id(%barrier3A_105)
    %mul3A_106 = arith.constant 65536 : i32
    %mul3A_107 = arith.muli %select_n3A, %mul3A_106 : i32
    %mul3A_108 = arith.constant 32768 : i32
    %mul3A_109 = arith.muli %select_n3A_28, %mul3A_108 : i32
    %add3A_110 = arith.addi %mul3A_107, %mul3A_109 : i32
    %mul3A_111 = arith.constant 32768 : i32
    %mul3A_112 = arith.muli %select_n3A_28, %mul3A_111 : i32
    %dma_start3A_113 = tpu.memref_slice %arg11[%add3A_30, %mul3A_112] : memref<16x65536xi32, #tpu.memory_space<hbm>> -> memref<1x32768xi32, #tpu.memory_space<hbm>>
    %dma_start3A_114 = tpu.memref_squeeze %dma_start3A_113 : memref<1x32768xi32, #tpu.memory_space<hbm>> -> memref<32768xi32, #tpu.memory_space<hbm>>
    %dma_start3A_115 = tpu.memref_slice %arg30[%add3A_110] : memref<524288xi32, #tpu.memory_space<vmem_shared>> -> memref<32768xi32, #tpu.memory_space<vmem_shared>>
    tpu.enqueue_dma source(%dma_start3A_115 : memref<32768xi32, #tpu.memory_space<vmem_shared>>) target(%dma_start3A_114 : memref<32768xi32, #tpu.memory_space<hbm>>) target_semaphore(%arg31 : memref<!tpu.dma_semaphore, #tpu.memory_space<semaphore_mem>>)
    %mul3A_116 = arith.constant 65536 : i32
    %mul3A_117 = arith.muli %add3A_30, %mul3A_116 : i32
    %broadcast_in_dim3A_118 = vector.broadcast %mul3A_117 : i32 to vector<16xi32>
    %add3A_119 = arith.constant 0 : i32
    %add3A_120 = arith.addi %add3A_110, %add3A_119 : i32
    "tpu.region"() ({
      %run_scoped3A = tpu.sem_alloc : memref<!tpu.dma_semaphore, #tpu.memory_space<semaphore_mem>>
      %dma_start3A_174 = tpu.memref_slice %arg30[%add3A_120] : memref<524288xi32, #tpu.memory_space<vmem_shared>> -> memref<2048xi32, #tpu.memory_space<vmem_shared>>
      %dma_start3A_175 = tpu.memref_slice %arg30[%add3A_120] : memref<524288xi32, #tpu.memory_space<vmem_shared>> -> memref<2048xi32, #tpu.memory_space<vmem_shared>>
      tpu.enqueue_dma source(%dma_start3A_175 : memref<2048xi32, #tpu.memory_space<vmem_shared>>) target(%arg24 : memref<2048xi32, #tpu.memory_space<vmem>>) target_semaphore(%run_scoped3A : memref<!tpu.dma_semaphore, #tpu.memory_space<semaphore_mem>>)
      %dma_wait3A_176 = tpu.memref_slice %arg30[%add3A_120] : memref<524288xi32, #tpu.memory_space<vmem_shared>> -> memref<2048xi32, #tpu.memory_space<vmem_shared>>
      %dma_wait3A_177 = tpu.memref_slice %arg30[%add3A_120] : memref<524288xi32, #tpu.memory_space<vmem_shared>> -> memref<2048xi32, #tpu.memory_space<vmem_shared>>
      tpu.wait_dma2 semaphore(%run_scoped3A : memref<!tpu.dma_semaphore, #tpu.memory_space<semaphore_mem>>) src(%dma_wait3A_177 : memref<2048xi32, #tpu.memory_space<vmem_shared>>) dst(%arg24 : memref<2048xi32, #tpu.memory_space<vmem>>)
      tpu.yield
    }) : () -> ()
    %scan3A_121 = arith.constant 0 : i32
    %scan3A_122 = arith.constant 0 : i32
    %scan3A_123 = arith.constant 32 : i32
    %scan3A_124 = arith.addi %scan3A_122, %scan3A_123 : i32
    %scan3A_125 = arith.constant 1 : i32
    scf.for %scan3A_174 = %scan3A_122 to %scan3A_124 step %scan3A_125  : i32 {
      %mul3A_175 = arith.constant 4 : i32
      %mul3A_176 = arith.muli %scan3A_174, %mul3A_175 : i32
      %add3A_177 = arith.constant 0 : i32
      %add3A_178 = arith.addi %mul3A_176, %add3A_177 : i32
      %mul3A_179 = arith.constant 16 : i32
      %mul3A_180 = arith.muli %add3A_178, %mul3A_179 : i32
      %get3A_181 = arith.index_cast %mul3A_180 : i32 to index
      %get3A_182 = tpu.vector_load %arg24[%get3A_181] {strides = array<i32>} : memref<2048xi32, #tpu.memory_space<vmem>>, vector<16xi32>,
      %add3A_183 = arith.addi %get3A_182, %broadcast_in_dim3A_118 : vector<16xi32>
      %swap3A = arith.index_cast %mul3A_180 : i32 to index
      %swap3A_184 = tpu.vector_load %arg26[%swap3A] {strides = array<i32>} : memref<2048xi32, #tpu.memory_space<vmem>>, vector<16xi32>,
      tpu.vector_store %arg26[%swap3A], %add3A_183 {strides = array<i32>} : memref<2048xi32, #tpu.memory_space<vmem>>, vector<16xi32>,
      %mul3A_185 = arith.constant 4 : i32
      %mul3A_186 = arith.muli %scan3A_174, %mul3A_185 : i32
      %add3A_187 = arith.constant 1 : i32
      %add3A_188 = arith.addi %mul3A_186, %add3A_187 : i32
      %mul3A_189 = arith.constant 16 : i32
      %mul3A_190 = arith.muli %add3A_188, %mul3A_189 : i32
      %get3A_191 = arith.index_cast %mul3A_190 : i32 to index
      %get3A_192 = tpu.vector_load %arg24[%get3A_191] {strides = array<i32>} : memref<2048xi32, #tpu.memory_space<vmem>>, vector<16xi32>,
      %add3A_193 = arith.addi %get3A_192, %broadcast_in_dim3A_118 : vector<16xi32>
      %swap3A_194 = arith.index_cast %mul3A_190 : i32 to index
      %swap3A_195 = tpu.vector_load %arg26[%swap3A_194] {strides = array<i32>} : memref<2048xi32, #tpu.memory_space<vmem>>, vector<16xi32>,
      tpu.vector_store %arg26[%swap3A_194], %add3A_193 {strides = array<i32>} : memref<2048xi32, #tpu.memory_space<vmem>>, vector<16xi32>,
      %mul3A_196 = arith.constant 4 : i32
      %mul3A_197 = arith.muli %scan3A_174, %mul3A_196 : i32
      %add3A_198 = arith.constant 2 : i32
      %add3A_199 = arith.addi %mul3A_197, %add3A_198 : i32
      %mul3A_200 = arith.constant 16 : i32
      %mul3A_201 = arith.muli %add3A_199, %mul3A_200 : i32
      %get3A_202 = arith.index_cast %mul3A_201 : i32 to index
      %get3A_203 = tpu.vector_load %arg24[%get3A_202] {strides = array<i32>} : memref<2048xi32, #tpu.memory_space<vmem>>, vector<16xi32>,
      %add3A_204 = arith.addi %get3A_203, %broadcast_in_dim3A_118 : vector<16xi32>
      %swap3A_205 = arith.index_cast %mul3A_201 : i32 to index
      %swap3A_206 = tpu.vector_load %arg26[%swap3A_205] {strides = array<i32>} : memref<2048xi32, #tpu.memory_space<vmem>>, vector<16xi32>,
      tpu.vector_store %arg26[%swap3A_205], %add3A_204 {strides = array<i32>} : memref<2048xi32, #tpu.memory_space<vmem>>, vector<16xi32>,
      %mul3A_207 = arith.constant 4 : i32
      %mul3A_208 = arith.muli %scan3A_174, %mul3A_207 : i32
      %add3A_209 = arith.constant 3 : i32
      %add3A_210 = arith.addi %mul3A_208, %add3A_209 : i32
      %mul3A_211 = arith.constant 16 : i32
      %mul3A_212 = arith.muli %add3A_210, %mul3A_211 : i32
      %get3A_213 = arith.index_cast %mul3A_212 : i32 to index
      %get3A_214 = tpu.vector_load %arg24[%get3A_213] {strides = array<i32>} : memref<2048xi32, #tpu.memory_space<vmem>>, vector<16xi32>,
      %add3A_215 = arith.addi %get3A_214, %broadcast_in_dim3A_118 : vector<16xi32>
      %swap3A_216 = arith.index_cast %mul3A_212 : i32 to index
      %swap3A_217 = tpu.vector_load %arg26[%swap3A_216] {strides = array<i32>} : memref<2048xi32, #tpu.memory_space<vmem>>, vector<16xi32>,
      tpu.vector_store %arg26[%swap3A_216], %add3A_215 {strides = array<i32>} : memref<2048xi32, #tpu.memory_space<vmem>>, vector<16xi32>,
    }
    %scan3A_126 = arith.constant 32 : i32
    %dma_start3A_127 = arith.constant 0 : i32
    %dma_start3A_128 = tpu.memref_slice %arg2[%dma_start3A_127] : memref<1048576xf32, #tpu.memory_space<hbm>> -> memref<1048576xf32, #tpu.memory_space<hbm>>
    tpu.enqueue_indirect_dma source(%dma_start3A_128 : memref<1048576xf32, #tpu.memory_space<hbm>>) target(%arg16 : memref<2048xf32, #tpu.memory_space<vmem>>) offsets(%arg26 : memref<2048xi32, #tpu.memory_space<vmem>>) semaphore(%arg34 : memref<!tpu.dma_semaphore, #tpu.memory_space<semaphore_mem>>)
    %dma_start3A_129 = arith.constant 0 : i32
    %dma_start3A_130 = tpu.memref_slice %arg3[%dma_start3A_129] : memref<1048576xf32, #tpu.memory_space<hbm>> -> memref<1048576xf32, #tpu.memory_space<hbm>>
    tpu.enqueue_indirect_dma source(%dma_start3A_130 : memref<1048576xf32, #tpu.memory_space<hbm>>) target(%arg17 : memref<2048xf32, #tpu.memory_space<vmem>>) offsets(%arg26 : memref<2048xi32, #tpu.memory_space<vmem>>) semaphore(%arg34 : memref<!tpu.dma_semaphore, #tpu.memory_space<semaphore_mem>>)
    %dma_start3A_131 = arith.constant 0 : i32
    %dma_start3A_132 = tpu.memref_slice %arg4[%dma_start3A_131] : memref<1048576xf32, #tpu.memory_space<hbm>> -> memref<1048576xf32, #tpu.memory_space<hbm>>
    tpu.enqueue_indirect_dma source(%dma_start3A_132 : memref<1048576xf32, #tpu.memory_space<hbm>>) target(%arg18 : memref<2048xf32, #tpu.memory_space<vmem>>) offsets(%arg26 : memref<2048xi32, #tpu.memory_space<vmem>>) semaphore(%arg34 : memref<!tpu.dma_semaphore, #tpu.memory_space<semaphore_mem>>)
    %scan3A_133 = arith.constant 0 : i32
    %scan3A_134 = arith.constant 0 : i32
    %scan3A_135 = arith.constant 8 : i32
    %scan3A_136 = arith.addi %scan3A_134, %scan3A_135 : i32
    %scan3A_137 = arith.constant 1 : i32
    scf.for %scan3A_174 = %scan3A_134 to %scan3A_136 step %scan3A_137  : i32 {
      %mul3A_175 = arith.constant 2 : i32
      %mul3A_176 = arith.muli %scan3A_174, %mul3A_175 : i32
      %add3A_177 = arith.constant 0 : i32
      %add3A_178 = arith.addi %mul3A_176, %add3A_177 : i32
      %add3A_179 = arith.constant 1 : i32
      %add3A_180 = arith.addi %add3A_178, %add3A_179 : i32
      %lt3A_181 = arith.constant 16 : i32
      %lt3A_182 = arith.cmpi slt, %add3A_180, %lt3A_181 : i32
      %convert_element_type3A = arith.extui %lt3A_182 : i1 to i32
      %cond3A = arith.constant 0 : i32
      %cond3A_183 = arith.cmpi ne, %convert_element_type3A, %cond3A : i32
      scf.if %cond3A_183 {
        %add3A_265 = arith.constant 1 : i32
        %add3A_266 = arith.addi %add3A_178, %add3A_265 : i32
        %ge3A = arith.constant 2 : i32
        %ge3A_267 = arith.cmpi sge, %add3A_266, %ge3A : i32
        %convert_element_type3A_268 = arith.extui %ge3A_267 : i1 to i32
        %cond3A_269 = arith.constant 0 : i32
        %cond3A_270 = arith.cmpi ne, %convert_element_type3A_268, %cond3A_269 : i32
        scf.if %cond3A_270 {
          %sub3A_286 = arith.constant 2 : i32
          %sub3A_287 = arith.subi %add3A_266, %sub3A_286 : i32
          %mul3A_288 = arith.constant 32768 : i32
          %mul3A_289 = arith.muli %select_n3A_28, %mul3A_288 : i32
          %mul3A_290 = arith.constant 2048 : i32
          %mul3A_291 = arith.muli %sub3A_287, %mul3A_290 : i32
          %add3A_292 = arith.addi %mul3A_289, %mul3A_291 : i32
          %dma_wait3A_293 = tpu.memref_slice %arg8[%add3A_30, %add3A_292] : memref<16x65536xf32, #tpu.memory_space<hbm>> -> memref<1x2048xf32, #tpu.memory_space<hbm>>
          %dma_wait3A_294 = tpu.memref_squeeze %dma_wait3A_293 : memref<1x2048xf32, #tpu.memory_space<hbm>> -> memref<2048xf32, #tpu.memory_space<hbm>>
          %dma_wait3A_295 = tpu.memref_slice %arg8[%add3A_30, %add3A_292] : memref<16x65536xf32, #tpu.memory_space<hbm>> -> memref<1x2048xf32, #tpu.memory_space<hbm>>
          %dma_wait3A_296 = tpu.memref_squeeze %dma_wait3A_295 : memref<1x2048xf32, #tpu.memory_space<hbm>> -> memref<2048xf32, #tpu.memory_space<hbm>>
          tpu.wait_dma2 semaphore(%arg33 : memref<!tpu.dma_semaphore, #tpu.memory_space<semaphore_mem>>) src(%arg19 : memref<2048xf32, #tpu.memory_space<vmem>>) dst(%dma_wait3A_296 : memref<2048xf32, #tpu.memory_space<hbm>>)
          %dma_wait3A_297 = tpu.memref_slice %arg9[%add3A_30, %add3A_292] : memref<16x65536xf32, #tpu.memory_space<hbm>> -> memref<1x2048xf32, #tpu.memory_space<hbm>>
          %dma_wait3A_298 = tpu.memref_squeeze %dma_wait3A_297 : memref<1x2048xf32, #tpu.memory_space<hbm>> -> memref<2048xf32, #tpu.memory_space<hbm>>
          %dma_wait3A_299 = tpu.memref_slice %arg9[%add3A_30, %add3A_292] : memref<16x65536xf32, #tpu.memory_space<hbm>> -> memref<1x2048xf32, #tpu.memory_space<hbm>>
          %dma_wait3A_300 = tpu.memref_squeeze %dma_wait3A_299 : memref<1x2048xf32, #tpu.memory_space<hbm>> -> memref<2048xf32, #tpu.memory_space<hbm>>
          tpu.wait_dma2 semaphore(%arg33 : memref<!tpu.dma_semaphore, #tpu.memory_space<semaphore_mem>>) src(%arg20 : memref<2048xf32, #tpu.memory_space<vmem>>) dst(%dma_wait3A_300 : memref<2048xf32, #tpu.memory_space<hbm>>)
          %dma_wait3A_301 = tpu.memref_slice %arg10[%add3A_30, %add3A_292] : memref<16x65536xf32, #tpu.memory_space<hbm>> -> memref<1x2048xf32, #tpu.memory_space<hbm>>
          %dma_wait3A_302 = tpu.memref_squeeze %dma_wait3A_301 : memref<1x2048xf32, #tpu.memory_space<hbm>> -> memref<2048xf32, #tpu.memory_space<hbm>>
          %dma_wait3A_303 = tpu.memref_slice %arg10[%add3A_30, %add3A_292] : memref<16x65536xf32, #tpu.memory_space<hbm>> -> memref<1x2048xf32, #tpu.memory_space<hbm>>
          %dma_wait3A_304 = tpu.memref_squeeze %dma_wait3A_303 : memref<1x2048xf32, #tpu.memory_space<hbm>> -> memref<2048xf32, #tpu.memory_space<hbm>>
          tpu.wait_dma2 semaphore(%arg33 : memref<!tpu.dma_semaphore, #tpu.memory_space<semaphore_mem>>) src(%arg21 : memref<2048xf32, #tpu.memory_space<vmem>>) dst(%dma_wait3A_304 : memref<2048xf32, #tpu.memory_space<hbm>>)
        } else {
        }
        %mul3A_271 = arith.constant 2048 : i32
        %mul3A_272 = arith.muli %add3A_266, %mul3A_271 : i32
        %add3A_273 = arith.addi %add3A_110, %mul3A_272 : i32
        "tpu.region"() ({
          %run_scoped3A = tpu.sem_alloc : memref<!tpu.dma_semaphore, #tpu.memory_space<semaphore_mem>>
          %dma_start3A_286 = tpu.memref_slice %arg30[%add3A_273] : memref<524288xi32, #tpu.memory_space<vmem_shared>> -> memref<2048xi32, #tpu.memory_space<vmem_shared>>
          %dma_start3A_287 = tpu.memref_slice %arg30[%add3A_273] : memref<524288xi32, #tpu.memory_space<vmem_shared>> -> memref<2048xi32, #tpu.memory_space<vmem_shared>>
          tpu.enqueue_dma source(%dma_start3A_287 : memref<2048xi32, #tpu.memory_space<vmem_shared>>) target(%arg25 : memref<2048xi32, #tpu.memory_space<vmem>>) target_semaphore(%run_scoped3A : memref<!tpu.dma_semaphore, #tpu.memory_space<semaphore_mem>>)
          %dma_wait3A_288 = tpu.memref_slice %arg30[%add3A_273] : memref<524288xi32, #tpu.memory_space<vmem_shared>> -> memref<2048xi32, #tpu.memory_space<vmem_shared>>
          %dma_wait3A_289 = tpu.memref_slice %arg30[%add3A_273] : memref<524288xi32, #tpu.memory_space<vmem_shared>> -> memref<2048xi32, #tpu.memory_space<vmem_shared>>
          tpu.wait_dma2 semaphore(%run_scoped3A : memref<!tpu.dma_semaphore, #tpu.memory_space<semaphore_mem>>) src(%dma_wait3A_289 : memref<2048xi32, #tpu.memory_space<vmem_shared>>) dst(%arg25 : memref<2048xi32, #tpu.memory_space<vmem>>)
          tpu.yield
        }) : () -> ()
        %scan3A_274 = arith.constant 0 : i32
        %scan3A_275 = arith.constant 0 : i32
        %scan3A_276 = arith.constant 32 : i32
        %scan3A_277 = arith.addi %scan3A_275, %scan3A_276 : i32
        %scan3A_278 = arith.constant 1 : i32
        scf.for %scan3A_286 = %scan3A_275 to %scan3A_277 step %scan3A_278  : i32 {
          %mul3A_287 = arith.constant 4 : i32
          %mul3A_288 = arith.muli %scan3A_286, %mul3A_287 : i32
          %add3A_289 = arith.constant 0 : i32
          %add3A_290 = arith.addi %mul3A_288, %add3A_289 : i32
          %mul3A_291 = arith.constant 16 : i32
          %mul3A_292 = arith.muli %add3A_290, %mul3A_291 : i32
          %get3A_293 = arith.index_cast %mul3A_292 : i32 to index
          %get3A_294 = tpu.vector_load %arg25[%get3A_293] {strides = array<i32>} : memref<2048xi32, #tpu.memory_space<vmem>>, vector<16xi32>,
          %add3A_295 = arith.addi %get3A_294, %broadcast_in_dim3A_118 : vector<16xi32>
          %swap3A = arith.index_cast %mul3A_292 : i32 to index
          %swap3A_296 = tpu.vector_load %arg27[%swap3A] {strides = array<i32>} : memref<2048xi32, #tpu.memory_space<vmem>>, vector<16xi32>,
          tpu.vector_store %arg27[%swap3A], %add3A_295 {strides = array<i32>} : memref<2048xi32, #tpu.memory_space<vmem>>, vector<16xi32>,
          %mul3A_297 = arith.constant 4 : i32
          %mul3A_298 = arith.muli %scan3A_286, %mul3A_297 : i32
          %add3A_299 = arith.constant 1 : i32
          %add3A_300 = arith.addi %mul3A_298, %add3A_299 : i32
          %mul3A_301 = arith.constant 16 : i32
          %mul3A_302 = arith.muli %add3A_300, %mul3A_301 : i32
          %get3A_303 = arith.index_cast %mul3A_302 : i32 to index
          %get3A_304 = tpu.vector_load %arg25[%get3A_303] {strides = array<i32>} : memref<2048xi32, #tpu.memory_space<vmem>>, vector<16xi32>,
          %add3A_305 = arith.addi %get3A_304, %broadcast_in_dim3A_118 : vector<16xi32>
          %swap3A_306 = arith.index_cast %mul3A_302 : i32 to index
          %swap3A_307 = tpu.vector_load %arg27[%swap3A_306] {strides = array<i32>} : memref<2048xi32, #tpu.memory_space<vmem>>, vector<16xi32>,
          tpu.vector_store %arg27[%swap3A_306], %add3A_305 {strides = array<i32>} : memref<2048xi32, #tpu.memory_space<vmem>>, vector<16xi32>,
          %mul3A_308 = arith.constant 4 : i32
          %mul3A_309 = arith.muli %scan3A_286, %mul3A_308 : i32
          %add3A_310 = arith.constant 2 : i32
          %add3A_311 = arith.addi %mul3A_309, %add3A_310 : i32
          %mul3A_312 = arith.constant 16 : i32
          %mul3A_313 = arith.muli %add3A_311, %mul3A_312 : i32
          %get3A_314 = arith.index_cast %mul3A_313 : i32 to index
          %get3A_315 = tpu.vector_load %arg25[%get3A_314] {strides = array<i32>} : memref<2048xi32, #tpu.memory_space<vmem>>, vector<16xi32>,
          %add3A_316 = arith.addi %get3A_315, %broadcast_in_dim3A_118 : vector<16xi32>
          %swap3A_317 = arith.index_cast %mul3A_313 : i32 to index
          %swap3A_318 = tpu.vector_load %arg27[%swap3A_317] {strides = array<i32>} : memref<2048xi32, #tpu.memory_space<vmem>>, vector<16xi32>,
          tpu.vector_store %arg27[%swap3A_317], %add3A_316 {strides = array<i32>} : memref<2048xi32, #tpu.memory_space<vmem>>, vector<16xi32>,
          %mul3A_319 = arith.constant 4 : i32
          %mul3A_320 = arith.muli %scan3A_286, %mul3A_319 : i32
          %add3A_321 = arith.constant 3 : i32
          %add3A_322 = arith.addi %mul3A_320, %add3A_321 : i32
          %mul3A_323 = arith.constant 16 : i32
          %mul3A_324 = arith.muli %add3A_322, %mul3A_323 : i32
          %get3A_325 = arith.index_cast %mul3A_324 : i32 to index
          %get3A_326 = tpu.vector_load %arg25[%get3A_325] {strides = array<i32>} : memref<2048xi32, #tpu.memory_space<vmem>>, vector<16xi32>,
          %add3A_327 = arith.addi %get3A_326, %broadcast_in_dim3A_118 : vector<16xi32>
          %swap3A_328 = arith.index_cast %mul3A_324 : i32 to index
          %swap3A_329 = tpu.vector_load %arg27[%swap3A_328] {strides = array<i32>} : memref<2048xi32, #tpu.memory_space<vmem>>, vector<16xi32>,
          tpu.vector_store %arg27[%swap3A_328], %add3A_327 {strides = array<i32>} : memref<2048xi32, #tpu.memory_space<vmem>>, vector<16xi32>,
        }
        %scan3A_279 = arith.constant 32 : i32
        %dma_start3A_280 = arith.constant 0 : i32
        %dma_start3A_281 = tpu.memref_slice %arg2[%dma_start3A_280] : memref<1048576xf32, #tpu.memory_space<hbm>> -> memref<1048576xf32, #tpu.memory_space<hbm>>
        tpu.enqueue_indirect_dma source(%dma_start3A_281 : memref<1048576xf32, #tpu.memory_space<hbm>>) target(%arg19 : memref<2048xf32, #tpu.memory_space<vmem>>) offsets(%arg27 : memref<2048xi32, #tpu.memory_space<vmem>>) semaphore(%arg35 : memref<!tpu.dma_semaphore, #tpu.memory_space<semaphore_mem>>)
        %dma_start3A_282 = arith.constant 0 : i32
        %dma_start3A_283 = tpu.memref_slice %arg3[%dma_start3A_282] : memref<1048576xf32, #tpu.memory_space<hbm>> -> memref<1048576xf32, #tpu.memory_space<hbm>>
        tpu.enqueue_indirect_dma source(%dma_start3A_283 : memref<1048576xf32, #tpu.memory_space<hbm>>) target(%arg20 : memref<2048xf32, #tpu.memory_space<vmem>>) offsets(%arg27 : memref<2048xi32, #tpu.memory_space<vmem>>) semaphore(%arg35 : memref<!tpu.dma_semaphore, #tpu.memory_space<semaphore_mem>>)
        %dma_start3A_284 = arith.constant 0 : i32
        %dma_start3A_285 = tpu.memref_slice %arg4[%dma_start3A_284] : memref<1048576xf32, #tpu.memory_space<hbm>> -> memref<1048576xf32, #tpu.memory_space<hbm>>
        tpu.enqueue_indirect_dma source(%dma_start3A_285 : memref<1048576xf32, #tpu.memory_space<hbm>>) target(%arg21 : memref<2048xf32, #tpu.memory_space<vmem>>) offsets(%arg27 : memref<2048xi32, #tpu.memory_space<vmem>>) semaphore(%arg35 : memref<!tpu.dma_semaphore, #tpu.memory_space<semaphore_mem>>)
      } else {
      }
      %dma_wait3A_184 = arith.constant 0 : i32
      %dma_wait3A_185 = tpu.memref_slice %arg2[%dma_wait3A_184] : memref<1048576xf32, #tpu.memory_space<hbm>> -> memref<2048xf32, #tpu.memory_space<hbm>>
      %dma_wait3A_186 = arith.constant 0 : i32
      %dma_wait3A_187 = tpu.memref_slice %arg2[%dma_wait3A_186] : memref<1048576xf32, #tpu.memory_space<hbm>> -> memref<2048xf32, #tpu.memory_space<hbm>>
      tpu.wait_dma2 semaphore(%arg34 : memref<!tpu.dma_semaphore, #tpu.memory_space<semaphore_mem>>) src(%dma_wait3A_187 : memref<2048xf32, #tpu.memory_space<hbm>>) dst(%arg16 : memref<2048xf32, #tpu.memory_space<vmem>>)
      %dma_wait3A_188 = arith.constant 0 : i32
      %dma_wait3A_189 = tpu.memref_slice %arg3[%dma_wait3A_188] : memref<1048576xf32, #tpu.memory_space<hbm>> -> memref<2048xf32, #tpu.memory_space<hbm>>
      %dma_wait3A_190 = arith.constant 0 : i32
      %dma_wait3A_191 = tpu.memref_slice %arg3[%dma_wait3A_190] : memref<1048576xf32, #tpu.memory_space<hbm>> -> memref<2048xf32, #tpu.memory_space<hbm>>
      tpu.wait_dma2 semaphore(%arg34 : memref<!tpu.dma_semaphore, #tpu.memory_space<semaphore_mem>>) src(%dma_wait3A_191 : memref<2048xf32, #tpu.memory_space<hbm>>) dst(%arg17 : memref<2048xf32, #tpu.memory_space<vmem>>)
      %dma_wait3A_192 = arith.constant 0 : i32
      %dma_wait3A_193 = tpu.memref_slice %arg4[%dma_wait3A_192] : memref<1048576xf32, #tpu.memory_space<hbm>> -> memref<2048xf32, #tpu.memory_space<hbm>>
      %dma_wait3A_194 = arith.constant 0 : i32
      %dma_wait3A_195 = tpu.memref_slice %arg4[%dma_wait3A_194] : memref<1048576xf32, #tpu.memory_space<hbm>> -> memref<2048xf32, #tpu.memory_space<hbm>>
      tpu.wait_dma2 semaphore(%arg34 : memref<!tpu.dma_semaphore, #tpu.memory_space<semaphore_mem>>) src(%dma_wait3A_195 : memref<2048xf32, #tpu.memory_space<hbm>>) dst(%arg18 : memref<2048xf32, #tpu.memory_space<vmem>>)
      %scan3A_196 = arith.constant 0 : i32
      %scan3A_197 = arith.constant 0 : i32
      %scan3A_198 = arith.constant 32 : i32
      %scan3A_199 = arith.addi %scan3A_197, %scan3A_198 : i32
      %scan3A_200 = arith.constant 1 : i32
      scf.for %scan3A_265 = %scan3A_197 to %scan3A_199 step %scan3A_200  : i32 {
        %mul3A_266 = arith.constant 4 : i32
        %mul3A_267 = arith.muli %scan3A_265, %mul3A_266 : i32
        %add3A_268 = arith.constant 0 : i32
        %add3A_269 = arith.addi %mul3A_267, %add3A_268 : i32
        %mul3A_270 = arith.constant 16 : i32
        %mul3A_271 = arith.muli %add3A_269, %mul3A_270 : i32
        %get3A_272 = arith.index_cast %mul3A_271 : i32 to index
        %get3A_273 = tpu.vector_load %arg16[%get3A_272] {strides = array<i32>} : memref<2048xf32, #tpu.memory_space<vmem>>, vector<16xf32>,
        %sub3A_274 = arith.subf %get3A_273, %get3A_39 : vector<16xf32>
        %swap3A = arith.index_cast %mul3A_271 : i32 to index
        %swap3A_275 = tpu.vector_load %arg16[%swap3A] {strides = array<i32>} : memref<2048xf32, #tpu.memory_space<vmem>>, vector<16xf32>,
        tpu.vector_store %arg16[%swap3A], %sub3A_274 {strides = array<i32>} : memref<2048xf32, #tpu.memory_space<vmem>>, vector<16xf32>,
        %get3A_276 = arith.index_cast %mul3A_271 : i32 to index
        %get3A_277 = tpu.vector_load %arg17[%get3A_276] {strides = array<i32>} : memref<2048xf32, #tpu.memory_space<vmem>>, vector<16xf32>,
        %sub3A_278 = arith.subf %get3A_277, %get3A_41 : vector<16xf32>
        %swap3A_279 = arith.index_cast %mul3A_271 : i32 to index
        %swap3A_280 = tpu.vector_load %arg17[%swap3A_279] {strides = array<i32>} : memref<2048xf32, #tpu.memory_space<vmem>>, vector<16xf32>,
        tpu.vector_store %arg17[%swap3A_279], %sub3A_278 {strides = array<i32>} : memref<2048xf32, #tpu.memory_space<vmem>>, vector<16xf32>,
        %get3A_281 = arith.index_cast %mul3A_271 : i32 to index
        %get3A_282 = tpu.vector_load %arg18[%get3A_281] {strides = array<i32>} : memref<2048xf32, #tpu.memory_space<vmem>>, vector<16xf32>,
        %sub3A_283 = arith.subf %get3A_282, %get3A_43 : vector<16xf32>
        %swap3A_284 = arith.index_cast %mul3A_271 : i32 to index
        %swap3A_285 = tpu.vector_load %arg18[%swap3A_284] {strides = array<i32>} : memref<2048xf32, #tpu.memory_space<vmem>>, vector<16xf32>,
        tpu.vector_store %arg18[%swap3A_284], %sub3A_283 {strides = array<i32>} : memref<2048xf32, #tpu.memory_space<vmem>>, vector<16xf32>,
        %mul3A_286 = arith.constant 4 : i32
        %mul3A_287 = arith.muli %scan3A_265, %mul3A_286 : i32
        %add3A_288 = arith.constant 1 : i32
        %add3A_289 = arith.addi %mul3A_287, %add3A_288 : i32
        %mul3A_290 = arith.constant 16 : i32
        %mul3A_291 = arith.muli %add3A_289, %mul3A_290 : i32
        %get3A_292 = arith.index_cast %mul3A_291 : i32 to index
        %get3A_293 = tpu.vector_load %arg16[%get3A_292] {strides = array<i32>} : memref<2048xf32, #tpu.memory_space<vmem>>, vector<16xf32>,
        %sub3A_294 = arith.subf %get3A_293, %get3A_39 : vector<16xf32>
        %swap3A_295 = arith.index_cast %mul3A_291 : i32 to index
        %swap3A_296 = tpu.vector_load %arg16[%swap3A_295] {strides = array<i32>} : memref<2048xf32, #tpu.memory_space<vmem>>, vector<16xf32>,
        tpu.vector_store %arg16[%swap3A_295], %sub3A_294 {strides = array<i32>} : memref<2048xf32, #tpu.memory_space<vmem>>, vector<16xf32>,
        %get3A_297 = arith.index_cast %mul3A_291 : i32 to index
        %get3A_298 = tpu.vector_load %arg17[%get3A_297] {strides = array<i32>} : memref<2048xf32, #tpu.memory_space<vmem>>, vector<16xf32>,
        %sub3A_299 = arith.subf %get3A_298, %get3A_41 : vector<16xf32>
        %swap3A_300 = arith.index_cast %mul3A_291 : i32 to index
        %swap3A_301 = tpu.vector_load %arg17[%swap3A_300] {strides = array<i32>} : memref<2048xf32, #tpu.memory_space<vmem>>, vector<16xf32>,
        tpu.vector_store %arg17[%swap3A_300], %sub3A_299 {strides = array<i32>} : memref<2048xf32, #tpu.memory_space<vmem>>, vector<16xf32>,
        %get3A_302 = arith.index_cast %mul3A_291 : i32 to index
        %get3A_303 = tpu.vector_load %arg18[%get3A_302] {strides = array<i32>} : memref<2048xf32, #tpu.memory_space<vmem>>, vector<16xf32>,
        %sub3A_304 = arith.subf %get3A_303, %get3A_43 : vector<16xf32>
        %swap3A_305 = arith.index_cast %mul3A_291 : i32 to index
        %swap3A_306 = tpu.vector_load %arg18[%swap3A_305] {strides = array<i32>} : memref<2048xf32, #tpu.memory_space<vmem>>, vector<16xf32>,
        tpu.vector_store %arg18[%swap3A_305], %sub3A_304 {strides = array<i32>} : memref<2048xf32, #tpu.memory_space<vmem>>, vector<16xf32>,
        %mul3A_307 = arith.constant 4 : i32
        %mul3A_308 = arith.muli %scan3A_265, %mul3A_307 : i32
        %add3A_309 = arith.constant 2 : i32
        %add3A_310 = arith.addi %mul3A_308, %add3A_309 : i32
        %mul3A_311 = arith.constant 16 : i32
        %mul3A_312 = arith.muli %add3A_310, %mul3A_311 : i32
        %get3A_313 = arith.index_cast %mul3A_312 : i32 to index
        %get3A_314 = tpu.vector_load %arg16[%get3A_313] {strides = array<i32>} : memref<2048xf32, #tpu.memory_space<vmem>>, vector<16xf32>,
        %sub3A_315 = arith.subf %get3A_314, %get3A_39 : vector<16xf32>
        %swap3A_316 = arith.index_cast %mul3A_312 : i32 to index
        %swap3A_317 = tpu.vector_load %arg16[%swap3A_316] {strides = array<i32>} : memref<2048xf32, #tpu.memory_space<vmem>>, vector<16xf32>,
        tpu.vector_store %arg16[%swap3A_316], %sub3A_315 {strides = array<i32>} : memref<2048xf32, #tpu.memory_space<vmem>>, vector<16xf32>,
        %get3A_318 = arith.index_cast %mul3A_312 : i32 to index
        %get3A_319 = tpu.vector_load %arg17[%get3A_318] {strides = array<i32>} : memref<2048xf32, #tpu.memory_space<vmem>>, vector<16xf32>,
        %sub3A_320 = arith.subf %get3A_319, %get3A_41 : vector<16xf32>
        %swap3A_321 = arith.index_cast %mul3A_312 : i32 to index
        %swap3A_322 = tpu.vector_load %arg17[%swap3A_321] {strides = array<i32>} : memref<2048xf32, #tpu.memory_space<vmem>>, vector<16xf32>,
        tpu.vector_store %arg17[%swap3A_321], %sub3A_320 {strides = array<i32>} : memref<2048xf32, #tpu.memory_space<vmem>>, vector<16xf32>,
        %get3A_323 = arith.index_cast %mul3A_312 : i32 to index
        %get3A_324 = tpu.vector_load %arg18[%get3A_323] {strides = array<i32>} : memref<2048xf32, #tpu.memory_space<vmem>>, vector<16xf32>,
        %sub3A_325 = arith.subf %get3A_324, %get3A_43 : vector<16xf32>
        %swap3A_326 = arith.index_cast %mul3A_312 : i32 to index
        %swap3A_327 = tpu.vector_load %arg18[%swap3A_326] {strides = array<i32>} : memref<2048xf32, #tpu.memory_space<vmem>>, vector<16xf32>,
        tpu.vector_store %arg18[%swap3A_326], %sub3A_325 {strides = array<i32>} : memref<2048xf32, #tpu.memory_space<vmem>>, vector<16xf32>,
        %mul3A_328 = arith.constant 4 : i32
        %mul3A_329 = arith.muli %scan3A_265, %mul3A_328 : i32
        %add3A_330 = arith.constant 3 : i32
        %add3A_331 = arith.addi %mul3A_329, %add3A_330 : i32
        %mul3A_332 = arith.constant 16 : i32
        %mul3A_333 = arith.muli %add3A_331, %mul3A_332 : i32
        %get3A_334 = arith.index_cast %mul3A_333 : i32 to index
        %get3A_335 = tpu.vector_load %arg16[%get3A_334] {strides = array<i32>} : memref<2048xf32, #tpu.memory_space<vmem>>, vector<16xf32>,
        %sub3A_336 = arith.subf %get3A_335, %get3A_39 : vector<16xf32>
        %swap3A_337 = arith.index_cast %mul3A_333 : i32 to index
        %swap3A_338 = tpu.vector_load %arg16[%swap3A_337] {strides = array<i32>} : memref<2048xf32, #tpu.memory_space<vmem>>, vector<16xf32>,
        tpu.vector_store %arg16[%swap3A_337], %sub3A_336 {strides = array<i32>} : memref<2048xf32, #tpu.memory_space<vmem>>, vector<16xf32>,
        %get3A_339 = arith.index_cast %mul3A_333 : i32 to index
        %get3A_340 = tpu.vector_load %arg17[%get3A_339] {strides = array<i32>} : memref<2048xf32, #tpu.memory_space<vmem>>, vector<16xf32>,
        %sub3A_341 = arith.subf %get3A_340, %get3A_41 : vector<16xf32>
        %swap3A_342 = arith.index_cast %mul3A_333 : i32 to index
        %swap3A_343 = tpu.vector_load %arg17[%swap3A_342] {strides = array<i32>} : memref<2048xf32, #tpu.memory_space<vmem>>, vector<16xf32>,
        tpu.vector_store %arg17[%swap3A_342], %sub3A_341 {strides = array<i32>} : memref<2048xf32, #tpu.memory_space<vmem>>, vector<16xf32>,
        %get3A_344 = arith.index_cast %mul3A_333 : i32 to index
        %get3A_345 = tpu.vector_load %arg18[%get3A_344] {strides = array<i32>} : memref<2048xf32, #tpu.memory_space<vmem>>, vector<16xf32>,
        %sub3A_346 = arith.subf %get3A_345, %get3A_43 : vector<16xf32>
        %swap3A_347 = arith.index_cast %mul3A_333 : i32 to index
        %swap3A_348 = tpu.vector_load %arg18[%swap3A_347] {strides = array<i32>} : memref<2048xf32, #tpu.memory_space<vmem>>, vector<16xf32>,
        tpu.vector_store %arg18[%swap3A_347], %sub3A_346 {strides = array<i32>} : memref<2048xf32, #tpu.memory_space<vmem>>, vector<16xf32>,
      }
      %scan3A_201 = arith.constant 32 : i32
      %mul3A_202 = arith.constant 32768 : i32
      %mul3A_203 = arith.muli %select_n3A_28, %mul3A_202 : i32
      %mul3A_204 = arith.constant 2048 : i32
      %mul3A_205 = arith.muli %add3A_178, %mul3A_204 : i32
      %add3A_206 = arith.addi %mul3A_203, %mul3A_205 : i32
      %dma_start3A_207 = tpu.memref_slice %arg8[%add3A_30, %add3A_206] : memref<16x65536xf32, #tpu.memory_space<hbm>> -> memref<1x2048xf32, #tpu.memory_space<hbm>>
      %dma_start3A_208 = tpu.memref_squeeze %dma_start3A_207 : memref<1x2048xf32, #tpu.memory_space<hbm>> -> memref<2048xf32, #tpu.memory_space<hbm>>
      %dma_start3A_209 = tpu.memref_slice %arg8[%add3A_30, %add3A_206] : memref<16x65536xf32, #tpu.memory_space<hbm>> -> memref<1x2048xf32, #tpu.memory_space<hbm>>
      %dma_start3A_210 = tpu.memref_squeeze %dma_start3A_209 : memref<1x2048xf32, #tpu.memory_space<hbm>> -> memref<2048xf32, #tpu.memory_space<hbm>>
      tpu.enqueue_dma source(%arg16 : memref<2048xf32, #tpu.memory_space<vmem>>) target(%dma_start3A_210 : memref<2048xf32, #tpu.memory_space<hbm>>) target_semaphore(%arg32 : memref<!tpu.dma_semaphore, #tpu.memory_space<semaphore_mem>>)
      %dma_start3A_211 = tpu.memref_slice %arg9[%add3A_30, %add3A_206] : memref<16x65536xf32, #tpu.memory_space<hbm>> -> memref<1x2048xf32, #tpu.memory_space<hbm>>
      %dma_start3A_212 = tpu.memref_squeeze %dma_start3A_211 : memref<1x2048xf32, #tpu.memory_space<hbm>> -> memref<2048xf32, #tpu.memory_space<hbm>>
      %dma_start3A_213 = tpu.memref_slice %arg9[%add3A_30, %add3A_206] : memref<16x65536xf32, #tpu.memory_space<hbm>> -> memref<1x2048xf32, #tpu.memory_space<hbm>>
      %dma_start3A_214 = tpu.memref_squeeze %dma_start3A_213 : memref<1x2048xf32, #tpu.memory_space<hbm>> -> memref<2048xf32, #tpu.memory_space<hbm>>
      tpu.enqueue_dma source(%arg17 : memref<2048xf32, #tpu.memory_space<vmem>>) target(%dma_start3A_214 : memref<2048xf32, #tpu.memory_space<hbm>>) target_semaphore(%arg32 : memref<!tpu.dma_semaphore, #tpu.memory_space<semaphore_mem>>)
      %dma_start3A_215 = tpu.memref_slice %arg10[%add3A_30, %add3A_206] : memref<16x65536xf32, #tpu.memory_space<hbm>> -> memref<1x2048xf32, #tpu.memory_space<hbm>>
      %dma_start3A_216 = tpu.memref_squeeze %dma_start3A_215 : memref<1x2048xf32, #tpu.memory_space<hbm>> -> memref<2048xf32, #tpu.memory_space<hbm>>
      %dma_start3A_217 = tpu.memref_slice %arg10[%add3A_30, %add3A_206] : memref<16x65536xf32, #tpu.memory_space<hbm>> -> memref<1x2048xf32, #tpu.memory_space<hbm>>
      %dma_start3A_218 = tpu.memref_squeeze %dma_start3A_217 : memref<1x2048xf32, #tpu.memory_space<hbm>> -> memref<2048xf32, #tpu.memory_space<hbm>>
      tpu.enqueue_dma source(%arg18 : memref<2048xf32, #tpu.memory_space<vmem>>) target(%dma_start3A_218 : memref<2048xf32, #tpu.memory_space<hbm>>) target_semaphore(%arg32 : memref<!tpu.dma_semaphore, #tpu.memory_space<semaphore_mem>>)
      %mul3A_219 = arith.constant 2 : i32
      %mul3A_220 = arith.muli %scan3A_174, %mul3A_219 : i32
      %add3A_221 = arith.constant 1 : i32
      %add3A_222 = arith.addi %mul3A_220, %add3A_221 : i32
      %add3A_223 = arith.constant 1 : i32
      %add3A_224 = arith.addi %add3A_222, %add3A_223 : i32
      %lt3A_225 = arith.constant 16 : i32
      %lt3A_226 = arith.cmpi slt, %add3A_224, %lt3A_225 : i32
      %convert_element_type3A_227 = arith.extui %lt3A_226 : i1 to i32
      %cond3A_228 = arith.constant 0 : i32
      %cond3A_229 = arith.cmpi ne, %convert_element_type3A_227, %cond3A_228 : i32
      scf.if %cond3A_229 {
        %add3A_265 = arith.constant 1 : i32
        %add3A_266 = arith.addi %add3A_222, %add3A_265 : i32
        %ge3A = arith.constant 2 : i32
        %ge3A_267 = arith.cmpi sge, %add3A_266, %ge3A : i32
        %convert_element_type3A_268 = arith.extui %ge3A_267 : i1 to i32
        %cond3A_269 = arith.constant 0 : i32
        %cond3A_270 = arith.cmpi ne, %convert_element_type3A_268, %cond3A_269 : i32
        scf.if %cond3A_270 {
          %sub3A_286 = arith.constant 2 : i32
          %sub3A_287 = arith.subi %add3A_266, %sub3A_286 : i32
          %mul3A_288 = arith.constant 32768 : i32
          %mul3A_289 = arith.muli %select_n3A_28, %mul3A_288 : i32
          %mul3A_290 = arith.constant 2048 : i32
          %mul3A_291 = arith.muli %sub3A_287, %mul3A_290 : i32
          %add3A_292 = arith.addi %mul3A_289, %mul3A_291 : i32
          %dma_wait3A_293 = tpu.memref_slice %arg8[%add3A_30, %add3A_292] : memref<16x65536xf32, #tpu.memory_space<hbm>> -> memref<1x2048xf32, #tpu.memory_space<hbm>>
          %dma_wait3A_294 = tpu.memref_squeeze %dma_wait3A_293 : memref<1x2048xf32, #tpu.memory_space<hbm>> -> memref<2048xf32, #tpu.memory_space<hbm>>
          %dma_wait3A_295 = tpu.memref_slice %arg8[%add3A_30, %add3A_292] : memref<16x65536xf32, #tpu.memory_space<hbm>> -> memref<1x2048xf32, #tpu.memory_space<hbm>>
          %dma_wait3A_296 = tpu.memref_squeeze %dma_wait3A_295 : memref<1x2048xf32, #tpu.memory_space<hbm>> -> memref<2048xf32, #tpu.memory_space<hbm>>
          tpu.wait_dma2 semaphore(%arg32 : memref<!tpu.dma_semaphore, #tpu.memory_space<semaphore_mem>>) src(%arg16 : memref<2048xf32, #tpu.memory_space<vmem>>) dst(%dma_wait3A_296 : memref<2048xf32, #tpu.memory_space<hbm>>)
          %dma_wait3A_297 = tpu.memref_slice %arg9[%add3A_30, %add3A_292] : memref<16x65536xf32, #tpu.memory_space<hbm>> -> memref<1x2048xf32, #tpu.memory_space<hbm>>
          %dma_wait3A_298 = tpu.memref_squeeze %dma_wait3A_297 : memref<1x2048xf32, #tpu.memory_space<hbm>> -> memref<2048xf32, #tpu.memory_space<hbm>>
          %dma_wait3A_299 = tpu.memref_slice %arg9[%add3A_30, %add3A_292] : memref<16x65536xf32, #tpu.memory_space<hbm>> -> memref<1x2048xf32, #tpu.memory_space<hbm>>
          %dma_wait3A_300 = tpu.memref_squeeze %dma_wait3A_299 : memref<1x2048xf32, #tpu.memory_space<hbm>> -> memref<2048xf32, #tpu.memory_space<hbm>>
          tpu.wait_dma2 semaphore(%arg32 : memref<!tpu.dma_semaphore, #tpu.memory_space<semaphore_mem>>) src(%arg17 : memref<2048xf32, #tpu.memory_space<vmem>>) dst(%dma_wait3A_300 : memref<2048xf32, #tpu.memory_space<hbm>>)
          %dma_wait3A_301 = tpu.memref_slice %arg10[%add3A_30, %add3A_292] : memref<16x65536xf32, #tpu.memory_space<hbm>> -> memref<1x2048xf32, #tpu.memory_space<hbm>>
          %dma_wait3A_302 = tpu.memref_squeeze %dma_wait3A_301 : memref<1x2048xf32, #tpu.memory_space<hbm>> -> memref<2048xf32, #tpu.memory_space<hbm>>
          %dma_wait3A_303 = tpu.memref_slice %arg10[%add3A_30, %add3A_292] : memref<16x65536xf32, #tpu.memory_space<hbm>> -> memref<1x2048xf32, #tpu.memory_space<hbm>>
          %dma_wait3A_304 = tpu.memref_squeeze %dma_wait3A_303 : memref<1x2048xf32, #tpu.memory_space<hbm>> -> memref<2048xf32, #tpu.memory_space<hbm>>
          tpu.wait_dma2 semaphore(%arg32 : memref<!tpu.dma_semaphore, #tpu.memory_space<semaphore_mem>>) src(%arg18 : memref<2048xf32, #tpu.memory_space<vmem>>) dst(%dma_wait3A_304 : memref<2048xf32, #tpu.memory_space<hbm>>)
        } else {
        }
        %mul3A_271 = arith.constant 2048 : i32
        %mul3A_272 = arith.muli %add3A_266, %mul3A_271 : i32
        %add3A_273 = arith.addi %add3A_110, %mul3A_272 : i32
        "tpu.region"() ({
          %run_scoped3A = tpu.sem_alloc : memref<!tpu.dma_semaphore, #tpu.memory_space<semaphore_mem>>
          %dma_start3A_286 = tpu.memref_slice %arg30[%add3A_273] : memref<524288xi32, #tpu.memory_space<vmem_shared>> -> memref<2048xi32, #tpu.memory_space<vmem_shared>>
          %dma_start3A_287 = tpu.memref_slice %arg30[%add3A_273] : memref<524288xi32, #tpu.memory_space<vmem_shared>> -> memref<2048xi32, #tpu.memory_space<vmem_shared>>
          tpu.enqueue_dma source(%dma_start3A_287 : memref<2048xi32, #tpu.memory_space<vmem_shared>>) target(%arg24 : memref<2048xi32, #tpu.memory_space<vmem>>) target_semaphore(%run_scoped3A : memref<!tpu.dma_semaphore, #tpu.memory_space<semaphore_mem>>)
          %dma_wait3A_288 = tpu.memref_slice %arg30[%add3A_273] : memref<524288xi32, #tpu.memory_space<vmem_shared>> -> memref<2048xi32, #tpu.memory_space<vmem_shared>>
          %dma_wait3A_289 = tpu.memref_slice %arg30[%add3A_273] : memref<524288xi32, #tpu.memory_space<vmem_shared>> -> memref<2048xi32, #tpu.memory_space<vmem_shared>>
          tpu.wait_dma2 semaphore(%run_scoped3A : memref<!tpu.dma_semaphore, #tpu.memory_space<semaphore_mem>>) src(%dma_wait3A_289 : memref<2048xi32, #tpu.memory_space<vmem_shared>>) dst(%arg24 : memref<2048xi32, #tpu.memory_space<vmem>>)
          tpu.yield
        }) : () -> ()
        %scan3A_274 = arith.constant 0 : i32
        %scan3A_275 = arith.constant 0 : i32
        %scan3A_276 = arith.constant 32 : i32
        %scan3A_277 = arith.addi %scan3A_275, %scan3A_276 : i32
        %scan3A_278 = arith.constant 1 : i32
        scf.for %scan3A_286 = %scan3A_275 to %scan3A_277 step %scan3A_278  : i32 {
          %mul3A_287 = arith.constant 4 : i32
          %mul3A_288 = arith.muli %scan3A_286, %mul3A_287 : i32
          %add3A_289 = arith.constant 0 : i32
          %add3A_290 = arith.addi %mul3A_288, %add3A_289 : i32
          %mul3A_291 = arith.constant 16 : i32
          %mul3A_292 = arith.muli %add3A_290, %mul3A_291 : i32
          %get3A_293 = arith.index_cast %mul3A_292 : i32 to index
          %get3A_294 = tpu.vector_load %arg24[%get3A_293] {strides = array<i32>} : memref<2048xi32, #tpu.memory_space<vmem>>, vector<16xi32>,
          %add3A_295 = arith.addi %get3A_294, %broadcast_in_dim3A_118 : vector<16xi32>
          %swap3A = arith.index_cast %mul3A_292 : i32 to index
          %swap3A_296 = tpu.vector_load %arg26[%swap3A] {strides = array<i32>} : memref<2048xi32, #tpu.memory_space<vmem>>, vector<16xi32>,
          tpu.vector_store %arg26[%swap3A], %add3A_295 {strides = array<i32>} : memref<2048xi32, #tpu.memory_space<vmem>>, vector<16xi32>,
          %mul3A_297 = arith.constant 4 : i32
          %mul3A_298 = arith.muli %scan3A_286, %mul3A_297 : i32
          %add3A_299 = arith.constant 1 : i32
          %add3A_300 = arith.addi %mul3A_298, %add3A_299 : i32
          %mul3A_301 = arith.constant 16 : i32
          %mul3A_302 = arith.muli %add3A_300, %mul3A_301 : i32
          %get3A_303 = arith.index_cast %mul3A_302 : i32 to index
          %get3A_304 = tpu.vector_load %arg24[%get3A_303] {strides = array<i32>} : memref<2048xi32, #tpu.memory_space<vmem>>, vector<16xi32>,
          %add3A_305 = arith.addi %get3A_304, %broadcast_in_dim3A_118 : vector<16xi32>
          %swap3A_306 = arith.index_cast %mul3A_302 : i32 to index
          %swap3A_307 = tpu.vector_load %arg26[%swap3A_306] {strides = array<i32>} : memref<2048xi32, #tpu.memory_space<vmem>>, vector<16xi32>,
          tpu.vector_store %arg26[%swap3A_306], %add3A_305 {strides = array<i32>} : memref<2048xi32, #tpu.memory_space<vmem>>, vector<16xi32>,
          %mul3A_308 = arith.constant 4 : i32
          %mul3A_309 = arith.muli %scan3A_286, %mul3A_308 : i32
          %add3A_310 = arith.constant 2 : i32
          %add3A_311 = arith.addi %mul3A_309, %add3A_310 : i32
          %mul3A_312 = arith.constant 16 : i32
          %mul3A_313 = arith.muli %add3A_311, %mul3A_312 : i32
          %get3A_314 = arith.index_cast %mul3A_313 : i32 to index
          %get3A_315 = tpu.vector_load %arg24[%get3A_314] {strides = array<i32>} : memref<2048xi32, #tpu.memory_space<vmem>>, vector<16xi32>,
          %add3A_316 = arith.addi %get3A_315, %broadcast_in_dim3A_118 : vector<16xi32>
          %swap3A_317 = arith.index_cast %mul3A_313 : i32 to index
          %swap3A_318 = tpu.vector_load %arg26[%swap3A_317] {strides = array<i32>} : memref<2048xi32, #tpu.memory_space<vmem>>, vector<16xi32>,
          tpu.vector_store %arg26[%swap3A_317], %add3A_316 {strides = array<i32>} : memref<2048xi32, #tpu.memory_space<vmem>>, vector<16xi32>,
          %mul3A_319 = arith.constant 4 : i32
          %mul3A_320 = arith.muli %scan3A_286, %mul3A_319 : i32
          %add3A_321 = arith.constant 3 : i32
          %add3A_322 = arith.addi %mul3A_320, %add3A_321 : i32
          %mul3A_323 = arith.constant 16 : i32
          %mul3A_324 = arith.muli %add3A_322, %mul3A_323 : i32
          %get3A_325 = arith.index_cast %mul3A_324 : i32 to index
          %get3A_326 = tpu.vector_load %arg24[%get3A_325] {strides = array<i32>} : memref<2048xi32, #tpu.memory_space<vmem>>, vector<16xi32>,
          %add3A_327 = arith.addi %get3A_326, %broadcast_in_dim3A_118 : vector<16xi32>
          %swap3A_328 = arith.index_cast %mul3A_324 : i32 to index
          %swap3A_329 = tpu.vector_load %arg26[%swap3A_328] {strides = array<i32>} : memref<2048xi32, #tpu.memory_space<vmem>>, vector<16xi32>,
          tpu.vector_store %arg26[%swap3A_328], %add3A_327 {strides = array<i32>} : memref<2048xi32, #tpu.memory_space<vmem>>, vector<16xi32>,
        }
        %scan3A_279 = arith.constant 32 : i32
        %dma_start3A_280 = arith.constant 0 : i32
        %dma_start3A_281 = tpu.memref_slice %arg2[%dma_start3A_280] : memref<1048576xf32, #tpu.memory_space<hbm>> -> memref<1048576xf32, #tpu.memory_space<hbm>>
        tpu.enqueue_indirect_dma source(%dma_start3A_281 : memref<1048576xf32, #tpu.memory_space<hbm>>) target(%arg16 : memref<2048xf32, #tpu.memory_space<vmem>>) offsets(%arg26 : memref<2048xi32, #tpu.memory_space<vmem>>) semaphore(%arg34 : memref<!tpu.dma_semaphore, #tpu.memory_space<semaphore_mem>>)
        %dma_start3A_282 = arith.constant 0 : i32
        %dma_start3A_283 = tpu.memref_slice %arg3[%dma_start3A_282] : memref<1048576xf32, #tpu.memory_space<hbm>> -> memref<1048576xf32, #tpu.memory_space<hbm>>
        tpu.enqueue_indirect_dma source(%dma_start3A_283 : memref<1048576xf32, #tpu.memory_space<hbm>>) target(%arg17 : memref<2048xf32, #tpu.memory_space<vmem>>) offsets(%arg26 : memref<2048xi32, #tpu.memory_space<vmem>>) semaphore(%arg34 : memref<!tpu.dma_semaphore, #tpu.memory_space<semaphore_mem>>)
        %dma_start3A_284 = arith.constant 0 : i32
        %dma_start3A_285 = tpu.memref_slice %arg4[%dma_start3A_284] : memref<1048576xf32, #tpu.memory_space<hbm>> -> memref<1048576xf32, #tpu.memory_space<hbm>>
        tpu.enqueue_indirect_dma source(%dma_start3A_285 : memref<1048576xf32, #tpu.memory_space<hbm>>) target(%arg18 : memref<2048xf32, #tpu.memory_space<vmem>>) offsets(%arg26 : memref<2048xi32, #tpu.memory_space<vmem>>) semaphore(%arg34 : memref<!tpu.dma_semaphore, #tpu.memory_space<semaphore_mem>>)
      } else {
      }
      %dma_wait3A_230 = arith.constant 0 : i32
      %dma_wait3A_231 = tpu.memref_slice %arg2[%dma_wait3A_230] : memref<1048576xf32, #tpu.memory_space<hbm>> -> memref<2048xf32, #tpu.memory_space<hbm>>
      %dma_wait3A_232 = arith.constant 0 : i32
      %dma_wait3A_233 = tpu.memref_slice %arg2[%dma_wait3A_232] : memref<1048576xf32, #tpu.memory_space<hbm>> -> memref<2048xf32, #tpu.memory_space<hbm>>
      tpu.wait_dma2 semaphore(%arg35 : memref<!tpu.dma_semaphore, #tpu.memory_space<semaphore_mem>>) src(%dma_wait3A_233 : memref<2048xf32, #tpu.memory_space<hbm>>) dst(%arg19 : memref<2048xf32, #tpu.memory_space<vmem>>)
      %dma_wait3A_234 = arith.constant 0 : i32
      %dma_wait3A_235 = tpu.memref_slice %arg3[%dma_wait3A_234] : memref<1048576xf32, #tpu.memory_space<hbm>> -> memref<2048xf32, #tpu.memory_space<hbm>>
      %dma_wait3A_236 = arith.constant 0 : i32
      %dma_wait3A_237 = tpu.memref_slice %arg3[%dma_wait3A_236] : memref<1048576xf32, #tpu.memory_space<hbm>> -> memref<2048xf32, #tpu.memory_space<hbm>>
      tpu.wait_dma2 semaphore(%arg35 : memref<!tpu.dma_semaphore, #tpu.memory_space<semaphore_mem>>) src(%dma_wait3A_237 : memref<2048xf32, #tpu.memory_space<hbm>>) dst(%arg20 : memref<2048xf32, #tpu.memory_space<vmem>>)
      %dma_wait3A_238 = arith.constant 0 : i32
      %dma_wait3A_239 = tpu.memref_slice %arg4[%dma_wait3A_238] : memref<1048576xf32, #tpu.memory_space<hbm>> -> memref<2048xf32, #tpu.memory_space<hbm>>
      %dma_wait3A_240 = arith.constant 0 : i32
      %dma_wait3A_241 = tpu.memref_slice %arg4[%dma_wait3A_240] : memref<1048576xf32, #tpu.memory_space<hbm>> -> memref<2048xf32, #tpu.memory_space<hbm>>
      tpu.wait_dma2 semaphore(%arg35 : memref<!tpu.dma_semaphore, #tpu.memory_space<semaphore_mem>>) src(%dma_wait3A_241 : memref<2048xf32, #tpu.memory_space<hbm>>) dst(%arg21 : memref<2048xf32, #tpu.memory_space<vmem>>)
      %scan3A_242 = arith.constant 0 : i32
      %scan3A_243 = arith.constant 0 : i32
      %scan3A_244 = arith.constant 32 : i32
      %scan3A_245 = arith.addi %scan3A_243, %scan3A_244 : i32
      %scan3A_246 = arith.constant 1 : i32
      scf.for %scan3A_265 = %scan3A_243 to %scan3A_245 step %scan3A_246  : i32 {
        %mul3A_266 = arith.constant 4 : i32
        %mul3A_267 = arith.muli %scan3A_265, %mul3A_266 : i32
        %add3A_268 = arith.constant 0 : i32
        %add3A_269 = arith.addi %mul3A_267, %add3A_268 : i32
        %mul3A_270 = arith.constant 16 : i32
        %mul3A_271 = arith.muli %add3A_269, %mul3A_270 : i32
        %get3A_272 = arith.index_cast %mul3A_271 : i32 to index
        %get3A_273 = tpu.vector_load %arg19[%get3A_272] {strides = array<i32>} : memref<2048xf32, #tpu.memory_space<vmem>>, vector<16xf32>,
        %sub3A_274 = arith.subf %get3A_273, %get3A_39 : vector<16xf32>
        %swap3A = arith.index_cast %mul3A_271 : i32 to index
        %swap3A_275 = tpu.vector_load %arg19[%swap3A] {strides = array<i32>} : memref<2048xf32, #tpu.memory_space<vmem>>, vector<16xf32>,
        tpu.vector_store %arg19[%swap3A], %sub3A_274 {strides = array<i32>} : memref<2048xf32, #tpu.memory_space<vmem>>, vector<16xf32>,
        %get3A_276 = arith.index_cast %mul3A_271 : i32 to index
        %get3A_277 = tpu.vector_load %arg20[%get3A_276] {strides = array<i32>} : memref<2048xf32, #tpu.memory_space<vmem>>, vector<16xf32>,
        %sub3A_278 = arith.subf %get3A_277, %get3A_41 : vector<16xf32>
        %swap3A_279 = arith.index_cast %mul3A_271 : i32 to index
        %swap3A_280 = tpu.vector_load %arg20[%swap3A_279] {strides = array<i32>} : memref<2048xf32, #tpu.memory_space<vmem>>, vector<16xf32>,
        tpu.vector_store %arg20[%swap3A_279], %sub3A_278 {strides = array<i32>} : memref<2048xf32, #tpu.memory_space<vmem>>, vector<16xf32>,
        %get3A_281 = arith.index_cast %mul3A_271 : i32 to index
        %get3A_282 = tpu.vector_load %arg21[%get3A_281] {strides = array<i32>} : memref<2048xf32, #tpu.memory_space<vmem>>, vector<16xf32>,
        %sub3A_283 = arith.subf %get3A_282, %get3A_43 : vector<16xf32>
        %swap3A_284 = arith.index_cast %mul3A_271 : i32 to index
        %swap3A_285 = tpu.vector_load %arg21[%swap3A_284] {strides = array<i32>} : memref<2048xf32, #tpu.memory_space<vmem>>, vector<16xf32>,
        tpu.vector_store %arg21[%swap3A_284], %sub3A_283 {strides = array<i32>} : memref<2048xf32, #tpu.memory_space<vmem>>, vector<16xf32>,
        %mul3A_286 = arith.constant 4 : i32
        %mul3A_287 = arith.muli %scan3A_265, %mul3A_286 : i32
        %add3A_288 = arith.constant 1 : i32
        %add3A_289 = arith.addi %mul3A_287, %add3A_288 : i32
        %mul3A_290 = arith.constant 16 : i32
        %mul3A_291 = arith.muli %add3A_289, %mul3A_290 : i32
        %get3A_292 = arith.index_cast %mul3A_291 : i32 to index
        %get3A_293 = tpu.vector_load %arg19[%get3A_292] {strides = array<i32>} : memref<2048xf32, #tpu.memory_space<vmem>>, vector<16xf32>,
        %sub3A_294 = arith.subf %get3A_293, %get3A_39 : vector<16xf32>
        %swap3A_295 = arith.index_cast %mul3A_291 : i32 to index
        %swap3A_296 = tpu.vector_load %arg19[%swap3A_295] {strides = array<i32>} : memref<2048xf32, #tpu.memory_space<vmem>>, vector<16xf32>,
        tpu.vector_store %arg19[%swap3A_295], %sub3A_294 {strides = array<i32>} : memref<2048xf32, #tpu.memory_space<vmem>>, vector<16xf32>,
        %get3A_297 = arith.index_cast %mul3A_291 : i32 to index
        %get3A_298 = tpu.vector_load %arg20[%get3A_297] {strides = array<i32>} : memref<2048xf32, #tpu.memory_space<vmem>>, vector<16xf32>,
        %sub3A_299 = arith.subf %get3A_298, %get3A_41 : vector<16xf32>
        %swap3A_300 = arith.index_cast %mul3A_291 : i32 to index
        %swap3A_301 = tpu.vector_load %arg20[%swap3A_300] {strides = array<i32>} : memref<2048xf32, #tpu.memory_space<vmem>>, vector<16xf32>,
        tpu.vector_store %arg20[%swap3A_300], %sub3A_299 {strides = array<i32>} : memref<2048xf32, #tpu.memory_space<vmem>>, vector<16xf32>,
        %get3A_302 = arith.index_cast %mul3A_291 : i32 to index
        %get3A_303 = tpu.vector_load %arg21[%get3A_302] {strides = array<i32>} : memref<2048xf32, #tpu.memory_space<vmem>>, vector<16xf32>,
        %sub3A_304 = arith.subf %get3A_303, %get3A_43 : vector<16xf32>
        %swap3A_305 = arith.index_cast %mul3A_291 : i32 to index
        %swap3A_306 = tpu.vector_load %arg21[%swap3A_305] {strides = array<i32>} : memref<2048xf32, #tpu.memory_space<vmem>>, vector<16xf32>,
        tpu.vector_store %arg21[%swap3A_305], %sub3A_304 {strides = array<i32>} : memref<2048xf32, #tpu.memory_space<vmem>>, vector<16xf32>,
        %mul3A_307 = arith.constant 4 : i32
        %mul3A_308 = arith.muli %scan3A_265, %mul3A_307 : i32
        %add3A_309 = arith.constant 2 : i32
        %add3A_310 = arith.addi %mul3A_308, %add3A_309 : i32
        %mul3A_311 = arith.constant 16 : i32
        %mul3A_312 = arith.muli %add3A_310, %mul3A_311 : i32
        %get3A_313 = arith.index_cast %mul3A_312 : i32 to index
        %get3A_314 = tpu.vector_load %arg19[%get3A_313] {strides = array<i32>} : memref<2048xf32, #tpu.memory_space<vmem>>, vector<16xf32>,
        %sub3A_315 = arith.subf %get3A_314, %get3A_39 : vector<16xf32>
        %swap3A_316 = arith.index_cast %mul3A_312 : i32 to index
        %swap3A_317 = tpu.vector_load %arg19[%swap3A_316] {strides = array<i32>} : memref<2048xf32, #tpu.memory_space<vmem>>, vector<16xf32>,
        tpu.vector_store %arg19[%swap3A_316], %sub3A_315 {strides = array<i32>} : memref<2048xf32, #tpu.memory_space<vmem>>, vector<16xf32>,
        %get3A_318 = arith.index_cast %mul3A_312 : i32 to index
        %get3A_319 = tpu.vector_load %arg20[%get3A_318] {strides = array<i32>} : memref<2048xf32, #tpu.memory_space<vmem>>, vector<16xf32>,
        %sub3A_320 = arith.subf %get3A_319, %get3A_41 : vector<16xf32>
        %swap3A_321 = arith.index_cast %mul3A_312 : i32 to index
        %swap3A_322 = tpu.vector_load %arg20[%swap3A_321] {strides = array<i32>} : memref<2048xf32, #tpu.memory_space<vmem>>, vector<16xf32>,
        tpu.vector_store %arg20[%swap3A_321], %sub3A_320 {strides = array<i32>} : memref<2048xf32, #tpu.memory_space<vmem>>, vector<16xf32>,
        %get3A_323 = arith.index_cast %mul3A_312 : i32 to index
        %get3A_324 = tpu.vector_load %arg21[%get3A_323] {strides = array<i32>} : memref<2048xf32, #tpu.memory_space<vmem>>, vector<16xf32>,
        %sub3A_325 = arith.subf %get3A_324, %get3A_43 : vector<16xf32>
        %swap3A_326 = arith.index_cast %mul3A_312 : i32 to index
        %swap3A_327 = tpu.vector_load %arg21[%swap3A_326] {strides = array<i32>} : memref<2048xf32, #tpu.memory_space<vmem>>, vector<16xf32>,
        tpu.vector_store %arg21[%swap3A_326], %sub3A_325 {strides = array<i32>} : memref<2048xf32, #tpu.memory_space<vmem>>, vector<16xf32>,
        %mul3A_328 = arith.constant 4 : i32
        %mul3A_329 = arith.muli %scan3A_265, %mul3A_328 : i32
        %add3A_330 = arith.constant 3 : i32
        %add3A_331 = arith.addi %mul3A_329, %add3A_330 : i32
        %mul3A_332 = arith.constant 16 : i32
        %mul3A_333 = arith.muli %add3A_331, %mul3A_332 : i32
        %get3A_334 = arith.index_cast %mul3A_333 : i32 to index
        %get3A_335 = tpu.vector_load %arg19[%get3A_334] {strides = array<i32>} : memref<2048xf32, #tpu.memory_space<vmem>>, vector<16xf32>,
        %sub3A_336 = arith.subf %get3A_335, %get3A_39 : vector<16xf32>
        %swap3A_337 = arith.index_cast %mul3A_333 : i32 to index
        %swap3A_338 = tpu.vector_load %arg19[%swap3A_337] {strides = array<i32>} : memref<2048xf32, #tpu.memory_space<vmem>>, vector<16xf32>,
        tpu.vector_store %arg19[%swap3A_337], %sub3A_336 {strides = array<i32>} : memref<2048xf32, #tpu.memory_space<vmem>>, vector<16xf32>,
        %get3A_339 = arith.index_cast %mul3A_333 : i32 to index
        %get3A_340 = tpu.vector_load %arg20[%get3A_339] {strides = array<i32>} : memref<2048xf32, #tpu.memory_space<vmem>>, vector<16xf32>,
        %sub3A_341 = arith.subf %get3A_340, %get3A_41 : vector<16xf32>
        %swap3A_342 = arith.index_cast %mul3A_333 : i32 to index
        %swap3A_343 = tpu.vector_load %arg20[%swap3A_342] {strides = array<i32>} : memref<2048xf32, #tpu.memory_space<vmem>>, vector<16xf32>,
        tpu.vector_store %arg20[%swap3A_342], %sub3A_341 {strides = array<i32>} : memref<2048xf32, #tpu.memory_space<vmem>>, vector<16xf32>,
        %get3A_344 = arith.index_cast %mul3A_333 : i32 to index
        %get3A_345 = tpu.vector_load %arg21[%get3A_344] {strides = array<i32>} : memref<2048xf32, #tpu.memory_space<vmem>>, vector<16xf32>,
        %sub3A_346 = arith.subf %get3A_345, %get3A_43 : vector<16xf32>
        %swap3A_347 = arith.index_cast %mul3A_333 : i32 to index
        %swap3A_348 = tpu.vector_load %arg21[%swap3A_347] {strides = array<i32>} : memref<2048xf32, #tpu.memory_space<vmem>>, vector<16xf32>,
        tpu.vector_store %arg21[%swap3A_347], %sub3A_346 {strides = array<i32>} : memref<2048xf32, #tpu.memory_space<vmem>>, vector<16xf32>,
      }
      %scan3A_247 = arith.constant 32 : i32
      %mul3A_248 = arith.constant 32768 : i32
      %mul3A_249 = arith.muli %select_n3A_28, %mul3A_248 : i32
      %mul3A_250 = arith.constant 2048 : i32
      %mul3A_251 = arith.muli %add3A_222, %mul3A_250 : i32
      %add3A_252 = arith.addi %mul3A_249, %mul3A_251 : i32
      %dma_start3A_253 = tpu.memref_slice %arg8[%add3A_30, %add3A_252] : memref<16x65536xf32, #tpu.memory_space<hbm>> -> memref<1x2048xf32, #tpu.memory_space<hbm>>
      %dma_start3A_254 = tpu.memref_squeeze %dma_start3A_253 : memref<1x2048xf32, #tpu.memory_space<hbm>> -> memref<2048xf32, #tpu.memory_space<hbm>>
      %dma_start3A_255 = tpu.memref_slice %arg8[%add3A_30, %add3A_252] : memref<16x65536xf32, #tpu.memory_space<hbm>> -> memref<1x2048xf32, #tpu.memory_space<hbm>>
      %dma_start3A_256 = tpu.memref_squeeze %dma_start3A_255 : memref<1x2048xf32, #tpu.memory_space<hbm>> -> memref<2048xf32, #tpu.memory_space<hbm>>
      tpu.enqueue_dma source(%arg19 : memref<2048xf32, #tpu.memory_space<vmem>>) target(%dma_start3A_256 : memref<2048xf32, #tpu.memory_space<hbm>>) target_semaphore(%arg33 : memref<!tpu.dma_semaphore, #tpu.memory_space<semaphore_mem>>)
      %dma_start3A_257 = tpu.memref_slice %arg9[%add3A_30, %add3A_252] : memref<16x65536xf32, #tpu.memory_space<hbm>> -> memref<1x2048xf32, #tpu.memory_space<hbm>>
      %dma_start3A_258 = tpu.memref_squeeze %dma_start3A_257 : memref<1x2048xf32, #tpu.memory_space<hbm>> -> memref<2048xf32, #tpu.memory_space<hbm>>
      %dma_start3A_259 = tpu.memref_slice %arg9[%add3A_30, %add3A_252] : memref<16x65536xf32, #tpu.memory_space<hbm>> -> memref<1x2048xf32, #tpu.memory_space<hbm>>
      %dma_start3A_260 = tpu.memref_squeeze %dma_start3A_259 : memref<1x2048xf32, #tpu.memory_space<hbm>> -> memref<2048xf32, #tpu.memory_space<hbm>>
      tpu.enqueue_dma source(%arg20 : memref<2048xf32, #tpu.memory_space<vmem>>) target(%dma_start3A_260 : memref<2048xf32, #tpu.memory_space<hbm>>) target_semaphore(%arg33 : memref<!tpu.dma_semaphore, #tpu.memory_space<semaphore_mem>>)
      %dma_start3A_261 = tpu.memref_slice %arg10[%add3A_30, %add3A_252] : memref<16x65536xf32, #tpu.memory_space<hbm>> -> memref<1x2048xf32, #tpu.memory_space<hbm>>
      %dma_start3A_262 = tpu.memref_squeeze %dma_start3A_261 : memref<1x2048xf32, #tpu.memory_space<hbm>> -> memref<2048xf32, #tpu.memory_space<hbm>>
      %dma_start3A_263 = tpu.memref_slice %arg10[%add3A_30, %add3A_252] : memref<16x65536xf32, #tpu.memory_space<hbm>> -> memref<1x2048xf32, #tpu.memory_space<hbm>>
      %dma_start3A_264 = tpu.memref_squeeze %dma_start3A_263 : memref<1x2048xf32, #tpu.memory_space<hbm>> -> memref<2048xf32, #tpu.memory_space<hbm>>
      tpu.enqueue_dma source(%arg21 : memref<2048xf32, #tpu.memory_space<vmem>>) target(%dma_start3A_264 : memref<2048xf32, #tpu.memory_space<hbm>>) target_semaphore(%arg33 : memref<!tpu.dma_semaphore, #tpu.memory_space<semaphore_mem>>)
    }
    %scan3A_138 = arith.constant 8 : i32
    %mul3A_139 = arith.constant 32768 : i32
    %mul3A_140 = arith.muli %select_n3A_28, %mul3A_139 : i32
    %add3A_141 = arith.constant 28672 : i32
    %add3A_142 = arith.addi %mul3A_140, %add3A_141 : i32
    %dma_wait3A_143 = tpu.memref_slice %arg8[%add3A_30, %add3A_142] : memref<16x65536xf32, #tpu.memory_space<hbm>> -> memref<1x2048xf32, #tpu.memory_space<hbm>>
    %dma_wait3A_144 = tpu.memref_squeeze %dma_wait3A_143 : memref<1x2048xf32, #tpu.memory_space<hbm>> -> memref<2048xf32, #tpu.memory_space<hbm>>
    %dma_wait3A_145 = tpu.memref_slice %arg8[%add3A_30, %add3A_142] : memref<16x65536xf32, #tpu.memory_space<hbm>> -> memref<1x2048xf32, #tpu.memory_space<hbm>>
    %dma_wait3A_146 = tpu.memref_squeeze %dma_wait3A_145 : memref<1x2048xf32, #tpu.memory_space<hbm>> -> memref<2048xf32, #tpu.memory_space<hbm>>
    tpu.wait_dma2 semaphore(%arg32 : memref<!tpu.dma_semaphore, #tpu.memory_space<semaphore_mem>>) src(%arg16 : memref<2048xf32, #tpu.memory_space<vmem>>) dst(%dma_wait3A_146 : memref<2048xf32, #tpu.memory_space<hbm>>)
    %dma_wait3A_147 = tpu.memref_slice %arg9[%add3A_30, %add3A_142] : memref<16x65536xf32, #tpu.memory_space<hbm>> -> memref<1x2048xf32, #tpu.memory_space<hbm>>
    %dma_wait3A_148 = tpu.memref_squeeze %dma_wait3A_147 : memref<1x2048xf32, #tpu.memory_space<hbm>> -> memref<2048xf32, #tpu.memory_space<hbm>>
    %dma_wait3A_149 = tpu.memref_slice %arg9[%add3A_30, %add3A_142] : memref<16x65536xf32, #tpu.memory_space<hbm>> -> memref<1x2048xf32, #tpu.memory_space<hbm>>
    %dma_wait3A_150 = tpu.memref_squeeze %dma_wait3A_149 : memref<1x2048xf32, #tpu.memory_space<hbm>> -> memref<2048xf32, #tpu.memory_space<hbm>>
    tpu.wait_dma2 semaphore(%arg32 : memref<!tpu.dma_semaphore, #tpu.memory_space<semaphore_mem>>) src(%arg17 : memref<2048xf32, #tpu.memory_space<vmem>>) dst(%dma_wait3A_150 : memref<2048xf32, #tpu.memory_space<hbm>>)
    %dma_wait3A_151 = tpu.memref_slice %arg10[%add3A_30, %add3A_142] : memref<16x65536xf32, #tpu.memory_space<hbm>> -> memref<1x2048xf32, #tpu.memory_space<hbm>>
    %dma_wait3A_152 = tpu.memref_squeeze %dma_wait3A_151 : memref<1x2048xf32, #tpu.memory_space<hbm>> -> memref<2048xf32, #tpu.memory_space<hbm>>
    %dma_wait3A_153 = tpu.memref_slice %arg10[%add3A_30, %add3A_142] : memref<16x65536xf32, #tpu.memory_space<hbm>> -> memref<1x2048xf32, #tpu.memory_space<hbm>>
    %dma_wait3A_154 = tpu.memref_squeeze %dma_wait3A_153 : memref<1x2048xf32, #tpu.memory_space<hbm>> -> memref<2048xf32, #tpu.memory_space<hbm>>
    tpu.wait_dma2 semaphore(%arg32 : memref<!tpu.dma_semaphore, #tpu.memory_space<semaphore_mem>>) src(%arg18 : memref<2048xf32, #tpu.memory_space<vmem>>) dst(%dma_wait3A_154 : memref<2048xf32, #tpu.memory_space<hbm>>)
    %mul3A_155 = arith.constant 32768 : i32
    %mul3A_156 = arith.muli %select_n3A_28, %mul3A_155 : i32
    %add3A_157 = arith.constant 30720 : i32
    %add3A_158 = arith.addi %mul3A_156, %add3A_157 : i32
    %dma_wait3A_159 = tpu.memref_slice %arg8[%add3A_30, %add3A_158] : memref<16x65536xf32, #tpu.memory_space<hbm>> -> memref<1x2048xf32, #tpu.memory_space<hbm>>
    %dma_wait3A_160 = tpu.memref_squeeze %dma_wait3A_159 : memref<1x2048xf32, #tpu.memory_space<hbm>> -> memref<2048xf32, #tpu.memory_space<hbm>>
    %dma_wait3A_161 = tpu.memref_slice %arg8[%add3A_30, %add3A_158] : memref<16x65536xf32, #tpu.memory_space<hbm>> -> memref<1x2048xf32, #tpu.memory_space<hbm>>
    %dma_wait3A_162 = tpu.memref_squeeze %dma_wait3A_161 : memref<1x2048xf32, #tpu.memory_space<hbm>> -> memref<2048xf32, #tpu.memory_space<hbm>>
    tpu.wait_dma2 semaphore(%arg33 : memref<!tpu.dma_semaphore, #tpu.memory_space<semaphore_mem>>) src(%arg19 : memref<2048xf32, #tpu.memory_space<vmem>>) dst(%dma_wait3A_162 : memref<2048xf32, #tpu.memory_space<hbm>>)
    %dma_wait3A_163 = tpu.memref_slice %arg9[%add3A_30, %add3A_158] : memref<16x65536xf32, #tpu.memory_space<hbm>> -> memref<1x2048xf32, #tpu.memory_space<hbm>>
    %dma_wait3A_164 = tpu.memref_squeeze %dma_wait3A_163 : memref<1x2048xf32, #tpu.memory_space<hbm>> -> memref<2048xf32, #tpu.memory_space<hbm>>
    %dma_wait3A_165 = tpu.memref_slice %arg9[%add3A_30, %add3A_158] : memref<16x65536xf32, #tpu.memory_space<hbm>> -> memref<1x2048xf32, #tpu.memory_space<hbm>>
    %dma_wait3A_166 = tpu.memref_squeeze %dma_wait3A_165 : memref<1x2048xf32, #tpu.memory_space<hbm>> -> memref<2048xf32, #tpu.memory_space<hbm>>
    tpu.wait_dma2 semaphore(%arg33 : memref<!tpu.dma_semaphore, #tpu.memory_space<semaphore_mem>>) src(%arg20 : memref<2048xf32, #tpu.memory_space<vmem>>) dst(%dma_wait3A_166 : memref<2048xf32, #tpu.memory_space<hbm>>)
    %dma_wait3A_167 = tpu.memref_slice %arg10[%add3A_30, %add3A_158] : memref<16x65536xf32, #tpu.memory_space<hbm>> -> memref<1x2048xf32, #tpu.memory_space<hbm>>
    %dma_wait3A_168 = tpu.memref_squeeze %dma_wait3A_167 : memref<1x2048xf32, #tpu.memory_space<hbm>> -> memref<2048xf32, #tpu.memory_space<hbm>>
    %dma_wait3A_169 = tpu.memref_slice %arg10[%add3A_30, %add3A_158] : memref<16x65536xf32, #tpu.memory_space<hbm>> -> memref<1x2048xf32, #tpu.memory_space<hbm>>
    %dma_wait3A_170 = tpu.memref_squeeze %dma_wait3A_169 : memref<1x2048xf32, #tpu.memory_space<hbm>> -> memref<2048xf32, #tpu.memory_space<hbm>>
    tpu.wait_dma2 semaphore(%arg33 : memref<!tpu.dma_semaphore, #tpu.memory_space<semaphore_mem>>) src(%arg21 : memref<2048xf32, #tpu.memory_space<vmem>>) dst(%dma_wait3A_170 : memref<2048xf32, #tpu.memory_space<hbm>>)
    %dma_wait3A_171 = tpu.memref_slice %arg11[%add3A_30, %mul3A_112] : memref<16x65536xi32, #tpu.memory_space<hbm>> -> memref<1x32768xi32, #tpu.memory_space<hbm>>
    %dma_wait3A_172 = tpu.memref_squeeze %dma_wait3A_171 : memref<1x32768xi32, #tpu.memory_space<hbm>> -> memref<32768xi32, #tpu.memory_space<hbm>>
    %dma_wait3A_173 = tpu.memref_slice %arg30[%add3A_110] : memref<524288xi32, #tpu.memory_space<vmem_shared>> -> memref<32768xi32, #tpu.memory_space<vmem_shared>>
    tpu.wait_dma2 semaphore(%arg31 : memref<!tpu.dma_semaphore, #tpu.memory_space<semaphore_mem>>) src(%dma_wait3A_173 : memref<32768xi32, #tpu.memory_space<vmem_shared>>) dst(%dma_wait3A_172 : memref<32768xi32, #tpu.memory_space<hbm>>)
    return
  }
}

</mosaic_0001>

<sc_bundles>
// kernel: _hilbert_sort.3.cloned.1.call-start
scs
__scs_entry_jumppad:
0x0: {  	(pc) =	sbr.rel $0x88, $3  }
0x1: {  	(tag) =	ssettag $0x0;
	lr =	simm.s32 $0x1  }
0x2: {  	[smem:$0x3F9B] =	sst lr;
	_ =	strace $0xD0000000  }
0x3: {  	_ = 	snop  }
0x4: {  	_ = 	snop  }
0x5: {  	_ = 	snop  }
0x6: {  	_ = 	snop  }
0x7: {  	_ = 	snop  }
__scs_overlays_trampoline_lowered:
0x8: {  	[smem:$0x3FAA] =	sst s0  }
0x9: {  	[smem:$0x3FAB] =	sst s1  }
0xa: {  	[smem:$0x3FAC] =	sst s2  }
0xb: {  	[smem:$0x3FAD] =	sst s3  }
0xc: {  	[smem:$0x3FAE] =	sst s4  }
0xd: {  	[smem:$0x3FAF] =	sst s5  }
0xe: {  	[smem:$0x3FB0] =	sst s6  }
0xf: {  	[smem:$0x3FB1] =	sst s7  }
0x10: {  	[smem:$0x3FB2] =	sst s8  }
0x11: {  	[smem:$0x3FB3] =	sst s9;
	s0 =	simm.s32 @!p0 $0x0  }
0x12: {  	s1 =	sld [smem:$0x3F99];
	s0 =	simm.s32 @p0 $0x1  }
0x13: {  	[smem:$0x3FB4] =	sst s0;
	s0 =	simm.s32 @!p1 $0x0  }
0x14: {  	s2 =	sld [smem:$0x3F98];
	s0 =	simm.s32 @p1 $0x1  }
0x15: {  	[smem:$0x3FB5] =	sst s0;
	s0 =	simm.s32 @!p2 $0x0  }
0x16: {  	s3 =	sld [smem:$0x3FDB];
	s0 =	simm.s32 @p2 $0x1  }
0x17: {  	s4 =	simm.s32 $0x1BF5;
	[smem:$0x3FB7] =	sst s0  }
0x18: {  	s0 =	sld [smem:$0x3F9A];
	_ =	swait.ge [sflag:s4], $0x0  }
0x19: {  	s7 =	sld [smem:$0x3F9B]  }
0x1a: {  	s8 =	sadd.s32 $0xFFFFE003, lr  }
0x1b: {  	s9 =	sadd.s32 $0xFFFFFEF7, lr;
	s5 =	simm.s32 $0xFFFFFFFF;
	p2 =	slt.u32 s8, $0xFFFFF086  }
0x1c: {  	p1 =	slt.u32 s9, $0xF7A;
	s5 =	simm.s32 @!p2 $0x0  }
0x1d: {  	s5 =	simm.s32 @p1 $0x1;
	p0 =	seq.s32 s7, s2  }
0x1e: {  	s7 =	smul.u32 @!p0 $0xF7A, s2;
	p2 =	seq.s32 @!p0 s5, $0x0  }
0x1f: {  	s9 =	smul.u32 $0xF7A, s1;
	s8 =	simm.s32 @!p0 $0x1BF5;
	p2 =	por !p2, p0  }
0x20: {  	[sflag:s8] =	ssyncset.s32 @!p0 $0xFFFFF086;
	s6 =	sadd.s32 @!p0 s3, s7;
	s7 =	simm.s32 @!p0 $0x108  }
0x21: {  	s3 =	sadd.s32 s3, s9;
	s6 =	sadd.s32 @!p0 $0x88, s6;
	s7 =	simm.s32 @p2 $0x1082  }
0x22: {  	[simem:s7], [sflag:s8] =	dma.local @!p0 [hbm:s6], $0xF7A  }
0x23: {  	s9 =	sor.u32 $0xD0000000, s2;
	s6 =	simm.s32 $0x108;
	_ =	swait.ge @!p0 [sflag:s8], $0x0  }
0x24: {  	s3 =	sadd.s32 $0x88, s3;
	s6 =	simm.s32 @!p1 $0x1082;
	[sflag:s4] =	ssyncset.s32 $0xFFFFF086  }
0x25: {  	[simem:s6], [sflag:s4] =	dma.local [hbm:s3], $0xF7A  }
0x26: {  	[smem:$0x3F9B] =	sst s1;
	(tag) =	ssettag s2;
	_ =	strace s9  }
0x27: {  	s1 =	sld [smem:$0x3FAB]  }
0x28: {  	s2 =	sld [smem:$0x3FAC]  }
0x29: {  	s4 =	sld [smem:$0x3FAE]  }
0x2a: {  	p0 =	seq.s32 s5, $0x0;
	s5 =	sld [smem:$0x3FAF]  }
0x2b: {  	s6 =	sld [smem:$0x3FB0]  }
0x2c: {  	s7 =	sld [smem:$0x3FB1]  }
0x2d: {  	s3 =	simm.s32 $0x108;
	s8 =	sld [smem:$0x3FB2]  }
0x2e: {  	s3 =	simm.s32 @!p0 $0x1082;
	s9 =	sld [smem:$0x3FB3]  }
0x2f: {  	lr =	sadd.s32 s0, s3;
	s0 =	sld [smem:$0x3FAA]  }
0x30: {  	s3 =	sld [smem:$0x3FAD]  }
0x31: {  	[smem:$0x3FB6] =	sst s10  }
0x32: {  	s10 =	sld [smem:$0x3FB4];
	_ =	sdelay $0x3  }
0x33: {  	p0 =	seq.s32 s10, $0x1;
	s10 =	sld [smem:$0x3FB6];
	_ =	sdelay $0x3  }
0x34: {  	[smem:$0x3FB6] =	sst s10  }
0x35: {  	s10 =	sld [smem:$0x3FB5];
	_ =	sdelay $0x3  }
0x36: {  	p1 =	seq.s32 s10, $0x1;
	s10 =	sld [smem:$0x3FB6];
	_ =	sdelay $0x3  }
0x37: {  	[smem:$0x3FB6] =	sst s10  }
0x38: {  	s10 =	sld [smem:$0x3FB7]  }
0x39: {  	_ = 	snop;
	(pc) =	sbr.ind lr, $3  }
0x3a: {  	_ = 	snop  }
0x3b: {  	_ = 	snop  }
0x3c: {  	p2 =	seq.s32 s10, $0x1;
	s10 =	sld [smem:$0x3FB6]  }
0x3d: {  	_ =	shalt  }
0x3e: {  	_ =	shalt  }
0x3f: {  	_ =	shalt  }
0x40: {  	_ =	shalt  }
0x41: {  	_ =	shalt  }
0x42: {  	_ =	shalt  }
0x43: {  	_ =	shalt  }
0x44: {  	_ =	shalt  }
0x45: {  	_ =	shalt  }
0x46: {  	_ =	shalt  }
0x47: {  	_ =	shalt  }
0x48: {  	_ =	shalt  }
0x49: {  	_ =	shalt  }
0x4a: {  	_ =	shalt  }
0x4b: {  	_ =	shalt  }
0x4c: {  	_ =	shalt  }
0x4d: {  	_ =	shalt  }
0x4e: {  	_ =	shalt  }
0x4f: {  	_ =	shalt  }
0x50: {  	_ =	shalt  }
0x51: {  	_ =	shalt  }
0x52: {  	_ =	shalt  }
0x53: {  	_ =	shalt  }
0x54: {  	_ =	shalt  }
0x55: {  	_ =	shalt  }
0x56: {  	_ =	shalt  }
0x57: {  	_ =	shalt  }
0x58: {  	_ =	shalt  }
0x59: {  	_ =	shalt  }
0x5a: {  	_ =	shalt  }
0x5b: {  	_ =	shalt  }
0x5c: {  	_ =	shalt  }
0x5d: {  	_ =	shalt  }
0x5e: {  	_ =	shalt  }
0x5f: {  	_ =	shalt  }
0x60: {  	_ =	shalt  }
0x61: {  	_ =	shalt  }
0x62: {  	_ =	shalt  }
0x63: {  	_ =	shalt  }
0x64: {  	_ =	shalt  }
0x65: {  	_ =	shalt  }
0x66: {  	_ =	shalt  }
0x67: {  	_ =	shalt  }
0x68: {  	_ =	shalt  }
0x69: {  	_ =	shalt  }
0x6a: {  	_ =	shalt  }
0x6b: {  	_ =	shalt  }
0x6c: {  	_ =	shalt  }
0x6d: {  	_ =	shalt  }
0x6e: {  	_ =	shalt  }
0x6f: {  	_ =	shalt  }
0x70: {  	_ =	shalt  }
0x71: {  	_ =	shalt  }
0x72: {  	_ =	shalt  }
0x73: {  	_ =	shalt  }
0x74: {  	_ =	shalt  }
0x75: {  	_ =	shalt  }
0x76: {  	_ =	shalt  }
0x77: {  	_ =	shalt  }
0x78: {  	_ =	shalt  }
0x79: {  	_ =	shalt  }
0x7a: {  	_ =	shalt  }
0x7b: {  	_ =	shalt  }
0x7c: {  	_ =	shalt  }
0x7d: {  	_ =	shalt  }
0x7e: {  	_ =	shalt  }
0x7f: {  	_ =	shalt  }
0x80: {  	_ =	shalt  }
0x81: {  	_ =	shalt  }
0x82: {  	_ =	shalt  }
0x83: {  	_ =	shalt  }
0x84: {  	_ =	shalt  }
0x85: {  	_ =	shalt  }
0x86: {  	_ =	shalt  }
0x87: {  	_ =	shalt  }
.Lfunc_end0:
.L_simem_size_0:
called_computation_lowered:
.L_overlay_start_0:
0x88: {  	s2 =	sld [smem:$0x3FD9]  }
0x89: {  	s3 =	sld [smem:$0x3FFE];
	_ =	sdelay $0x1  }
0x8a: {  	s1 =	srdreg.scid  }
0x8b: {  	s0 =	sand.u32 $0x1, s1  }
0x8c: {  	s28 =	sshll.u32 s0, $0xA;
	s2 =	sadd.s32 s3, s2  }
0x8d: {  	s2 =	sadd.s32 s2, s28  }
0x8e: {  	[smem:$0x3FC2] =	sst s2  }
0x8f: {  	_ = 	snop  }
0x90: {  	s2 =	sld [smem:$0x3FC9]  }
0x91: {  	s29 =	sld [smem:$0x3FC8]  }
0x92: {  	s4 =	sld [smem:$0x3FC7]  }
0x93: {  	s5 =	sld [smem:$0x3FD0]  }
0x94: {  	s6 =	sld [smem:$0x3FC6]  }
0x95: {  	s7 =	sld [smem:$0x3FC5]  }
0x96: {  	s9 =	simm.s32 $0xA;
	s10 =	simm.s32 $0x10;
	s8 =	sld [smem:$0x3FC4]  }
0x97: {  	[smem:s10], [sflag:s9] =	dma.local [hbm:s5], $0x1  }
0x98: {  	_ =	swait.eq [sflag:s9], $0x1  }
0x99: {  	s30 =	sld [smem:$0x10]  }
0x9a: {  	s31 =	sld [smem:$0x11]  }
0x9b: {  	s11 =	sld [smem:$0x12]  }
0x9c: {  	s12 =	sld [smem:$0x13];
	[sflag:s9] =	ssyncset.done $0x0  }
0x9d: {  	s13 =	sld [smem:$0x14];
	[sflag:s9] =	ssyncadd.s32 $0xFFFFFFFF  }
0x9e: {  	s19 =	sld [smem:$0x15];
	(tm) =	ssettm $0x1  }
0x9f: {  	s14 =	sld [smem:$0x3FFB];
	_ =	sdelay $0x3  }
0xa0: {  	_ =	strace s14  }
0xa1: {  	s14 =	sld [smem:$0x3FFC];
	_ =	sdelay $0x3  }
0xa2: {  	_ =	strace s14  }
0xa3: {  	s14 =	sld [smem:$0x3FFD];
	_ =	sdelay $0x3  }
0xa4: {  	_ =	strace s14  }
0xa5: {  	_ =	strace $0x8FFFFFFF  }
0xa6: {  	s20 =	sld [smem:$0x3FDB];
	_ =	sdelay $0x1  }
0xa7: {  	s15 =	simm.s32 $_scs_section_size  }
0xa8: {  	s16 =	simm.s32 $_size__tile_overlayer_lowered;
	s17 =	simm.s32 $_tile_overlayer_lowered  }
0xa9: {  	s23 =	simm.s32 $0x1BFF;
	s22 =	sshll.u32 s17, $0x1;
	s14 =	sadd.s32 s15, s20  }
0xaa: {  	s18 =	simm.s32 $0x0;
	s21 =	sshll.u32 s16, $0x1;
	s16 =	sadd.s32 s22, s14  }
0xab: {  	[timem:s18], [sflag:s23] =	dma.local [hbm:s16], s21  }
0xac: {  	_ =	swait.ge [sflag:s23], s21  }
0xad: {  	s15 =	ssub.s32 $0x0, s21;
	[sflag:s23] =	ssyncset.done $0x0  }
0xae: {  	[sflag:s23] =	ssyncadd.s32 s15;
	_ =	sdelay $0x1  }
0xaf: {  	s24 =	simm.s32 $0x1B8B  }
0xb0: {  	_ =	swait.ge [sflag:s24], $0x1  }
0xb1: {  	[sflag:s24] =	ssyncset.done $0x0  }
0xb2: {  	s25 =	simm.s32 $0x1B8E;
	[sflag:s24] =	ssyncadd.s32 $0xFFFFFFFF  }
0xb3: {  	s26 =	simm.s32 $execute0_lowered;
	[smem:$0x3FD2] =	sst s25  }
0xb4: {  	s15 =	sshll.u32 s26, $0x1;
	_ =	strace $0x80000046;
	[dreg:$0x1] =	wrdreg $0xFFFFFFFF  }
0xb5: {  	s28 =	simm.s32 $_size_execute0_lowered;
	s14 =	sadd.s32 s14, s15;
	[dreg:$0x0] =	wrdreg $0x0  }
0xb6: {  	s15 =	sshll.u32 s28, $0x1;
	[dreg:$0x2] =	wrdreg s14  }
0xb7: {  	[dreg:$0x3] =	wrdreg s15  }
0xb8: {  	[dreg:$0x4] =	wrdreg $0xC0  }
0xb9: {  	_ =	task [dreg:s18], $0x5FFFF  }
0xba: {  	[dreg:$0x1] =	wrdreg $0xFFFFFFFF  }
0xbb: {  	[dreg:$0x0] =	wrdreg $0x60  }
0xbc: {  	[dreg:$0x2] =	wrdreg s2  }
0xbd: {  	[dreg:$0x3] =	wrdreg s29  }
0xbe: {  	[dreg:$0x4] =	wrdreg s4  }
0xbf: {  	[dreg:$0x5] =	wrdreg s6  }
0xc0: {  	[dreg:$0x6] =	wrdreg s7  }
0xc1: {  	[dreg:$0x7] =	wrdreg s8  }
0xc2: {  	[dreg:$0x8] =	wrdreg s30  }
0xc3: {  	[dreg:$0x9] =	wrdreg s31  }
0xc4: {  	[dreg:$0xa] =	wrdreg s11  }
0xc5: {  	[dreg:$0xb] =	wrdreg s12  }
0xc6: {  	[dreg:$0xc] =	wrdreg s13  }
0xc7: {  	[dreg:$0xd] =	wrdreg s19  }
0xc8: {  	[dreg:$0xe] =	wrdreg $0x161000  }
0xc9: {  	[dreg:$0xf] =	wrdreg $0x9  }
0xca: {  	_ =	task.clear_ibuf [dreg:s18], $0x10FFFF;
	_ =	strace $0x90000046  }
0xcb: {  	s29 =	simm.s32 $0x9;
	_ =	strace $0x80000048  }
0xcc: {  	_ =	swait.ge [sflag:s29], $0x1  }
0xcd: {  	[sflag:s29] =	ssyncadd.s32 $0xFFFFFFFF  }
0xce: {  	_ =	strace $0x90000048  }
0xcf: {  	_ =	sfence  }
0xd0: {  	s30 =	sld [smem:$0x0];
	_ =	sdelay $0x2  }
0xd1: {  	s31 =	sshll.u32 s1, $0xD;
	s1 =	sshrl.u32 s1, $0x2  }
0xd2: {  	s3 =	sand.u32 $0x4000, s31;
	s1 =	sadd.s32 s1, s30  }
0xd3: {  	s0 =	sor.u32 s3, s0;
	s1 =	sshll.u32 s1, $0x11  }
0xd4: {  	s0 =	sor.u32 s1, s0  }
0xd5: {  	s0 =	sadd.s32 $0x8F2B, s0  }
0xd6: {  	[sflag:s0] =	ssyncadd.remote.s32 $0x1  }
0xd7: {  	_ =	sfence.sel $0xFFFF  }
0xd8: {  	[dreg:$0x0] =	wrdreg $0xFFFFFFFF;
	(pc) =	sbr.abs _section_cstart, $3  }
0xd9: {  	[dreg:$0x1] =	wrdreg $0xFFFFFFFF  }
0xda: {  	_ =	task.clear_ibuf [dreg:s18], $0x2FFFF;
	_ =	strace $0x9FFFFFFF  }
0xdb: {  	(tm) =	ssettm $0x7FFFFFFF  }
tec
execute0_lowered:
.L_overlay_start_1:
0x0: {  	(tag) =	ssettag $0x1  }
0x1: {  	s0 =	rddreg [dreg:$0x0]  }
0x2: {  	s1 =	rddreg [dreg:$0x1]  }
0x3: {  	s2 =	rddreg [dreg:$0x2]  }
0x4: {  	s3 =	rddreg [dreg:$0x9]  }
0x5: {  	s31 =	rddreg [dreg:$0xa]  }
0x6: {  	s11 =	rddreg [dreg:$0xb];
	s4 =	srdreg.scid  }
0x7: {  	s14 =	rddreg [dreg:$0xc];
	s13 =	simm.s32 $0x0;
	s15 =	stileid.u32  }
0x8: {  	s30 =	simm.s32 $0x10800;
	s29 =	simm.s32 $0x15800;
	s4 =	sand.u32 $0x1, s4  }
0x9: {  	[smem:$0x7FF] =	sst s13;
	s25 =	sshrl.u32 s15, $0x1;
	s7 =	sand.u32 $0x1, s15  }
0xa: {  	s9 =	sshll.u32 s15, $0x4;
	s26 =	sshll.u32 s15, $0x7;
	s5 =	ssub.s32 $0x2, s4  }
0xb: {  	_ =	strace $0x80000047;
	s8 =	sshll.u32 s4, $0x4;
	s4 =	sshll.u32 s4, $0x13  }
0xc: {  	s16 =	sshll.u32 s25, $0x10;
	s9 =	sand.u32 $0x70, s9;
	p0 =	seq.s32 s7, $0x0  }
0xd: {  	s6 =	sshrl.u32 s5, $0x1;
	s8 =	sor.u32 s15, s8;
	s12 =	sor.u32 s4, s16  }
0xe: {  	s9 =	sadd.s32 s31, s9;
	s15 =	sshll.u32 s7, $0xF;
	[dreg:$0xe] =	wrdreg s16  }
0xf: {  	s23 =	sadd.s32 s16, s14;
	s5 =	ssub.s32 s5, s6;
	s10 =	sshll.u32 s8, $0xC  }
0x10: {  	s8 =	sshll.u32 s8, $0xF;
	s6 =	sshll.u32 s25, $0x7;
	s18 =	sor.u32 s15, s12  }
0x11: {  	[dreg:$0x10] =	wrdreg s15;
	s10 =	sand.u32 $0x18000, s10;
	s25 =	smax.u32 s5, $0x1  }
0x12: {  	s8 =	sor.u32 s8, s26;
	s14 =	sor.u32 $0x800, s18;
	[dreg:$0x19] =	wrdreg s25  }
0x13: {  	s19 =	sshrl.u32 s18, $0x3;
	s28 =	sor.u32 $0x1000, s18;
	[dreg:$0x1a] =	wrdreg s14  }
0x14: {  	s5 =	simm.s32 $0x400;
	s9 =	sadd.s32 s10, s9;
	[dreg:$0x1b] =	wrdreg s28  }
0x15: {  	s10 =	sshll.u32 s7, $0x12;
	s21 =	sadd.s32 s0, s19;
	[dreg:$0xf] =	wrdreg s9  }
0x16: {  	s8 =	sand.u32 $0xC0380, s8;
	s22 =	sadd.s32 s1, s19;
	[dreg:$0x14] =	wrdreg s21  }
0x17: {  	s24 =	sadd.s32 s2, s19;
	s25 =	simm.s32 $0x15000;
	[dreg:$0x15] =	wrdreg s22  }
0x18: {  	s6 =	sor.u32 s6, s10;
	s8 =	sxor.u32 $0x80, s8;
	[dreg:$0x16] =	wrdreg s24  }
0x19: {  	s21 =	sadd.s32 s15, s23;
	s22 =	simm.s32 $0x10000;
	s23 =	simm.s32 $0x2  }
0x1a: {  	s24 =	simm.s32 $0x8000;
	s15 =	simm.s32 $0x4;
	s9 =	simm.s32 $0x0  }
0x1b: {  	s20 =	sor.u32 s4, s6;
	s17 =	sshrl.u32 s8, $0x3;
	[dreg:$0x11] =	wrdreg s8  }
0x1c: {  	s26 =	sor.u32 $0x8000, s8;
	[dreg:$0x18] =	wrdreg s21;
	s6 =	sshrl.u32 s20, $0x3  }
0x1d: {  	s4 =	sadd.s32 s31, s17;
	[dreg:$0x1c] =	wrdreg s26;
	s26 =	simm.s32 $0x3  }
0x1e: {  	s17 =	simm.s32 $0x5;
	s3 =	sadd.s32 s3, s6;
	[dreg:$0x13] =	wrdreg s4  }
0x1f: {  	s4 =	simm.s32 $0x6;
	[dreg:$0x12] =	wrdreg s3;
	s3 =	sadd.s32 s11, s19  }
0x20: {  	v1 =	vimm.s32 $0x0;
	v2 =	vlaneseq.u32;
	v0 =	vmov s12;
	s6 =	simm.s32 $0x800;
	[dreg:$0x17] =	wrdreg s3;
	s3 =	simm.s32 $0x80  }
.LBB2_1:
0x21: {  	[dreg:$0x1d] =	wrdreg s9  }
0x22: {  	s7 =	rddreg [dreg:$0x4];
	s8 =	simm.s32 $0x16000  }
0x23: {  	[tilespmem:s8], [sflag:$0x6] =	stream.linear.gather [hbm4b:s7+s13], $0x80, $0x38;
	[tilespmem:$0x1E100] =	vst v63  }
0x24: {  	_ =	swait.ge [sflag:s4], $0x80  }
0x25: {  	[sflag:s4] =	ssyncset.done $0x0  }
0x26: {  	[sflag:s4] =	ssyncadd.s32 $0xFFFFFF80  }
0x27: {  	s19 =	simm.s32 $0x16080;
	s16 =	rddreg [dreg:$0x5]  }
0x28: {  	v6 =	vld [tilespmem:$0x16000];
	[tilespmem:s19], [sflag:$0x6] =	stream.linear.gather [hbm4b:s16+s13], $0x80, $0x38  }
0x29: {  	_ =	swait.ge [sflag:s4], $0x80  }
0x2a: {  	[sflag:s4] =	ssyncset.done $0x0  }
0x2b: {  	[sflag:s4] =	ssyncadd.s32 $0xFFFFFF80  }
0x2c: {  	v3 =	vld [tilespmem:$0x16080]  }
0x2d: {  	v4 =	vld [tilespmem:$0x16090];
	s21 =	rddreg [dreg:$0x3]  }
0x2e: {  	v5 =	vld [tilespmem:$0x160A0];
	[tilespmem:s13], [sflag:$0x6] =	stream.linear.gather [hbm4b:s21+s13], $0x8000, $0x38  }
0x2f: {  	_ =	swait.ge [sflag:s4], $0x8000  }
0x30: {  	[sflag:s4] =	ssyncset.done $0x0  }
0x31: {  	s7 =	simm.s32 $0x0;
	s8 =	simm.s32 $0x200;
	[sflag:s4] =	ssyncadd.s32 $0xFFFF8000  }
.LBB2_2:
0x32: {  	p1 =	sne.s32 s8, $0x1FE00;
	[tilespmem:s7+$0x8070] =	vst v1  }
0x33: {  	[tilespmem:s7+$0x8000] =	vst v1  }
0x34: {  	[tilespmem:s7+$0x8010] =	vst v1  }
.Ltmp0:
0x35: {  	[tilespmem:s7+$0x8020] =	vst v1;
	(pc) =	sbr.rel @p1 .LBB2_2-.Ltmp0, $4  }
0x36: {  	[tilespmem:s7+$0x8030] =	vst v1  }
0x37: {  	[tilespmem:s7+$0x8040] =	vst v1  }
0x38: {  	[tilespmem:s7+$0x8050] =	vst v1  }
0x39: {  	[tilespmem:s7+$0x8060] =	vst v1;
	s7 =	sshra.s32 s8, $0x2;
	s8 =	sadd.s32 $0x200, s8  }
0x3a: {  	[tilespmem:s7+$0x8070] =	vst v1  }
0x3b: {  	[tilespmem:s7+$0x8000] =	vst v1  }
0x3c: {  	[tilespmem:s7+$0x8010] =	vst v1  }
0x3d: {  	[tilespmem:s7+$0x8020] =	vst v1;
	(erf) = vrcp.f32 v6  }
0x3e: {  	[tilespmem:s7+$0x8030] =	vst v1  }
0x3f: {  	[tilespmem:s7+$0x8040] =	vst v1  }
0x40: {  	[tilespmem:s7+$0x8050] =	vst v1  }
0x41: {  	[tilespmem:s7+$0x8060] =	vst v1;
	s7 =	simm.s32 $0x0;
	s8 =	rddreg [dreg:$0x14]  }
0x42: {  	[tilespmem:s22], [sflag:$0x2] =	stream.linear.gather [hbm4b:s8+s7], $0x800, $0x38;
	[tilespmem:$0x1E100] =	vst v63  }
0x43: {  	s22 =	rddreg [dreg:$0x15]  }
0x44: {  	[tilespmem:s30], [sflag:$0x2] =	stream.linear.gather [hbm4b:s22+s7], $0x800, $0x38;
	[tilespmem:$0x1E100] =	vst v63  }
0x45: {  	s9 =	simm.s32 $0x11000;
	s30 =	rddreg [dreg:$0x16]  }
0x46: {  	[tilespmem:s9], [sflag:$0x2] =	stream.linear.gather [hbm4b:s30+s7], $0x800, $0x38;
	v6 =	vpop (erf);
	[tilespmem:$0x1E100] =	vst v63  }
.LBB2_4:
0x47: {  	s10 =	sshll.u32 s7, $0xC  }
0x48: {  	s8 =	sadd.s32 s14, s10  }
0x49: {  	s8 =	sshrl.u32 s8, $0x3  }
0x4a: {  	s12 =	simm.s32 $0x11800;
	s9 =	sadd.s32 s0, s8  }
0x4b: {  	[tilespmem:s12], [sflag:$0x3] =	stream.linear.gather [hbm4b:s9+s13], $0x800, $0x38;
	[tilespmem:$0x1E100] =	vst v63  }
0x4c: {  	s21 =	simm.s32 $0x12000;
	s19 =	sadd.s32 s1, s8  }
0x4d: {  	[tilespmem:s21], [sflag:$0x3] =	stream.linear.gather [hbm4b:s19+s13], $0x800, $0x38;
	[tilespmem:$0x1E100] =	vst v63  }
0x4e: {  	s30 =	simm.s32 $0x12800;
	s22 =	sadd.s32 s2, s8  }
0x4f: {  	[tilespmem:s30], [sflag:$0x3] =	stream.linear.gather [hbm4b:s22+s13], $0x800, $0x38;
	[tilespmem:$0x1E100] =	vst v63  }
0x50: {  	_ =	swait.ge [sflag:s23], $0x800  }
0x51: {  	[sflag:s23] =	ssyncset.done $0x0  }
0x52: {  	[sflag:s23] =	ssyncadd.s32 $0xFFFFF800  }
0x53: {  	_ =	swait.ge [sflag:s23], $0x800  }
0x54: {  	[sflag:s23] =	ssyncset.done $0x0  }
0x55: {  	[sflag:s23] =	ssyncadd.s32 $0xFFFFF800  }
0x56: {  	_ =	swait.ge [sflag:s23], $0x800  }
0x57: {  	p1 =	seq.s32 s7, $0x0;
	[sflag:s23] =	ssyncset.done $0x0  }
0x58: {  	s9 =	simm.s32 @!p1 $0x4;
	[sflag:s23] =	ssyncadd.s32 $0xFFFFF800  }
0x59: {  	_ =	swait.ge @!p1 [sflag:s9], $0x800  }
0x5a: {  	[sflag:s9] =	ssyncset.done @!p1 $0x0  }
0x5b: {  	s12 =	simm.s32 $0x0;
	[sflag:s9] =	ssyncadd.s32 @!p1 $0xFFFFF800  }
0x5c: {  	v7 =	vld [tilespmem:s12+$0x10030]  }
0x5d: {  	v8 =	vld [tilespmem:s12+$0x11000]  }
0x5e: {  	v9 =	vld [tilespmem:s12+$0x10810]  }
0x5f: {  	v10 =	vld [tilespmem:s12+$0x10020]  }
0x60: {  	v11 =	vld [tilespmem:s12+$0x11010]  }
0x61: {  	v12 =	vld [tilespmem:s12+$0x10000]  }
0x62: {  	v13 =	vld [tilespmem:s12+$0x10010]  }
0x63: {  	v14 =	vld [tilespmem:s12+$0x10800]  }
0x64: {  	v15 =	vld [tilespmem:s12+$0x10820]  }
0x65: {  	v16 =	vld [tilespmem:s12+$0x11020];
	v7 =	vsub.f32 v7, v3;
	v8 =	vsub.f32 v8, v5  }
0x66: {  	v17 =	vld [tilespmem:s12+$0x11030];
	v9 =	vsub.f32 v9, v4;
	v10 =	vsub.f32 v10, v3  }
0x67: {  	v18 =	vld [tilespmem:s12+$0x10830];
	v11 =	vsub.f32 v11, v5;
	v12 =	vsub.f32 v12, v3  }
0x68: {  	v13 =	vsub.f32 v13, v3;
	v14 =	vsub.f32 v14, v4  }
0x69: {  	v15 =	vsub.f32 v15, v4;
	v7 =	vmul.f32 v7, v6;
	v8 =	vmul.f32 v8, v6  }
0x6a: {  	v16 =	vsub.f32 v16, v5;
	v9 =	vmul.f32 v9, v6;
	v10 =	vmul.f32 v10, v6  }
0x6b: {  	v17 =	vsub.f32 v17, v5;
	v11 =	vmul.f32 v11, v6;
	v12 =	vmul.f32 v12, v6  }
0x6c: {  	v18 =	vsub.f32 v18, v4;
	v14 =	vmul.f32 v14, v6;
	v13 =	vmul.f32 v13, v6  }
0x6d: {  	v15 =	vmul.f32 v15, v6;
	v7 =	vadd.f32 $1.600000000e+01, v7;
	v9 =	vadd.f32 $1.600000000e+01, v9  }
0x6e: {  	v16 =	vmul.f32 v16, v6;
	v10 =	vadd.f32 $1.600000000e+01, v10;
	v11 =	vadd.f32 $1.600000000e+01, v11  }
0x6f: {  	v17 =	vmul.f32 v17, v6;
	v12 =	vadd.f32 $1.600000000e+01, v12;
	v8 =	vadd.f32 $1.600000000e+01, v8  }
0x70: {  	v18 =	vmul.f32 v18, v6;
	v13 =	vadd.f32 $1.600000000e+01, v13;
	v14 =	vadd.f32 $1.600000000e+01, v14  }
0x71: {  	v15 =	vadd.f32 $1.600000000e+01, v15;
	v7 =	vtrunc.f32 v7;
	v9 =	vtrunc.f32 v9  }
0x72: {  	v16 =	vadd.f32 $1.600000000e+01, v16;
	v11 =	vtrunc.f32 v11;
	v10 =	vtrunc.f32 v10  }
0x73: {  	v17 =	vadd.f32 $1.600000000e+01, v17;
	v12 =	vtrunc.f32 v12;
	v8 =	vtrunc.f32 v8  }
0x74: {  	v58 =	vadd.f32 $1.600000000e+01, v18;
	v13 =	vtrunc.f32 v13;
	v14 =	vtrunc.f32 v14  }
0x75: {  	v15 =	vtrunc.f32 v15;
	v16 =	vtrunc.f32 v16  }
0x76: {  	v57 =	vtrunc.f32 v17;
	v60 =	vtrunc.f32 v58  }
0x77: {  	v9 =	vcvt.f32.s32 v9;
	v12 =	vcvt.f32.s32 v12  }
0x78: {  	v10 =	vcvt.f32.s32 v10;
	v11 =	vcvt.f32.s32 v11  }
0x79: {  	v8 =	vcvt.f32.s32 v8;
	v13 =	vcvt.f32.s32 v13  }
0x7a: {  	v14 =	vcvt.f32.s32 v14;
	v15 =	vcvt.f32.s32 v15  }
0x7b: {  	v16 =	vcvt.f32.s32 v16;
	v59 =	vcvt.f32.s32 v57  }
0x7c: {  	v7 =	vcvt.f32.s32 v7;
	vm1 =	vgt.s32 v9, $0x0;
	vm2 =	vgt.s32 v12, $0x0  }
0x7d: {  	vm3 =	vgt.s32 v10, $0x0;
	vm0 =	vgt.s32 v8, $0x0;
	vm9 =	vgt.s32 v13, $0x0  }
0x7e: {  	vm4 =	vgt.s32 v11, $0x0;
	vm10 =	vgt.s32 v15, $0x0;
	vm11 =	vgt.s32 v14, $0x0  }
0x7f: {  	vm12 =	vgt.s32 v16, $0x0;
	vm15 =	vgt.s32 v7, $0x0;
	v10 =	vnsel vm3, $0x0, v10  }
0x80: {  	v12 =	vnsel vm2, $0x0, v12;
	v13 =	vnsel vm9, $0x0, v13;
	v11 =	vnsel vm4, $0x0, v11  }
0x81: {  	v9 =	vnsel vm1, $0x0, v9;
	v15 =	vnsel vm10, $0x0, v15;
	v14 =	vnsel vm11, $0x0, v14  }
0x82: {  	v16 =	vnsel vm12, $0x0, v16;
	v8 =	vnsel vm0, $0x0, v8;
	v7 =	vnsel vm15, $0x0, v7  }
0x83: {  	v12 =	vmin.u32 v12, $0x1F;
	v9 =	vmin.u32 v9, $0x1F;
	v11 =	vmin.u32 v11, $0x1F  }
0x84: {  	v15 =	vmin.u32 v15, $0x1F;
	v14 =	vmin.u32 v14, $0x1F;
	v16 =	vmin.u32 v16, $0x1F  }
0x85: {  	v13 =	vmin.u32 v13, $0x1F;
	v10 =	vmin.u32 v10, $0x1F;
	v8 =	vmin.u32 v8, $0x1F  }
0x86: {  	v15 =	vshll.u32 v15, $0x5;
	v9 =	vshll.u32 v9, $0x5;
	v14 =	vshll.u32 v14, $0x5  }
0x87: {  	v12 =	vshll.u32 v12, $0xA;
	v13 =	vshll.u32 v13, $0xA;
	v10 =	vshll.u32 v10, $0xA  }
0x88: {  	v19 =	vand.u32 $0x380, v15;
	v15 =	vand.u32 $0x60, v15;
	v20 =	vand.u32 $0x60, v9  }
0x89: {  	v21 =	vand.u32 $0x60, v14;
	v14 =	vand.u32 $0x380, v14;
	v9 =	vand.u32 $0x380, v9  }
0x8a: {  	v11 =	vor.u32 v20, v11;
	v15 =	vor.u32 v15, v16;
	v16 =	vcvt.f32.s32 v60  }
0x8b: {  	v12 =	vor.u32 v12, v14;
	v8 =	vor.u32 v21, v8;
	v10 =	vor.u32 v10, v19  }
0x8c: {  	v9 =	vor.u32 v13, v9;
	v8 =	vor.u32 v8, v12;
	vm14 =	vgt.s32 v16, $0x0  }
0x8d: {  	v9 =	vor.u32 v11, v9;
	v11 =	vor.u32 v15, v10;
	v10 =	vnsel vm14, $0x0, v16  }
0x8e: {  	vm13 =	vgt.s32 v59, $0x0;
	v7 =	vmin.u32 v7, $0x1F;
	v10 =	vmin.u32 v10, $0x1F  }
0x8f: {  	v61 =	vnsel vm13, $0x0, v59;
	v62 =	vshll.u32 v7, $0xA;
	v10 =	vshll.u32 v10, $0x5  }
0x90: {  	v12 =	vmin.u32 v61, $0x1F;
	v63 =	vand.u32 $0x380, v10;
	v10 =	vand.u32 $0x60, v10  }
0x91: {  	v7 =	vld.idx.msk [tilespmem:v8+s13+$0x0], $0xffff;
	v8 =	vor.u32 v62, v63;
	v10 =	vor.u32 v10, v12  }
0x92: {  	v10 =	vor.u32 v10, v8;
	_ =	sdelay $0x1  }
0x93: {  	v9 =	vld.idx.msk [tilespmem:v9+s13+$0x0], $0xffff  }
0x94: {  	s19 =	simm.s32 $0x100;
	v8 =	vld.idx.msk [tilespmem:v11+s13+$0x0], $0xffff  }
.LBB2_5:
0x95: {  	_ = 	snop  }
0x96: {  	p2 =	sne.s32 s19, $0x1F00;
	v10 =	vld.idx.msk [tilespmem:v10+s13+$0x0], $0xffff;
	(xrf1) =	vunique.msk.u32 $0xffff, v7;
	s9 =	smov.u32 s19;
	s19 =	sadd.s32 $0x100, s19  }
0x97: {  	_ = 	snop  }
0x98: {  	(xrf1) =	vunique.msk.u32 $0xffff, v9;
	_ =	sdelay $0x1  }
0x99: {  	(xrf1) =	vunique.msk.u32 $0xffff, v8;
	_ =	sdelay $0x1  }
0x9a: {  	(xrf1) =	vunique.msk.u32 $0xffff, v10;
	_ =	sdelay $0x7  }
0x9b: {  	_, v11, vm0 =	vpop (xrf1);
	_ =	sdelay $0x1  }
0x9c: {  	_, v12, vm1 =	vpop (xrf1);
	_ =	sdelay $0x1  }
0x9d: {  	_, v13, vm2 =	vpop (xrf1);
	_ =	sdelay $0x1  }
0x9e: {  	[tilespmem:v7+s24+$0x0] =	vst.idx.add.s32.msk vm0, v11;
	_, v11, vm0 =	vpop (xrf1)  }
0x9f: {  	[tilespmem:s12+$0x15000] =	vst v7  }
0xa0: {  	[tilespmem:v9+s24+$0x0] =	vst.idx.add.s32.msk vm1, v12  }
0xa1: {  	[tilespmem:s12+$0x15010] =	vst v9  }
0xa2: {  	s9 =	sshra.s32 s9, $0x2;
	[tilespmem:v8+s24+$0x0] =	vst.idx.add.s32.msk vm2, v13  }
0xa3: {  	[tilespmem:s12+$0x15020] =	vst v8  }
0xa4: {  	[tilespmem:v10+s24+$0x0] =	vst.idx.add.s32.msk vm0, v11  }
0xa5: {  	v7 =	vld [tilespmem:s9+$0x11010];
	[tilespmem:s12+$0x15030] =	vst v10;
	s12 =	smov.u32 s9  }
0xa6: {  	v8 =	vld [tilespmem:s12+$0x10030]  }
0xa7: {  	v9 =	vld [tilespmem:s12+$0x11000]  }
0xa8: {  	v10 =	vld [tilespmem:s12+$0x10810]  }
0xa9: {  	v11 =	vld [tilespmem:s12+$0x10020]  }
0xaa: {  	v12 =	vld [tilespmem:s12+$0x10000]  }
0xab: {  	v13 =	vld [tilespmem:s12+$0x10010];
	v8 =	vsub.f32 v8, v3  }
0xac: {  	v9 =	vsub.f32 v9, v5  }
0xad: {  	v14 =	vld [tilespmem:s12+$0x10800];
	v10 =	vsub.f32 v10, v4;
	v8 =	vmul.f32 v8, v6  }
0xae: {  	v7 =	vsub.f32 v7, v5;
	v9 =	vmul.f32 v9, v6;
	v11 =	vsub.f32 v11, v3  }
0xaf: {  	v12 =	vsub.f32 v12, v3;
	v10 =	vmul.f32 v10, v6;
	v8 =	vadd.f32 $1.600000000e+01, v8  }
0xb0: {  	v7 =	vmul.f32 v7, v6;
	v13 =	vsub.f32 v13, v3;
	v11 =	vmul.f32 v11, v6;
	v15 =	vld [tilespmem:s12+$0x10820]  }
0xb1: {  	v9 =	vadd.f32 $1.600000000e+01, v9;
	v12 =	vmul.f32 v12, v6;
	v10 =	vadd.f32 $1.600000000e+01, v10  }
0xb2: {  	v8 =	vtrunc.f32 v8;
	v14 =	vsub.f32 v14, v4;
	v11 =	vadd.f32 $1.600000000e+01, v11  }
0xb3: {  	v7 =	vadd.f32 $1.600000000e+01, v7;
	v12 =	vadd.f32 $1.600000000e+01, v12;
	v10 =	vtrunc.f32 v10  }
0xb4: {  	v14 =	vmul.f32 v14, v6;
	v10 =	vcvt.f32.s32 v10  }
0xb5: {  	v7 =	vtrunc.f32 v7;
	v11 =	vtrunc.f32 v11;
	v15 =	vsub.f32 v15, v4;
	v16 =	vld [tilespmem:s12+$0x11020]  }
0xb6: {  	v13 =	vmul.f32 v13, v6;
	v12 =	vtrunc.f32 v12;
	vm1 =	vgt.s32 v10, $0x0  }
0xb7: {  	v11 =	vcvt.f32.s32 v11;
	v12 =	vcvt.f32.s32 v12;
	v14 =	vadd.f32 $1.600000000e+01, v14  }
0xb8: {  	v7 =	vcvt.f32.s32 v7;
	v9 =	vtrunc.f32 v9;
	v13 =	vadd.f32 $1.600000000e+01, v13  }
0xb9: {  	v15 =	vmul.f32 v15, v6;
	vm2 =	vgt.s32 v12, $0x0;
	v14 =	vtrunc.f32 v14  }
0xba: {  	v9 =	vcvt.f32.s32 v9;
	v13 =	vtrunc.f32 v13;
	v16 =	vsub.f32 v16, v5;
	v17 =	vld [tilespmem:s12+$0x10830]  }
0xbb: {  	v13 =	vcvt.f32.s32 v13;
	vm3 =	vgt.s32 v11, $0x0;
	v15 =	vadd.f32 $1.600000000e+01, v15  }
0xbc: {  	vm0 =	vgt.s32 v9, $0x0;
	v11 =	vnsel vm3, $0x0, v11;
	v16 =	vmul.f32 v16, v6  }
0xbd: {  	vm4 =	vgt.s32 v7, $0x0;
	vm3 =	vgt.s32 v13, $0x0;
	v15 =	vtrunc.f32 v15  }
0xbe: {  	v12 =	vnsel vm2, $0x0, v12;
	v14 =	vcvt.f32.s32 v14;
	v15 =	vcvt.f32.s32 v15  }
0xbf: {  	v7 =	vnsel vm4, $0x0, v7;
	v13 =	vnsel vm3, $0x0, v13;
	v16 =	vadd.f32 $1.600000000e+01, v16  }
0xc0: {  	v10 =	vnsel vm1, $0x0, v10;
	v12 =	vmin.u32 v12, $0x1F;
	vm1 =	vgt.s32 v15, $0x0;
	v18 =	vld [tilespmem:s12+$0x11030]  }
0xc1: {  	v7 =	vmin.u32 v7, $0x1F;
	v10 =	vmin.u32 v10, $0x1F;
	v15 =	vnsel vm1, $0x0, v15  }
0xc2: {  	vm1 =	vgt.s32 v14, $0x0;
	v15 =	vmin.u32 v15, $0x1F;
	v16 =	vtrunc.f32 v16  }
0xc3: {  	v14 =	vnsel vm1, $0x0, v14;
	v15 =	vshll.u32 v15, $0x5;
	v16 =	vcvt.f32.s32 v16  }
0xc4: {  	v10 =	vshll.u32 v10, $0x5;
	v19 =	vand.u32 $0x380, v15;
	v15 =	vand.u32 $0x60, v15  }
0xc5: {  	v20 =	vand.u32 $0x60, v10;
	v14 =	vmin.u32 v14, $0x1F;
	v18 =	vsub.f32 v18, v5  }
0xc6: {  	v17 =	vsub.f32 v17, v4;
	v14 =	vshll.u32 v14, $0x5;
	vm1 =	vgt.s32 v16, $0x0  }
0xc7: {  	v21 =	vand.u32 $0x60, v14;
	v16 =	vnsel vm1, $0x0, v16;
	v18 =	vmul.f32 v18, v6  }
0xc8: {  	v7 =	vor.u32 v20, v7;
	v14 =	vand.u32 $0x380, v14;
	v16 =	vmin.u32 v16, $0x1F  }
0xc9: {  	v9 =	vnsel vm0, $0x0, v9;
	v12 =	vshll.u32 v12, $0xA;
	v18 =	vadd.f32 $1.600000000e+01, v18  }
0xca: {  	v11 =	vmin.u32 v11, $0x1F;
	v13 =	vmin.u32 v13, $0x1F;
	v17 =	vmul.f32 v17, v6  }
0xcb: {  	v13 =	vshll.u32 v13, $0xA;
	v15 =	vor.u32 v15, v16;
	v16 =	vtrunc.f32 v18  }
0xcc: {  	v10 =	vand.u32 $0x380, v10;
	v12 =	vor.u32 v12, v14;
	v14 =	vcvt.f32.s32 v16  }
0xcd: {  	v9 =	vmin.u32 v9, $0x1F;
	v11 =	vshll.u32 v11, $0xA;
	v16 =	vadd.f32 $1.600000000e+01, v17  }
0xce: {  	v11 =	vor.u32 v11, v19;
	v9 =	vor.u32 v21, v9;
	vm0 =	vgt.s32 v14, $0x0  }
0xcf: {  	v11 =	vor.u32 v15, v11;
	v15 =	vtrunc.f32 v16;
	v14 =	vnsel vm0, $0x0, v14  }
0xd0: {  	v9 =	vor.u32 v9, v12;
	v12 =	vcvt.f32.s32 v15;
	v14 =	vmin.u32 v14, $0x1F  }
0xd1: {  	v8 =	vcvt.f32.s32 v8;
	v10 =	vor.u32 v13, v10  }
0xd2: {  	v13 =	vor.u32 v7, v10;
	vm0 =	vgt.s32 v12, $0x0  }
0xd3: {  	vm1 =	vgt.s32 v8, $0x0;
	v7 =	vnsel vm0, $0x0, v12  }
0xd4: {  	v8 =	vnsel vm1, $0x0, v8;
	v7 =	vmin.u32 v7, $0x1F  }
0xd5: {  	v8 =	vmin.u32 v8, $0x1F;
	v7 =	vshll.u32 v7, $0x5  }
0xd6: {  	v8 =	vshll.u32 v8, $0xA;
	v10 =	vand.u32 $0x380, v7;
	v12 =	vand.u32 $0x60, v7  }
.Ltmp1:
0xd7: {  	v8 =	vor.u32 v8, v10;
	v7 =	vld.idx.msk [tilespmem:v9+s13+$0x0], $0xffff;
	v9 =	vor.u32 v12, v14;
	(pc) =	sbr.rel @p2 .LBB2_5-.Ltmp1, $3  }
0xd8: {  	v10 =	vor.u32 v9, v8  }
0xd9: {  	v9 =	vld.idx.msk [tilespmem:v13+s13+$0x0], $0xffff;
	_ =	sdelay $0x1  }
0xda: {  	v8 =	vld.idx.msk [tilespmem:v11+s13+$0x0], $0xffff  }
0xdb: {  	_ =	sdelay $0x2  }
0xdc: {  	(xrf1) =	vunique.msk.u32 $0xffff, v7  }
0xdd: {  	v10 =	vld.idx.msk [tilespmem:v10+s13+$0x0], $0xffff  }
0xde: {  	(xrf1) =	vunique.msk.u32 $0xffff, v9;
	_ =	sdelay $0x1  }
0xdf: {  	(xrf1) =	vunique.msk.u32 $0xffff, v8;
	_ =	sdelay $0x1  }
0xe0: {  	(xrf1) =	vunique.msk.u32 $0xffff, v10;
	_ =	sdelay $0x7  }
0xe1: {  	_, v11, vm0 =	vpop (xrf1);
	_ =	sdelay $0x1  }
0xe2: {  	_, v12, vm1 =	vpop (xrf1);
	_ =	sdelay $0x1  }
0xe3: {  	_, v13, vm2 =	vpop (xrf1);
	_ =	sdelay $0x1  }
0xe4: {  	[tilespmem:v7+s24+$0x0] =	vst.idx.add.s32.msk vm0, v11;
	_, v11, vm0 =	vpop (xrf1)  }
0xe5: {  	[tilespmem:s12+$0x15000] =	vst v7  }
0xe6: {  	[tilespmem:v9+s24+$0x0] =	vst.idx.add.s32.msk vm1, v12  }
0xe7: {  	[tilespmem:s12+$0x15010] =	vst v9  }
0xe8: {  	[tilespmem:v8+s24+$0x0] =	vst.idx.add.s32.msk vm2, v13  }
0xe9: {  	s9 =	sor.u32 s18, s10;
	[tilespmem:s12+$0x15020] =	vst v8  }
0xea: {  	s9 =	sshrl.u32 s9, $0x3;
	[tilespmem:v10+s24+$0x0] =	vst.idx.add.s32.msk vm0, v11  }
0xeb: {  	p2 =	seq.s32 s7, $0x7;
	s9 =	sadd.s32 s11, s9;
	[tilespmem:s12+$0x15030] =	vst v10  }
0xec: {  	[hbm4b:s9+s13] =	stream.linear.scatter [tilespmem:s25], [sflag:$0x4], $0x800, $0x38;
	[tilespmem:$0x1E100] =	vst v63  }
0xed: {  	s9 =	sadd.s32 @!p2 s10, s28  }
0xee: {  	s9 =	sshrl.u32 @!p2 s9, $0x3  }
0xef: {  	s16 =	simm.s32 @!p2 $0x10000;
	s12 =	simm.s32 @!p2 $0x0;
	s10 =	sadd.s32 @!p2 s0, s9  }
0xf0: {  	[tilespmem:s16], [sflag:$0x2] =	stream.linear.gather @!p2 [hbm4b:s10+s12], $0x800, $0x38;
	[tilespmem:$0x1E100] =	vst v63  }
0xf1: {  	s10 =	sadd.s32 @!p2 s1, s9;
	s16 =	simm.s32 @!p2 $0x10800  }
0xf2: {  	[tilespmem:s16], [sflag:$0x2] =	stream.linear.gather @!p2 [hbm4b:s10+s12], $0x800, $0x38;
	[tilespmem:$0x1E100] =	vst v63  }
0xf3: {  	s9 =	sadd.s32 @!p2 s2, s9;
	s10 =	simm.s32 @!p2 $0x11000  }
0xf4: {  	[tilespmem:s10], [sflag:$0x2] =	stream.linear.gather @!p2 [hbm4b:s9+s12], $0x800, $0x38;
	[tilespmem:$0x1E100] =	vst v63  }
0xf5: {  	_ =	swait.ge [sflag:s26], $0x800  }
0xf6: {  	[sflag:s26] =	ssyncset.done $0x0  }
0xf7: {  	[sflag:s26] =	ssyncadd.s32 $0xFFFFF800  }
0xf8: {  	_ =	swait.ge [sflag:s26], $0x800  }
0xf9: {  	[sflag:s26] =	ssyncset.done $0x0  }
0xfa: {  	[sflag:s26] =	ssyncadd.s32 $0xFFFFF800  }
0xfb: {  	_ =	swait.ge [sflag:s26], $0x800  }
0xfc: {  	[sflag:s26] =	ssyncset.done $0x0  }
0xfd: {  	s9 =	simm.s32 @!p1 $0x5;
	[sflag:s26] =	ssyncadd.s32 $0xFFFFF800  }
0xfe: {  	_ =	swait.ge @!p1 [sflag:s9], $0x800  }
0xff: {  	[sflag:s9] =	ssyncset.done @!p1 $0x0  }
0x100: {  	s10 =	simm.s32 $0x0;
	[sflag:s9] =	ssyncadd.s32 @!p1 $0xFFFFF800  }
0x101: {  	v7 =	vld [tilespmem:s10+$0x11830]  }
0x102: {  	v8 =	vld [tilespmem:s10+$0x12800]  }
0x103: {  	v9 =	vld [tilespmem:s10+$0x12010]  }
0x104: {  	v10 =	vld [tilespmem:s10+$0x11820]  }
0x105: {  	v11 =	vld [tilespmem:s10+$0x12810]  }
0x106: {  	v55 =	vld [tilespmem:s10+$0x11800]  }
0x107: {  	v56 =	vld [tilespmem:s10+$0x11810]  }
0x108: {  	v14 =	vld [tilespmem:s10+$0x12000]  }
0x109: {  	v15 =	vld [tilespmem:s10+$0x12020]  }
0x10a: {  	v16 =	vld [tilespmem:s10+$0x12820];
	v7 =	vsub.f32 v7, v3;
	v8 =	vsub.f32 v8, v5  }
0x10b: {  	v17 =	vld [tilespmem:s10+$0x12830];
	v9 =	vsub.f32 v9, v4;
	v10 =	vsub.f32 v10, v3  }
0x10c: {  	v18 =	vld [tilespmem:s10+$0x12030];
	v11 =	vsub.f32 v11, v5;
	v12 =	vsub.f32 v55, v3  }
0x10d: {  	v13 =	vsub.f32 v56, v3;
	v14 =	vsub.f32 v14, v4  }
0x10e: {  	v15 =	vsub.f32 v15, v4;
	v7 =	vmul.f32 v7, v6;
	v8 =	vmul.f32 v8, v6  }
0x10f: {  	v16 =	vsub.f32 v16, v5;
	v9 =	vmul.f32 v9, v6;
	v10 =	vmul.f32 v10, v6  }
0x110: {  	v17 =	vsub.f32 v17, v5;
	v11 =	vmul.f32 v11, v6;
	v12 =	vmul.f32 v12, v6  }
0x111: {  	v18 =	vsub.f32 v18, v4;
	v14 =	vmul.f32 v14, v6;
	v13 =	vmul.f32 v13, v6  }
0x112: {  	v15 =	vmul.f32 v15, v6;
	v7 =	vadd.f32 $1.600000000e+01, v7;
	v9 =	vadd.f32 $1.600000000e+01, v9  }
0x113: {  	v16 =	vmul.f32 v16, v6;
	v10 =	vadd.f32 $1.600000000e+01, v10;
	v11 =	vadd.f32 $1.600000000e+01, v11  }
0x114: {  	v17 =	vmul.f32 v17, v6;
	v12 =	vadd.f32 $1.600000000e+01, v12;
	v8 =	vadd.f32 $1.600000000e+01, v8  }
0x115: {  	v18 =	vmul.f32 v18, v6;
	v13 =	vadd.f32 $1.600000000e+01, v13;
	v14 =	vadd.f32 $1.600000000e+01, v14  }
0x116: {  	v15 =	vadd.f32 $1.600000000e+01, v15;
	v7 =	vtrunc.f32 v7;
	v9 =	vtrunc.f32 v9  }
0x117: {  	v16 =	vadd.f32 $1.600000000e+01, v16;
	v11 =	vtrunc.f32 v11;
	v10 =	vtrunc.f32 v10  }
0x118: {  	v17 =	vadd.f32 $1.600000000e+01, v17;
	v12 =	vtrunc.f32 v12;
	v8 =	vtrunc.f32 v8  }
0x119: {  	v58 =	vadd.f32 $1.600000000e+01, v18;
	v13 =	vtrunc.f32 v13;
	v14 =	vtrunc.f32 v14  }
0x11a: {  	v15 =	vtrunc.f32 v15;
	v16 =	vtrunc.f32 v16  }
0x11b: {  	v57 =	vtrunc.f32 v17;
	v60 =	vtrunc.f32 v58  }
0x11c: {  	v9 =	vcvt.f32.s32 v9;
	v12 =	vcvt.f32.s32 v12  }
0x11d: {  	v10 =	vcvt.f32.s32 v10;
	v11 =	vcvt.f32.s32 v11  }
0x11e: {  	v8 =	vcvt.f32.s32 v8;
	v13 =	vcvt.f32.s32 v13  }
0x11f: {  	v14 =	vcvt.f32.s32 v14;
	v15 =	vcvt.f32.s32 v15  }
0x120: {  	v16 =	vcvt.f32.s32 v16;
	v59 =	vcvt.f32.s32 v57  }
0x121: {  	v7 =	vcvt.f32.s32 v7;
	vm14 =	vgt.s32 v9, $0x0;
	vm15 =	vgt.s32 v12, $0x0  }
0x122: {  	vm3 =	vgt.s32 v10, $0x0;
	vm8 =	vgt.s32 v8, $0x0;
	vm9 =	vgt.s32 v13, $0x0  }
0x123: {  	vm4 =	vgt.s32 v11, $0x0;
	vm10 =	vgt.s32 v15, $0x0;
	vm11 =	vgt.s32 v14, $0x0  }
0x124: {  	vm12 =	vgt.s32 v16, $0x0;
	v10 =	vnsel vm3, $0x0, v10;
	v12 =	vnsel vm15, $0x0, v12  }
0x125: {  	v13 =	vnsel vm9, $0x0, v13;
	v11 =	vnsel vm4, $0x0, v11;
	v9 =	vnsel vm14, $0x0, v9  }
0x126: {  	v15 =	vnsel vm10, $0x0, v15;
	v14 =	vnsel vm11, $0x0, v14;
	v16 =	vnsel vm12, $0x0, v16  }
0x127: {  	v8 =	vnsel vm8, $0x0, v8;
	vm15 =	vgt.s32 v7, $0x0;
	v12 =	vmin.u32 v12, $0x1F  }
0x128: {  	v9 =	vmin.u32 v9, $0x1F;
	v11 =	vmin.u32 v11, $0x1F;
	v15 =	vmin.u32 v15, $0x1F  }
0x129: {  	v14 =	vmin.u32 v14, $0x1F;
	v16 =	vmin.u32 v16, $0x1F;
	v13 =	vmin.u32 v13, $0x1F  }
0x12a: {  	v10 =	vmin.u32 v10, $0x1F;
	v8 =	vmin.u32 v8, $0x1F;
	v7 =	vnsel vm15, $0x0, v7  }
0x12b: {  	v15 =	vshll.u32 v15, $0x5;
	v9 =	vshll.u32 v9, $0x5;
	v14 =	vshll.u32 v14, $0x5  }
0x12c: {  	v12 =	vshll.u32 v12, $0xA;
	v13 =	vshll.u32 v13, $0xA;
	v10 =	vshll.u32 v10, $0xA  }
0x12d: {  	v19 =	vand.u32 $0x380, v15;
	v15 =	vand.u32 $0x60, v15;
	v20 =	vand.u32 $0x60, v9  }
0x12e: {  	v21 =	vand.u32 $0x60, v14;
	v14 =	vand.u32 $0x380, v14;
	v9 =	vand.u32 $0x380, v9  }
0x12f: {  	v11 =	vor.u32 v20, v11;
	v15 =	vor.u32 v15, v16;
	v16 =	vcvt.f32.s32 v60  }
0x130: {  	v12 =	vor.u32 v12, v14;
	v8 =	vor.u32 v21, v8;
	v10 =	vor.u32 v10, v19  }
0x131: {  	v9 =	vor.u32 v13, v9;
	v8 =	vor.u32 v8, v12;
	vm14 =	vgt.s32 v16, $0x0  }
0x132: {  	v9 =	vor.u32 v11, v9;
	v11 =	vor.u32 v15, v10;
	v10 =	vnsel vm14, $0x0, v16  }
0x133: {  	vm13 =	vgt.s32 v59, $0x0;
	v7 =	vmin.u32 v7, $0x1F;
	v10 =	vmin.u32 v10, $0x1F  }
0x134: {  	v61 =	vnsel vm13, $0x0, v59;
	v62 =	vshll.u32 v7, $0xA;
	v10 =	vshll.u32 v10, $0x5  }
0x135: {  	v12 =	vmin.u32 v61, $0x1F;
	v63 =	vand.u32 $0x380, v10;
	v10 =	vand.u32 $0x60, v10  }
0x136: {  	v7 =	vld.idx.msk [tilespmem:v8+s13+$0x0], $0xffff;
	v8 =	vor.u32 v62, v63;
	v10 =	vor.u32 v10, v12  }
0x137: {  	v10 =	vor.u32 v10, v8;
	_ =	sdelay $0x1  }
0x138: {  	v9 =	vld.idx.msk [tilespmem:v9+s13+$0x0], $0xffff  }
0x139: {  	s12 =	simm.s32 $0x100;
	v8 =	vld.idx.msk [tilespmem:v11+s13+$0x0], $0xffff  }
.LBB2_7:
0x13a: {  	_ = 	snop  }
0x13b: {  	p1 =	sne.s32 s12, $0x1F00;
	v10 =	vld.idx.msk [tilespmem:v10+s13+$0x0], $0xffff;
	(xrf1) =	vunique.msk.u32 $0xffff, v7;
	s9 =	smov.u32 s12;
	s12 =	sadd.s32 $0x100, s12  }
0x13c: {  	_ = 	snop  }
0x13d: {  	(xrf1) =	vunique.msk.u32 $0xffff, v9;
	_ =	sdelay $0x1  }
0x13e: {  	(xrf1) =	vunique.msk.u32 $0xffff, v8;
	_ =	sdelay $0x1  }
0x13f: {  	(xrf1) =	vunique.msk.u32 $0xffff, v10;
	_ =	sdelay $0x7  }
0x140: {  	_, v11, vm0 =	vpop (xrf1);
	_ =	sdelay $0x1  }
0x141: {  	_, v12, vm1 =	vpop (xrf1);
	_ =	sdelay $0x1  }
0x142: {  	_, v13, vm2 =	vpop (xrf1);
	_ =	sdelay $0x1  }
0x143: {  	[tilespmem:v7+s24+$0x0] =	vst.idx.add.s32.msk vm0, v11;
	_, v11, vm0 =	vpop (xrf1)  }
0x144: {  	[tilespmem:s10+$0x15800] =	vst v7  }
0x145: {  	[tilespmem:v9+s24+$0x0] =	vst.idx.add.s32.msk vm1, v12  }
0x146: {  	[tilespmem:s10+$0x15810] =	vst v9  }
0x147: {  	s9 =	sshra.s32 s9, $0x2;
	[tilespmem:v8+s24+$0x0] =	vst.idx.add.s32.msk vm2, v13  }
0x148: {  	[tilespmem:s10+$0x15820] =	vst v8  }
0x149: {  	[tilespmem:v10+s24+$0x0] =	vst.idx.add.s32.msk vm0, v11  }
0x14a: {  	v7 =	vld [tilespmem:s9+$0x12810];
	[tilespmem:s10+$0x15830] =	vst v10;
	s10 =	smov.u32 s9  }
0x14b: {  	v8 =	vld [tilespmem:s10+$0x11830]  }
0x14c: {  	v9 =	vld [tilespmem:s10+$0x12800]  }
0x14d: {  	v10 =	vld [tilespmem:s10+$0x12010]  }
0x14e: {  	v11 =	vld [tilespmem:s10+$0x11820]  }
0x14f: {  	v12 =	vld [tilespmem:s10+$0x11800]  }
0x150: {  	v13 =	vld [tilespmem:s10+$0x11810];
	v8 =	vsub.f32 v8, v3  }
0x151: {  	v9 =	vsub.f32 v9, v5  }
0x152: {  	v14 =	vld [tilespmem:s10+$0x12000];
	v10 =	vsub.f32 v10, v4;
	v8 =	vmul.f32 v8, v6  }
0x153: {  	v7 =	vsub.f32 v7, v5;
	v9 =	vmul.f32 v9, v6;
	v11 =	vsub.f32 v11, v3  }
0x154: {  	v12 =	vsub.f32 v12, v3;
	v10 =	vmul.f32 v10, v6;
	v8 =	vadd.f32 $1.600000000e+01, v8  }
0x155: {  	v7 =	vmul.f32 v7, v6;
	v13 =	vsub.f32 v13, v3;
	v11 =	vmul.f32 v11, v6;
	v15 =	vld [tilespmem:s10+$0x12020]  }
0x156: {  	v9 =	vadd.f32 $1.600000000e+01, v9;
	v12 =	vmul.f32 v12, v6;
	v10 =	vadd.f32 $1.600000000e+01, v10  }
0x157: {  	v8 =	vtrunc.f32 v8;
	v14 =	vsub.f32 v14, v4;
	v11 =	vadd.f32 $1.600000000e+01, v11  }
0x158: {  	v7 =	vadd.f32 $1.600000000e+01, v7;
	v12 =	vadd.f32 $1.600000000e+01, v12;
	v10 =	vtrunc.f32 v10  }
0x159: {  	v14 =	vmul.f32 v14, v6;
	v10 =	vcvt.f32.s32 v10  }
0x15a: {  	v7 =	vtrunc.f32 v7;
	v11 =	vtrunc.f32 v11;
	v15 =	vsub.f32 v15, v4;
	v16 =	vld [tilespmem:s10+$0x12820]  }
0x15b: {  	v13 =	vmul.f32 v13, v6;
	v12 =	vtrunc.f32 v12;
	vm1 =	vgt.s32 v10, $0x0  }
0x15c: {  	v11 =	vcvt.f32.s32 v11;
	v12 =	vcvt.f32.s32 v12;
	v14 =	vadd.f32 $1.600000000e+01, v14  }
0x15d: {  	v7 =	vcvt.f32.s32 v7;
	v9 =	vtrunc.f32 v9;
	v13 =	vadd.f32 $1.600000000e+01, v13  }
0x15e: {  	v15 =	vmul.f32 v15, v6;
	vm2 =	vgt.s32 v12, $0x0;
	v14 =	vtrunc.f32 v14  }
0x15f: {  	v9 =	vcvt.f32.s32 v9;
	v13 =	vtrunc.f32 v13;
	v16 =	vsub.f32 v16, v5;
	v17 =	vld [tilespmem:s10+$0x12030]  }
0x160: {  	v13 =	vcvt.f32.s32 v13;
	vm3 =	vgt.s32 v11, $0x0;
	v15 =	vadd.f32 $1.600000000e+01, v15  }
0x161: {  	vm0 =	vgt.s32 v9, $0x0;
	v11 =	vnsel vm3, $0x0, v11;
	v16 =	vmul.f32 v16, v6  }
0x162: {  	vm4 =	vgt.s32 v7, $0x0;
	vm3 =	vgt.s32 v13, $0x0;
	v15 =	vtrunc.f32 v15  }
0x163: {  	v12 =	vnsel vm2, $0x0, v12;
	v14 =	vcvt.f32.s32 v14;
	v15 =	vcvt.f32.s32 v15  }
0x164: {  	v7 =	vnsel vm4, $0x0, v7;
	v13 =	vnsel vm3, $0x0, v13;
	v16 =	vadd.f32 $1.600000000e+01, v16  }
0x165: {  	v10 =	vnsel vm1, $0x0, v10;
	v12 =	vmin.u32 v12, $0x1F;
	vm1 =	vgt.s32 v15, $0x0;
	v18 =	vld [tilespmem:s10+$0x12830]  }
0x166: {  	v7 =	vmin.u32 v7, $0x1F;
	v10 =	vmin.u32 v10, $0x1F;
	v15 =	vnsel vm1, $0x0, v15  }
0x167: {  	vm1 =	vgt.s32 v14, $0x0;
	v15 =	vmin.u32 v15, $0x1F;
	v16 =	vtrunc.f32 v16  }
0x168: {  	v14 =	vnsel vm1, $0x0, v14;
	v15 =	vshll.u32 v15, $0x5;
	v16 =	vcvt.f32.s32 v16  }
0x169: {  	v10 =	vshll.u32 v10, $0x5;
	v19 =	vand.u32 $0x380, v15;
	v15 =	vand.u32 $0x60, v15  }
0x16a: {  	v20 =	vand.u32 $0x60, v10;
	v14 =	vmin.u32 v14, $0x1F;
	v18 =	vsub.f32 v18, v5  }
0x16b: {  	v17 =	vsub.f32 v17, v4;
	v14 =	vshll.u32 v14, $0x5;
	vm1 =	vgt.s32 v16, $0x0  }
0x16c: {  	v21 =	vand.u32 $0x60, v14;
	v16 =	vnsel vm1, $0x0, v16;
	v18 =	vmul.f32 v18, v6  }
0x16d: {  	v7 =	vor.u32 v20, v7;
	v14 =	vand.u32 $0x380, v14;
	v16 =	vmin.u32 v16, $0x1F  }
0x16e: {  	v9 =	vnsel vm0, $0x0, v9;
	v12 =	vshll.u32 v12, $0xA;
	v18 =	vadd.f32 $1.600000000e+01, v18  }
0x16f: {  	v11 =	vmin.u32 v11, $0x1F;
	v13 =	vmin.u32 v13, $0x1F;
	v17 =	vmul.f32 v17, v6  }
0x170: {  	v13 =	vshll.u32 v13, $0xA;
	v15 =	vor.u32 v15, v16;
	v16 =	vtrunc.f32 v18  }
0x171: {  	v10 =	vand.u32 $0x380, v10;
	v12 =	vor.u32 v12, v14;
	v14 =	vcvt.f32.s32 v16  }
0x172: {  	v9 =	vmin.u32 v9, $0x1F;
	v11 =	vshll.u32 v11, $0xA;
	v16 =	vadd.f32 $1.600000000e+01, v17  }
0x173: {  	v11 =	vor.u32 v11, v19;
	v9 =	vor.u32 v21, v9;
	vm0 =	vgt.s32 v14, $0x0  }
0x174: {  	v11 =	vor.u32 v15, v11;
	v15 =	vtrunc.f32 v16;
	v14 =	vnsel vm0, $0x0, v14  }
0x175: {  	v9 =	vor.u32 v9, v12;
	v12 =	vcvt.f32.s32 v15;
	v14 =	vmin.u32 v14, $0x1F  }
0x176: {  	v8 =	vcvt.f32.s32 v8;
	v10 =	vor.u32 v13, v10  }
0x177: {  	v13 =	vor.u32 v7, v10;
	vm0 =	vgt.s32 v12, $0x0  }
0x178: {  	vm1 =	vgt.s32 v8, $0x0;
	v7 =	vnsel vm0, $0x0, v12  }
0x179: {  	v8 =	vnsel vm1, $0x0, v8;
	v7 =	vmin.u32 v7, $0x1F  }
0x17a: {  	v8 =	vmin.u32 v8, $0x1F;
	v7 =	vshll.u32 v7, $0x5  }
0x17b: {  	v8 =	vshll.u32 v8, $0xA;
	v10 =	vand.u32 $0x380, v7;
	v12 =	vand.u32 $0x60, v7  }
.Ltmp2:
0x17c: {  	v8 =	vor.u32 v8, v10;
	v7 =	vld.idx.msk [tilespmem:v9+s13+$0x0], $0xffff;
	v9 =	vor.u32 v12, v14;
	(pc) =	sbr.rel @p1 .LBB2_7-.Ltmp2, $3  }
0x17d: {  	v10 =	vor.u32 v9, v8  }
0x17e: {  	v9 =	vld.idx.msk [tilespmem:v13+s13+$0x0], $0xffff;
	_ =	sdelay $0x1  }
0x17f: {  	v8 =	vld.idx.msk [tilespmem:v11+s13+$0x0], $0xffff  }
0x180: {  	_ =	sdelay $0x2  }
0x181: {  	(xrf1) =	vunique.msk.u32 $0xffff, v7  }
0x182: {  	v10 =	vld.idx.msk [tilespmem:v10+s13+$0x0], $0xffff  }
0x183: {  	(xrf1) =	vunique.msk.u32 $0xffff, v9;
	_ =	sdelay $0x1  }
0x184: {  	(xrf1) =	vunique.msk.u32 $0xffff, v8;
	_ =	sdelay $0x1  }
0x185: {  	(xrf1) =	vunique.msk.u32 $0xffff, v10;
	_ =	sdelay $0x7  }
0x186: {  	_, v11, vm0 =	vpop (xrf1);
	_ =	sdelay $0x1  }
0x187: {  	_, v12, vm1 =	vpop (xrf1);
	_ =	sdelay $0x1  }
0x188: {  	_, v13, vm2 =	vpop (xrf1);
	_ =	sdelay $0x1  }
0x189: {  	[tilespmem:v7+s24+$0x0] =	vst.idx.add.s32.msk vm0, v11;
	_, v11, vm0 =	vpop (xrf1)  }
0x18a: {  	[tilespmem:s10+$0x15800] =	vst v7  }
0x18b: {  	s7 =	sadd.s32 $0x1, s7;
	[tilespmem:v9+s24+$0x0] =	vst.idx.add.s32.msk vm1, v12  }
0x18c: {  	p1 =	sne.s32 s7, $0x8;
	[tilespmem:s10+$0x15810] =	vst v9  }
.Ltmp3:
0x18d: {  	[tilespmem:v8+s24+$0x0] =	vst.idx.add.s32.msk vm2, v13;
	(pc) =	sbr.rel @p1 .LBB2_4-.Ltmp3, $4  }
0x18e: {  	[tilespmem:s10+$0x15820] =	vst v8  }
0x18f: {  	[tilespmem:v10+s24+$0x0] =	vst.idx.add.s32.msk vm0, v11  }
0x190: {  	s8 =	sadd.s32 s11, s8;
	[tilespmem:s10+$0x15830] =	vst v10  }
0x191: {  	[hbm4b:s8+s13] =	stream.linear.scatter [tilespmem:s29], [sflag:$0x5], $0x800, $0x38;
	[tilespmem:$0x1E100] =	vst v63  }
0x192: {  	_ =	swait.ge [sflag:s15], $0x800  }
0x193: {  	[sflag:s15] =	ssyncset.done $0x0  }
0x194: {  	[sflag:s15] =	ssyncadd.s32 $0xFFFFF800  }
0x195: {  	_ =	swait.ge [sflag:s17], $0x800  }
0x196: {  	[sflag:s17] =	ssyncset.done $0x0  }
0x197: {  	s7 =	rddreg [dreg:$0xf];
	[sflag:s17] =	ssyncadd.s32 $0xFFFFF800  }
0x198: {  	[hbm4b:s7+s3] =	stream.strided.scatter [tilespmem:s24], [sflag:$0x6], $0x8000, s5, s3, $0x38;
	[tilespmem:$0x1E100] =	vst v63  }
0x199: {  	_ =	swait.ge [sflag:s4], $0x8000  }
0x19a: {  	[sflag:s4] =	ssyncset.done $0x0  }
0x19b: {  	[sflag:s4] =	ssyncadd.s32 $0xFFFF8000  }
0x19c: {  	[bflag:$0x0] =	sbarrier.arrive $0xFFFF  }
0x19d: {  	s8 =	simm.s32 $0x14000;
	s30 =	rddreg [dreg:$0x13]  }
0x19e: {  	[tilespmem:s8], [sflag:$0x2] =	stream.strided.gather [hbm4b:s30+s3], $0x800, s5, s3, $0x38;
	[tilespmem:$0x1E100] =	vst v63  }
0x19f: {  	s7 =	simm.s32 $0x0;
	s9 =	rddreg [dreg:$0xe];
	s8 =	simm.s32 $0x0  }
.LBB2_10:
0x1a0: {  	s10 =	sshllo.u32 s8, $0x1  }
0x1a1: {  	s14 =	rddreg [dreg:$0x11];
	s12 =	sshll.u32 s10, $0xE  }
0x1a2: {  	s12 =	sadd.s32 s14, s12  }
0x1a3: {  	s12 =	sshrl.u32 s12, $0x3  }
0x1a4: {  	s21 =	simm.s32 $0x14800;
	s22 =	sshll.u32 s8, $0xC;
	s12 =	sadd.s32 s31, s12  }
0x1a5: {  	[tilespmem:s21], [sflag:$0x3] =	stream.strided.gather [hbm4b:s12+s3], $0x800, s5, s3, $0x38;
	[tilespmem:$0x1E100] =	vst v63  }
0x1a6: {  	s16 =	sand.u32 $0x780, s7;
	s12 =	sand.u32 $0x3FFFF000, s22;
	_ =	swait.ge [sflag:s23], $0x800  }
0x1a7: {  	s19 =	simm.s32 $0x14020;
	s12 =	sadd.s32 $0x8000, s12;
	[sflag:s23] =	ssyncset.done $0x0  }
0x1a8: {  	s21 =	sand.u32 $0x40, s7;
	s16 =	sadd.s32 s16, s12;
	[sflag:s23] =	ssyncadd.s32 $0xFFFFF800  }
0x1a9: {  	s21 =	sadd.s32 s21, s16;
	v6 =	vld [tilespmem:s19+$0xFFFFFFE0]  }
0x1aa: {  	v7 =	vld [tilespmem:s21+$0x0];
	_ =	sdelay $0x4  }
0x1ab: {  	v7 =	vadd.s32 v7, v6  }
0x1ac: {  	(xrf0) =	vadd.scan.msk.s32 $0xffff, v7;
	_ =	sdelay $0x4  }
0x1ad: {  	v6 =	vpsel p0, $0x0, v6;
	v7 =	vsub.s32 s9, v7  }
0x1ae: {  	s22 =	simm.s32 $0x10;
	v6 =	vadd.s32 v6, v7;
	v8, _, _ =	vpop (xrf0)  }
0x1af: {  	s22 =	sand.u32 $0x50, s22;
	(v2sf) =	vpush v8, $0xF;
	v6 =	vadd.s32 v8, v6  }
0x1b0: {  	[tilespmem:s21+$0x0] =	vst v6;
	s21 =	sadd.s32 s22, s16  }
0x1b1: {  	v6 =	vld [tilespmem:s21+$0x0]  }
0x1b2: {  	v7 =	vld [tilespmem:s19+$0xFFFFFFF0];
	_ =	sdelay $0x4  }
0x1b3: {  	v6 =	vadd.s32 v6, v7  }
0x1b4: {  	(xrf0) =	vadd.scan.msk.s32 $0xffff, v6;
	_ =	sdelay $0x2  }
0x1b5: {  	v7 =	vpsel p0, $0x0, v7;
	_ =	sdelay $0x2  }
0x1b6: {  	v6 =	vsub.s32 v7, v6;
	v7, _, _ =	vpop (xrf0);
	s14 =	spop (v2sf)  }
0x1b7: {  	v6 =	vadd.s32 v7, v6;
	s9 =	sadd.s32 s9, s14;
	s14 =	simm.s32 $0x20  }
0x1b8: {  	(v2sf) =	vpush v7, $0xF;
	v6 =	vadd.s32 s9, v6;
	s22 =	sand.u32 $0x60, s14  }
0x1b9: {  	[tilespmem:s21+$0x0] =	vst v6;
	s21 =	sadd.s32 s22, s16  }
0x1ba: {  	v6 =	vld [tilespmem:s21+$0x0]  }
0x1bb: {  	v7 =	vld [tilespmem:s19+$0x0];
	_ =	sdelay $0x4  }
0x1bc: {  	v6 =	vadd.s32 v6, v7  }
0x1bd: {  	(xrf0) =	vadd.scan.msk.s32 $0xffff, v6;
	_ =	sdelay $0x2  }
0x1be: {  	v7 =	vpsel p0, $0x0, v7;
	_ =	sdelay $0x2  }
0x1bf: {  	v6 =	vsub.s32 v7, v6;
	s14 =	spop (v2sf);
	v7, _, _ =	vpop (xrf0)  }
0x1c0: {  	s9 =	sadd.s32 s9, s14;
	s14 =	simm.s32 $0x30;
	v6 =	vadd.s32 v7, v6  }
0x1c1: {  	s22 =	sand.u32 $0x70, s14;
	v6 =	vadd.s32 s9, v6  }
0x1c2: {  	(v2sf) =	vpush v7, $0xF;
	s16 =	sadd.s32 s22, s16;
	[tilespmem:s21+$0x0] =	vst v6  }
0x1c3: {  	v6 =	vld [tilespmem:s16+$0x0]  }
0x1c4: {  	v7 =	vld [tilespmem:s19+$0x10];
	_ =	sdelay $0x4  }
0x1c5: {  	v6 =	vadd.s32 v6, v7  }
0x1c6: {  	(xrf0) =	vadd.scan.msk.s32 $0xffff, v6;
	_ =	sdelay $0x5  }
0x1c7: {  	v7 =	vpsel p0, $0x0, v7;
	v8, _, _ =	vpop (xrf0)  }
0x1c8: {  	v6 =	vsub.s32 v7, v6;
	s22 =	spop (v2sf);
	(v2sf) =	vpush v8, $0xF  }
0x1c9: {  	s19 =	simm.s32 $0x40;
	s22 =	sadd.s32 s9, s22;
	v6 =	vadd.s32 v8, v6  }
0x1ca: {  	s14 =	sand.u32 $0x780, s19;
	v6 =	vadd.s32 s22, v6  }
0x1cb: {  	s30 =	simm.s32 $0x14060;
	s21 =	sand.u32 $0x40, s19;
	s9 =	sadd.s32 s14, s12;
	[tilespmem:s16+$0x0] =	vst v6  }
0x1cc: {  	s21 =	sadd.s32 s21, s9;
	v6 =	vld [tilespmem:s30+$0xFFFFFFE0]  }
0x1cd: {  	v7 =	vld [tilespmem:s21+$0x0];
	_ =	sdelay $0x4  }
0x1ce: {  	v7 =	vadd.s32 v7, v6  }
0x1cf: {  	s28 =	smov.u32 s31;
	s31 =	simm.s32 $0x80;
	(xrf0) =	vadd.scan.msk.s32 $0xffff, v7  }
.LBB2_11:
0x1d0: {  	_ = 	snop  }
0x1d1: {  	p1 =	sne.s32 s31, $0x7C0;
	s16 =	smov.u32 s31;
	s31 =	sadd.s32 $0x40, s31  }
0x1d2: {  	_ = 	snop  }
0x1d3: {  	s14 =	spop (v2sf)  }
0x1d4: {  	s14 =	sadd.s32 s22, s14  }
0x1d5: {  	v6 =	vpsel p0, $0x0, v6;
	v7 =	vsub.s32 s14, v7;
	v8, _, _ =	vpop (xrf0)  }
0x1d6: {  	s22 =	sadd.s32 $0x10, s19;
	v6 =	vadd.s32 v6, v7;
	(v2sf) =	vpush v8, $0xF  }
0x1d7: {  	s22 =	sand.u32 $0x50, s22;
	v6 =	vadd.s32 v8, v6  }
0x1d8: {  	[tilespmem:s21+$0x0] =	vst v6;
	s21 =	sadd.s32 s22, s9  }
0x1d9: {  	v6 =	vld [tilespmem:s21+$0x0]  }
0x1da: {  	v7 =	vld [tilespmem:s30+$0xFFFFFFF0];
	_ =	sdelay $0x4  }
0x1db: {  	v6 =	vadd.s32 v6, v7;
	v7 =	vpsel p0, $0x0, v7  }
0x1dc: {  	v7 =	vsub.s32 v7, v6;
	(xrf0) =	vadd.scan.msk.s32 $0xffff, v6;
	_ =	sdelay $0x4  }
0x1dd: {  	s22 =	spop (v2sf)  }
0x1de: {  	v6, _, _ =	vpop (xrf0)  }
0x1df: {  	s14 =	sadd.s32 s14, s22;
	s22 =	sadd.s32 $0x20, s19;
	v7 =	vadd.s32 v6, v7;
	(v2sf) =	vpush v6, $0xF  }
0x1e0: {  	s22 =	sand.u32 $0x60, s22;
	v6 =	vadd.s32 s14, v7  }
0x1e1: {  	[tilespmem:s21+$0x0] =	vst v6;
	s21 =	sadd.s32 s22, s9  }
0x1e2: {  	v6 =	vld [tilespmem:s21+$0x0]  }
0x1e3: {  	v7 =	vld [tilespmem:s30+$0x0];
	_ =	sdelay $0x4  }
0x1e4: {  	v6 =	vadd.s32 v6, v7;
	v7 =	vpsel p0, $0x0, v7  }
0x1e5: {  	v7 =	vsub.s32 v7, v6;
	(xrf0) =	vadd.scan.msk.s32 $0xffff, v6;
	_ =	sdelay $0x4  }
0x1e6: {  	s22 =	spop (v2sf)  }
0x1e7: {  	s14 =	sadd.s32 s14, s22;
	v6, _, _ =	vpop (xrf0)  }
0x1e8: {  	s22 =	sadd.s32 $0x30, s19;
	s19 =	smov.u32 s16;
	v7 =	vadd.s32 v6, v7;
	(v2sf) =	vpush v6, $0xF  }
0x1e9: {  	s16 =	sand.u32 $0x70, s22;
	v6 =	vadd.s32 s14, v7  }
0x1ea: {  	s9 =	sadd.s32 s16, s9;
	[tilespmem:s21+$0x0] =	vst v6  }
0x1eb: {  	v6 =	vld [tilespmem:s9+$0x0]  }
0x1ec: {  	v7 =	vld [tilespmem:s30+$0x10];
	_ =	sdelay $0x4  }
0x1ed: {  	v6 =	vadd.s32 v6, v7;
	v7 =	vpsel p0, $0x0, v7  }
0x1ee: {  	v7 =	vsub.s32 v7, v6;
	(xrf0) =	vadd.scan.msk.s32 $0xffff, v6;
	_ =	sdelay $0x4  }
0x1ef: {  	s16 =	spop (v2sf)  }
0x1f0: {  	v6, _, _ =	vpop (xrf0)  }
0x1f1: {  	s22 =	sadd.s32 s14, s16;
	v7 =	vadd.s32 v6, v7;
	(v2sf) =	vpush v6, $0xF  }
0x1f2: {  	v6 =	vadd.s32 s22, v7  }
0x1f3: {  	s14 =	sand.u32 $0x780, s19;
	[tilespmem:s9+$0x0] =	vst v6  }
0x1f4: {  	s30 =	sadd.s32 $0x40, s30;
	s16 =	sand.u32 $0x40, s19;
	s9 =	sadd.s32 s14, s12  }
0x1f5: {  	s21 =	sadd.s32 s16, s9;
	v6 =	vld [tilespmem:s30+$0xFFFFFFE0]  }
0x1f6: {  	v7 =	vld [tilespmem:s21+$0x0];
	_ =	sdelay $0x1  }
.Ltmp4:
0x1f7: {  	(pc) =	sbr.rel @p1 .LBB2_11-.Ltmp4, $3  }
0x1f8: {  	_ =	sdelay $0x1  }
0x1f9: {  	v7 =	vadd.s32 v7, v6  }
0x1fa: {  	(xrf0) =	vadd.scan.msk.s32 $0xffff, v7  }
0x1fb: {  	_ =	sdelay $0x2  }
0x1fc: {  	s12 =	spop (v2sf)  }
0x1fd: {  	s12 =	sadd.s32 s22, s12  }
0x1fe: {  	v6 =	vpsel p0, $0x0, v6;
	v7 =	vsub.s32 s12, v7  }
0x1ff: {  	s14 =	sadd.s32 $0x10, s19;
	v8, _, _ =	vpop (xrf0);
	v6 =	vadd.s32 v6, v7  }
0x200: {  	s14 =	sand.u32 $0x50, s14;
	(v2sf) =	vpush v8, $0xF;
	v6 =	vadd.s32 v8, v6  }
0x201: {  	s14 =	sadd.s32 s14, s9;
	[tilespmem:s21+$0x0] =	vst v6  }
0x202: {  	v6 =	vld [tilespmem:s14+$0x0]  }
0x203: {  	v7 =	vld [tilespmem:s30+$0xFFFFFFF0];
	_ =	sdelay $0x4  }
0x204: {  	v6 =	vadd.s32 v6, v7  }
0x205: {  	(xrf0) =	vadd.scan.msk.s32 $0xffff, v6;
	_ =	sdelay $0x2  }
0x206: {  	v7 =	vpsel p0, $0x0, v7;
	_ =	sdelay $0x2  }
0x207: {  	v6 =	vsub.s32 v7, v6;
	s16 =	spop (v2sf);
	v7, _, _ =	vpop (xrf0)  }
0x208: {  	s22 =	sadd.s32 $0x20, s19;
	s12 =	sadd.s32 s12, s16;
	v6 =	vadd.s32 v7, v6  }
0x209: {  	(v2sf) =	vpush v7, $0xF;
	s16 =	sand.u32 $0x60, s22;
	v6 =	vadd.s32 s12, v6  }
0x20a: {  	s21 =	sadd.s32 s16, s9;
	[tilespmem:s14+$0x0] =	vst v6  }
0x20b: {  	v6 =	vld [tilespmem:s21+$0x0]  }
0x20c: {  	v7 =	vld [tilespmem:s30+$0x0];
	_ =	sdelay $0x4  }
0x20d: {  	v6 =	vadd.s32 v6, v7  }
0x20e: {  	(xrf0) =	vadd.scan.msk.s32 $0xffff, v6;
	_ =	sdelay $0x2  }
0x20f: {  	v7 =	vpsel p0, $0x0, v7;
	_ =	sdelay $0x2  }
0x210: {  	v6 =	vsub.s32 v7, v6;
	s22 =	spop (v2sf);
	v7, _, _ =	vpop (xrf0)  }
0x211: {  	s19 =	sadd.s32 $0x30, s19;
	s12 =	sadd.s32 s12, s22;
	v6 =	vadd.s32 v7, v6  }
0x212: {  	s16 =	sand.u32 $0x70, s19;
	v6 =	vadd.s32 s12, v6  }
0x213: {  	[tilespmem:s21+$0x0] =	vst v6;
	s21 =	sadd.s32 s16, s9  }
0x214: {  	v6 =	vld [tilespmem:s21+$0x0]  }
0x215: {  	v8 =	vld [tilespmem:s30+$0x10];
	_ =	sdelay $0x4  }
0x216: {  	v6 =	vadd.s32 v6, v8  }
0x217: {  	(xrf0) =	vadd.scan.msk.s32 $0xffff, v6;
	_ =	sdelay $0x1  }
0x218: {  	(v2sf) =	vpush v7, $0xF;
	_ =	sdelay $0x3  }
0x219: {  	v7, _, _ =	vpop (xrf0)  }
0x21a: {  	(v2sf) =	vpush v7, $0xF;
	_ =	sdelay $0x8  }
0x21b: {  	p1 =	seq.s32 s8, $0x7;
	v8 =	vpsel p0, $0x0, v8  }
0x21c: {  	s19 =	rddreg [dreg:$0x1c];
	s14 =	sshll.u32 @!p1 s8, $0xF;
	v6 =	vsub.s32 v8, v6;
	s22 =	spop (v2sf)  }
0x21d: {  	s14 =	sadd.s32 @!p1 s14, s19;
	s12 =	sadd.s32 s12, s22;
	v6 =	vadd.s32 v7, v6  }
0x21e: {  	s19 =	simm.s32 @!p1 $0x400;
	s14 =	sshrl.u32 @!p1 s14, $0x3;
	v6 =	vadd.s32 s12, v6  }
0x21f: {  	s14 =	sadd.s32 @!p1 s28, s14;
	s9 =	simm.s32 @!p1 $0x80;
	[tilespmem:s21+$0x0] =	vst v6;
	s21 =	simm.s32 @!p1 $0x14000  }
0x220: {  	[tilespmem:s21], [sflag:$0x2] =	stream.strided.gather @!p1 [hbm4b:s14+s9], $0x800, s19, s9, $0x38;
	[tilespmem:$0x1E100] =	vst v63  }
0x221: {  	s19 =	sshll.u32 s10, $0xB;
	s21 =	simm.s32 $0x0;
	s16 =	spop (v2sf)  }
0x222: {  	s9 =	sand.u32 $0x3FFFF800, s19;
	s22 =	sand.u32 $0x780, s21;
	_ =	swait.ge [sflag:s26], $0x800  }
0x223: {  	s19 =	simm.s32 $0x14820;
	s10 =	sadd.s32 $0x8000, s9;
	[sflag:s26] =	ssyncset.done $0x0  }
0x224: {  	s14 =	sand.u32 $0x40, s21;
	s9 =	sadd.s32 s22, s10;
	[sflag:s26] =	ssyncadd.s32 $0xFFFFF800  }
0x225: {  	s14 =	sadd.s32 s14, s9;
	v6 =	vld [tilespmem:s19+$0xFFFFFFE0]  }
0x226: {  	v7 =	vld [tilespmem:s14+$0x0];
	_ =	sdelay $0x4  }
0x227: {  	v7 =	vadd.s32 v7, v6  }
0x228: {  	(xrf0) =	vadd.scan.msk.s32 $0xffff, v7;
	_ =	sdelay $0x3  }
0x229: {  	s12 =	sadd.s32 s12, s16  }
0x22a: {  	v6 =	vpsel p0, $0x0, v6;
	v7 =	vsub.s32 s12, v7  }
0x22b: {  	s31 =	smov.u32 s28;
	s28 =	simm.s32 $0x10;
	v6 =	vadd.s32 v6, v7;
	v8, _, _ =	vpop (xrf0)  }
0x22c: {  	s16 =	sand.u32 $0x50, s28;
	(v2sf) =	vpush v8, $0xF;
	v6 =	vadd.s32 v8, v6  }
0x22d: {  	s21 =	sadd.s32 s16, s9;
	[tilespmem:s14+$0x0] =	vst v6  }
0x22e: {  	v6 =	vld [tilespmem:s21+$0x0]  }
0x22f: {  	v7 =	vld [tilespmem:s19+$0xFFFFFFF0];
	_ =	sdelay $0x4  }
0x230: {  	v6 =	vadd.s32 v6, v7  }
0x231: {  	(xrf0) =	vadd.scan.msk.s32 $0xffff, v6;
	_ =	sdelay $0x2  }
0x232: {  	v7 =	vpsel p0, $0x0, v7;
	_ =	sdelay $0x2  }
0x233: {  	v6 =	vsub.s32 v7, v6;
	v7, _, _ =	vpop (xrf0);
	s22 =	spop (v2sf)  }
0x234: {  	s28 =	simm.s32 $0x20;
	v6 =	vadd.s32 v7, v6;
	s12 =	sadd.s32 s12, s22  }
0x235: {  	s16 =	sand.u32 $0x60, s28;
	(v2sf) =	vpush v7, $0xF;
	v6 =	vadd.s32 s12, v6  }
0x236: {  	[tilespmem:s21+$0x0] =	vst v6;
	s21 =	sadd.s32 s16, s9  }
0x237: {  	v6 =	vld [tilespmem:s21+$0x0]  }
0x238: {  	v7 =	vld [tilespmem:s19+$0x0];
	_ =	sdelay $0x4  }
0x239: {  	v6 =	vadd.s32 v6, v7  }
0x23a: {  	(xrf0) =	vadd.scan.msk.s32 $0xffff, v6;
	_ =	sdelay $0x2  }
0x23b: {  	v7 =	vpsel p0, $0x0, v7;
	_ =	sdelay $0x2  }
0x23c: {  	v6 =	vsub.s32 v7, v6;
	s22 =	spop (v2sf);
	v7, _, _ =	vpop (xrf0)  }
0x23d: {  	s28 =	simm.s32 $0x30;
	s16 =	sadd.s32 s12, s22;
	v6 =	vadd.s32 v7, v6  }
0x23e: {  	s12 =	sand.u32 $0x70, s28;
	v6 =	vadd.s32 s16, v6  }
0x23f: {  	(v2sf) =	vpush v7, $0xF;
	s9 =	sadd.s32 s12, s9;
	[tilespmem:s21+$0x0] =	vst v6  }
0x240: {  	v6 =	vld [tilespmem:s9+$0x0]  }
0x241: {  	v7 =	vld [tilespmem:s19+$0x10];
	_ =	sdelay $0x4  }
0x242: {  	v6 =	vadd.s32 v6, v7  }
0x243: {  	(xrf0) =	vadd.scan.msk.s32 $0xffff, v6;
	_ =	sdelay $0x5  }
0x244: {  	v7 =	vpsel p0, $0x0, v7;
	v8, _, _ =	vpop (xrf0)  }
0x245: {  	v6 =	vsub.s32 v7, v6;
	s19 =	spop (v2sf);
	(v2sf) =	vpush v8, $0xF  }
0x246: {  	s12 =	simm.s32 $0x40;
	s22 =	sadd.s32 s16, s19;
	v6 =	vadd.s32 v8, v6  }
0x247: {  	s21 =	sand.u32 $0x780, s12;
	v6 =	vadd.s32 s22, v6  }
0x248: {  	s28 =	sand.u32 $0x40, s12;
	s19 =	simm.s32 $0x14860;
	[tilespmem:s9+$0x0] =	vst v6;
	s9 =	sadd.s32 s21, s10  }
0x249: {  	s21 =	sadd.s32 s28, s9;
	v6 =	vld [tilespmem:s19+$0xFFFFFFE0]  }
0x24a: {  	v7 =	vld [tilespmem:s21+$0x0];
	_ =	sdelay $0x4  }
0x24b: {  	v7 =	vadd.s32 v7, v6  }
0x24c: {  	s30 =	simm.s32 $0x80;
	(xrf0) =	vadd.scan.msk.s32 $0xffff, v7  }
.LBB2_13:
0x24d: {  	_ = 	snop  }
0x24e: {  	p1 =	sne.s32 s30, $0x7C0;
	s16 =	smov.u32 s30;
	s30 =	sadd.s32 $0x40, s30  }
0x24f: {  	_ = 	snop  }
0x250: {  	s14 =	spop (v2sf)  }
0x251: {  	s14 =	sadd.s32 s22, s14  }
0x252: {  	v6 =	vpsel p0, $0x0, v6;
	v7 =	vsub.s32 s14, v7;
	v8, _, _ =	vpop (xrf0)  }
0x253: {  	s22 =	sadd.s32 $0x10, s12;
	v6 =	vadd.s32 v6, v7;
	(v2sf) =	vpush v8, $0xF  }
0x254: {  	s22 =	sand.u32 $0x50, s22;
	v6 =	vadd.s32 v8, v6  }
0x255: {  	[tilespmem:s21+$0x0] =	vst v6;
	s21 =	sadd.s32 s22, s9  }
0x256: {  	v6 =	vld [tilespmem:s21+$0x0]  }
0x257: {  	v7 =	vld [tilespmem:s19+$0xFFFFFFF0];
	_ =	sdelay $0x4  }
0x258: {  	v6 =	vadd.s32 v6, v7;
	v7 =	vpsel p0, $0x0, v7  }
0x259: {  	v7 =	vsub.s32 v7, v6;
	(xrf0) =	vadd.scan.msk.s32 $0xffff, v6;
	_ =	sdelay $0x4  }
0x25a: {  	s22 =	spop (v2sf)  }
0x25b: {  	v6, _, _ =	vpop (xrf0)  }
0x25c: {  	s14 =	sadd.s32 s14, s22;
	s22 =	sadd.s32 $0x20, s12;
	v7 =	vadd.s32 v6, v7;
	(v2sf) =	vpush v6, $0xF  }
0x25d: {  	s22 =	sand.u32 $0x60, s22;
	v6 =	vadd.s32 s14, v7  }
0x25e: {  	[tilespmem:s21+$0x0] =	vst v6;
	s21 =	sadd.s32 s22, s9  }
0x25f: {  	v6 =	vld [tilespmem:s21+$0x0]  }
0x260: {  	v7 =	vld [tilespmem:s19+$0x0];
	_ =	sdelay $0x4  }
0x261: {  	v6 =	vadd.s32 v6, v7;
	v7 =	vpsel p0, $0x0, v7  }
0x262: {  	v7 =	vsub.s32 v7, v6;
	(xrf0) =	vadd.scan.msk.s32 $0xffff, v6;
	_ =	sdelay $0x4  }
0x263: {  	s22 =	spop (v2sf)  }
0x264: {  	s14 =	sadd.s32 s14, s22;
	v6, _, _ =	vpop (xrf0)  }
0x265: {  	s22 =	sadd.s32 $0x30, s12;
	s12 =	smov.u32 s16;
	v7 =	vadd.s32 v6, v7;
	(v2sf) =	vpush v6, $0xF  }
0x266: {  	s16 =	sand.u32 $0x70, s22;
	v6 =	vadd.s32 s14, v7  }
0x267: {  	s9 =	sadd.s32 s16, s9;
	[tilespmem:s21+$0x0] =	vst v6  }
0x268: {  	v6 =	vld [tilespmem:s9+$0x0]  }
0x269: {  	v7 =	vld [tilespmem:s19+$0x10];
	_ =	sdelay $0x4  }
0x26a: {  	v6 =	vadd.s32 v6, v7;
	v7 =	vpsel p0, $0x0, v7  }
0x26b: {  	v7 =	vsub.s32 v7, v6;
	(xrf0) =	vadd.scan.msk.s32 $0xffff, v6;
	_ =	sdelay $0x4  }
0x26c: {  	s16 =	spop (v2sf)  }
0x26d: {  	v6, _, _ =	vpop (xrf0)  }
0x26e: {  	s22 =	sadd.s32 s14, s16;
	v7 =	vadd.s32 v6, v7;
	(v2sf) =	vpush v6, $0xF  }
0x26f: {  	v6 =	vadd.s32 s22, v7  }
0x270: {  	s14 =	sand.u32 $0x780, s12;
	[tilespmem:s9+$0x0] =	vst v6  }
0x271: {  	s19 =	sadd.s32 $0x40, s19;
	s16 =	sand.u32 $0x40, s12;
	s9 =	sadd.s32 s14, s10  }
0x272: {  	s21 =	sadd.s32 s16, s9;
	v6 =	vld [tilespmem:s19+$0xFFFFFFE0]  }
0x273: {  	v7 =	vld [tilespmem:s21+$0x0];
	_ =	sdelay $0x1  }
.Ltmp5:
0x274: {  	(pc) =	sbr.rel @p1 .LBB2_13-.Ltmp5, $3  }
0x275: {  	_ =	sdelay $0x1  }
0x276: {  	v7 =	vadd.s32 v7, v6  }
0x277: {  	(xrf0) =	vadd.scan.msk.s32 $0xffff, v7  }
0x278: {  	_ =	sdelay $0x2  }
0x279: {  	s10 =	spop (v2sf)  }
0x27a: {  	s10 =	sadd.s32 s22, s10  }
0x27b: {  	v6 =	vpsel p0, $0x0, v6;
	v7 =	vsub.s32 s10, v7  }
0x27c: {  	s14 =	sadd.s32 $0x10, s12;
	v8, _, _ =	vpop (xrf0);
	v6 =	vadd.s32 v6, v7  }
0x27d: {  	s14 =	sand.u32 $0x50, s14;
	(v2sf) =	vpush v8, $0xF;
	v6 =	vadd.s32 v8, v6  }
0x27e: {  	s14 =	sadd.s32 s14, s9;
	[tilespmem:s21+$0x0] =	vst v6  }
0x27f: {  	v6 =	vld [tilespmem:s14+$0x0]  }
0x280: {  	v7 =	vld [tilespmem:s19+$0xFFFFFFF0];
	_ =	sdelay $0x4  }
0x281: {  	v6 =	vadd.s32 v6, v7  }
0x282: {  	(xrf0) =	vadd.scan.msk.s32 $0xffff, v6;
	_ =	sdelay $0x2  }
0x283: {  	v7 =	vpsel p0, $0x0, v7;
	_ =	sdelay $0x2  }
0x284: {  	v6 =	vsub.s32 v7, v6;
	s16 =	spop (v2sf);
	v7, _, _ =	vpop (xrf0)  }
0x285: {  	s22 =	sadd.s32 $0x20, s12;
	s10 =	sadd.s32 s10, s16;
	v6 =	vadd.s32 v7, v6  }
0x286: {  	(v2sf) =	vpush v7, $0xF;
	s16 =	sand.u32 $0x60, s22;
	v6 =	vadd.s32 s10, v6  }
0x287: {  	s28 =	sadd.s32 s16, s9;
	[tilespmem:s14+$0x0] =	vst v6  }
0x288: {  	v6 =	vld [tilespmem:s28+$0x0]  }
0x289: {  	v7 =	vld [tilespmem:s19+$0x0];
	_ =	sdelay $0x4  }
0x28a: {  	v6 =	vadd.s32 v6, v7  }
0x28b: {  	(xrf0) =	vadd.scan.msk.s32 $0xffff, v6;
	_ =	sdelay $0x2  }
0x28c: {  	v7 =	vpsel p0, $0x0, v7;
	_ =	sdelay $0x2  }
0x28d: {  	v6 =	vsub.s32 v7, v6;
	s30 =	spop (v2sf);
	v7, _, _ =	vpop (xrf0)  }
0x28e: {  	s21 =	sadd.s32 $0x30, s12;
	s10 =	sadd.s32 s10, s30;
	v6 =	vadd.s32 v7, v6  }
0x28f: {  	s12 =	sand.u32 $0x70, s21;
	v6 =	vadd.s32 s10, v6  }
0x290: {  	s22 =	sadd.s32 s12, s9;
	[tilespmem:s28+$0x0] =	vst v6  }
0x291: {  	v6 =	vld [tilespmem:s22+$0x0]  }
0x292: {  	v63 =	vld [tilespmem:s19+$0x10];
	_ =	sdelay $0x4  }
0x293: {  	v6 =	vadd.s32 v6, v63  }
0x294: {  	(xrf0) =	vadd.scan.msk.s32 $0xffff, v6;
	_ =	sdelay $0x4  }
0x295: {  	(v2sf) =	vpush v7, $0xF  }
0x296: {  	v7, _, _ =	vpop (xrf0)  }
0x297: {  	(v2sf) =	vpush v7, $0xF;
	_ =	sdelay $0x9  }
0x298: {  	s8 =	sadd.s32 $0x1, s8  }
0x299: {  	p1 =	sne.s32 s8, $0x8  }
.Ltmp6:
0x29a: {  	v8 =	vpsel p0, $0x0, v63;
	(pc) =	sbr.rel @p1 .LBB2_10-.Ltmp6, $4  }
0x29b: {  	v6 =	vsub.s32 v8, v6;
	s28 =	spop (v2sf)  }
0x29c: {  	s10 =	sadd.s32 s10, s28;
	v6 =	vadd.s32 v7, v6  }
0x29d: {  	v6 =	vadd.s32 s10, v6;
	s30 =	spop (v2sf)  }
0x29e: {  	[tilespmem:s22+$0x0] =	vst v6;
	s9 =	sadd.s32 s10, s30  }
0x29f: {  	s8 =	rddreg [dreg:$0x17]  }
0x2a0: {  	s22 =	rddreg [dreg:$0xc]  }
0x2a1: {  	s7 =	simm.s32 $0x0;
	s28 =	rddreg [dreg:$0x1b]  }
0x2a2: {  	[tilespmem:s25], [sflag:$0x2] =	stream.linear.gather [hbm4b:s8+s7], $0x800, $0x38;
	[tilespmem:$0x1E100] =	vst v63  }
0x2a3: {  	s30 =	simm.s32 $0x10800;
	s8 =	rddreg [dreg:$0x10]  }
.LBB2_16:
0x2a4: {  	s9 =	sshll.u32 s7, $0xC  }
0x2a5: {  	s10 =	sor.u32 s18, s9  }
0x2a6: {  	s10 =	sor.u32 $0x800, s10  }
0x2a7: {  	s10 =	sshrl.u32 s10, $0x3  }
0x2a8: {  	s10 =	sadd.s32 s11, s10  }
0x2a9: {  	[tilespmem:s29], [sflag:$0x3] =	stream.linear.gather [hbm4b:s10+s13], $0x800, $0x38;
	[tilespmem:$0x1E100] =	vst v63  }
0x2aa: {  	_ =	swait.ge [sflag:s23], $0x800  }
0x2ab: {  	p1 =	seq.s32 s7, $0x0;
	[sflag:s23] =	ssyncset.done $0x0  }
0x2ac: {  	s10 =	simm.s32 @!p1 $0x4;
	[sflag:s23] =	ssyncadd.s32 $0xFFFFF800  }
0x2ad: {  	_ =	swait.ge @!p1 [sflag:s10], $0x800  }
0x2ae: {  	s12 =	simm.s32 $0x14020;
	s16 =	simm.s32 $0x15020;
	[sflag:s10] =	ssyncset.done @!p1 $0x0  }
0x2af: {  	s19 =	simm.s32 $0x0;
	[sflag:s10] =	ssyncadd.s32 @!p1 $0xFFFFF800;
	s10 =	simm.s32 $0x13020  }
.LBB2_17:
0x2b0: {  	v6 =	vld [tilespmem:s16+$0xFFFFFFE0];
	_ =	sdelay $0x4  }
0x2b1: {  	(xrf1) =	vunique.msk.u32 $0xffff, v6;
	_ =	sdelay $0xb  }
0x2b2: {  	v7 =	vld.idx.msk [tilespmem:v6+s24+$0x0], $0xffff;
	_ =	sdelay $0x1  }
0x2b3: {  	_, v8, vm0 =	vpop (xrf1);
	_ =	sdelay $0x2  }
0x2b4: {  	v7 =	vadd.s32 v8, v7  }
0x2b5: {  	v7 =	vadd.s32 $0xFFFFFFFF, v7  }
0x2b6: {  	s14 =	sadd.s32 s19, s8;
	[tilespmem:s10+$0xFFFFFFE0] =	vst v7  }
0x2b7: {  	[tilespmem:v6+s24+$0x0] =	vst.idx.add.s32.msk vm0, v8;
	v6 =	vor.u32 s14, v2  }
0x2b8: {  	[tilespmem:s12+$0xFFFFFFE0] =	vst v6  }
0x2b9: {  	v6 =	vld [tilespmem:s16+$0xFFFFFFF0];
	_ =	sdelay $0x4  }
0x2ba: {  	(xrf1) =	vunique.msk.u32 $0xffff, v6;
	_ =	sdelay $0xb  }
0x2bb: {  	v7 =	vld.idx.msk [tilespmem:v6+s24+$0x0], $0xffff;
	_ =	sdelay $0x1  }
0x2bc: {  	_, v8, vm0 =	vpop (xrf1);
	_ =	sdelay $0x2  }
0x2bd: {  	v7 =	vadd.s32 v8, v7  }
0x2be: {  	v7 =	vadd.s32 $0xFFFFFFFF, v7  }
0x2bf: {  	s21 =	sadd.s32 $0x10, s14;
	[tilespmem:s10+$0xFFFFFFF0] =	vst v7  }
0x2c0: {  	[tilespmem:v6+s24+$0x0] =	vst.idx.add.s32.msk vm0, v8;
	v6 =	vor.u32 s21, v2  }
0x2c1: {  	[tilespmem:s12+$0xFFFFFFF0] =	vst v6  }
0x2c2: {  	v6 =	vld [tilespmem:s16+$0x0];
	_ =	sdelay $0x4  }
0x2c3: {  	(xrf1) =	vunique.msk.u32 $0xffff, v6;
	_ =	sdelay $0xb  }
0x2c4: {  	v7 =	vld.idx.msk [tilespmem:v6+s24+$0x0], $0xffff;
	_ =	sdelay $0x1  }
0x2c5: {  	_, v8, vm0 =	vpop (xrf1);
	_ =	sdelay $0x2  }
0x2c6: {  	v7 =	vadd.s32 v8, v7  }
0x2c7: {  	v7 =	vadd.s32 $0xFFFFFFFF, v7  }
0x2c8: {  	s21 =	sadd.s32 $0x20, s14;
	[tilespmem:s10+$0x0] =	vst v7  }
0x2c9: {  	[tilespmem:v6+s24+$0x0] =	vst.idx.add.s32.msk vm0, v8;
	v6 =	vor.u32 s21, v2  }
0x2ca: {  	[tilespmem:s12+$0x0] =	vst v6  }
0x2cb: {  	v6 =	vld [tilespmem:s16+$0x10];
	_ =	sdelay $0x4  }
0x2cc: {  	(xrf1) =	vunique.msk.u32 $0xffff, v6;
	_ =	sdelay $0xb  }
0x2cd: {  	v7 =	vld.idx.msk [tilespmem:v6+s24+$0x0], $0xffff;
	_ =	sdelay $0x1  }
0x2ce: {  	_, v8, vm0 =	vpop (xrf1);
	_ =	sdelay $0x1  }
0x2cf: {  	p2 =	sne.s32 s19, $0x7C0  }
.Ltmp7:
0x2d0: {  	v7 =	vadd.s32 v8, v7;
	(pc) =	sbr.rel @p2 .LBB2_17-.Ltmp7, $4  }
0x2d1: {  	v7 =	vadd.s32 $0xFFFFFFFF, v7  }
0x2d2: {  	s14 =	sadd.s32 $0x30, s14;
	[tilespmem:s10+$0x10] =	vst v7  }
0x2d3: {  	s19 =	sadd.s32 $0x40, s19;
	[tilespmem:v6+s24+$0x0] =	vst.idx.add.s32.msk vm0, v8;
	v6 =	vor.u32 s14, v2  }
0x2d4: {  	s16 =	sadd.s32 $0x40, s16;
	s10 =	sadd.s32 $0x40, s10;
	[tilespmem:s12+$0x10] =	vst v6;
	s12 =	sadd.s32 $0x40, s12  }
0x2d5: {  	p2 =	sne.s32 s7, $0x7  }
.Ltmp8:
0x2d6: {  	_ = 	snop;
	(pc) =	sbr.rel @p2 .LBB2_20-.Ltmp8, $3  }
0x2d7: {  	_ =	sdelay $0x1  }
0x2d8: {  	s10 =	simm.s32 $0x14000;
	s12 =	simm.s32 $0x13000  }
0x2d9: {  	[spmem:s22] =	stream.indirect.scatter [tilespmem:s10], [sflag:$0x4], $0x1, s12, s6, $0xb8;
	[tilespmem:$0x1E100] =	vst v63  }
.Ltmp9:
0x2da: {  	(pc) =	sbr.rel .LBB2_21-.Ltmp9, $4  }
0x2db: {  	_ = 	snop  }
0x2dc: {  	_ =	swait.ge [sflag:s26], $0x800  }
0x2dd: {  	[sflag:s26] =	ssyncset.done $0x0  }
0x2de: {  	[sflag:s26] =	ssyncadd.s32 $0xFFFFF800  }
.LBB2_20:
0x2df: {  	s9 =	sadd.s32 s9, s28  }
0x2e0: {  	s9 =	sshrl.u32 s9, $0x3  }
.Ltmp10:
0x2e1: {  	s9 =	sadd.s32 s11, s9;
	(pc) =	sbr.rel @p1 .LBB2_22-.Ltmp10, $4  }
0x2e2: {  	[tilespmem:s25], [sflag:$0x2] =	stream.linear.gather [hbm4b:s9+s13], $0x800, $0x38;
	[tilespmem:$0x1E100] =	vst v63  }
0x2e3: {  	_ =	swait.ge [sflag:s26], $0x800  }
0x2e4: {  	[sflag:s26] =	ssyncset.done $0x0  }
0x2e5: {  	[sflag:s26] =	ssyncadd.s32 $0xFFFFF800  }
.LBB2_21:
0x2e6: {  	_ =	swait.ge [sflag:s17], $0x800  }
0x2e7: {  	[sflag:s17] =	ssyncset.done $0x0  }
0x2e8: {  	[sflag:s17] =	ssyncadd.s32 $0xFFFFF800  }
.LBB2_22:
0x2e9: {  	s9 =	simm.s32 $0x0  }
0x2ea: {  	s10 =	simm.s32 $0x13820;
	s12 =	simm.s32 $0x14820;
	s16 =	simm.s32 $0x15820  }
.LBB2_23:
0x2eb: {  	v6 =	vld [tilespmem:s16+$0xFFFFFFE0];
	_ =	sdelay $0x4  }
0x2ec: {  	(xrf1) =	vunique.msk.u32 $0xffff, v6;
	_ =	sdelay $0xb  }
0x2ed: {  	v7 =	vld.idx.msk [tilespmem:v6+s24+$0x0], $0xffff;
	_ =	sdelay $0x1  }
0x2ee: {  	_, v8, vm0 =	vpop (xrf1);
	_ =	sdelay $0x2  }
0x2ef: {  	v7 =	vadd.s32 v8, v7  }
0x2f0: {  	s14 =	sadd.s32 s9, s8;
	v7 =	vadd.s32 $0xFFFFFFFF, v7  }
0x2f1: {  	s19 =	sadd.s32 $0x800, s14;
	[tilespmem:s10+$0xFFFFFFE0] =	vst v7  }
0x2f2: {  	[tilespmem:v6+s24+$0x0] =	vst.idx.add.s32.msk vm0, v8;
	v6 =	vor.u32 s19, v2  }
0x2f3: {  	[tilespmem:s12+$0xFFFFFFE0] =	vst v6  }
0x2f4: {  	v6 =	vld [tilespmem:s16+$0xFFFFFFF0];
	_ =	sdelay $0x4  }
0x2f5: {  	(xrf1) =	vunique.msk.u32 $0xffff, v6;
	_ =	sdelay $0xb  }
0x2f6: {  	v7 =	vld.idx.msk [tilespmem:v6+s24+$0x0], $0xffff;
	_ =	sdelay $0x1  }
0x2f7: {  	_, v8, vm0 =	vpop (xrf1);
	_ =	sdelay $0x2  }
0x2f8: {  	v7 =	vadd.s32 v8, v7  }
0x2f9: {  	v7 =	vadd.s32 $0xFFFFFFFF, v7  }
0x2fa: {  	s21 =	sadd.s32 $0x810, s14;
	[tilespmem:s10+$0xFFFFFFF0] =	vst v7  }
0x2fb: {  	[tilespmem:v6+s24+$0x0] =	vst.idx.add.s32.msk vm0, v8;
	v6 =	vor.u32 s21, v2  }
0x2fc: {  	[tilespmem:s12+$0xFFFFFFF0] =	vst v6  }
0x2fd: {  	v6 =	vld [tilespmem:s16+$0x0];
	_ =	sdelay $0x4  }
0x2fe: {  	(xrf1) =	vunique.msk.u32 $0xffff, v6;
	_ =	sdelay $0xb  }
0x2ff: {  	v7 =	vld.idx.msk [tilespmem:v6+s24+$0x0], $0xffff;
	_ =	sdelay $0x1  }
0x300: {  	_, v8, vm0 =	vpop (xrf1);
	_ =	sdelay $0x2  }
0x301: {  	v7 =	vadd.s32 v8, v7  }
0x302: {  	v7 =	vadd.s32 $0xFFFFFFFF, v7  }
0x303: {  	s21 =	sadd.s32 $0x820, s14;
	[tilespmem:s10+$0x0] =	vst v7  }
0x304: {  	[tilespmem:v6+s24+$0x0] =	vst.idx.add.s32.msk vm0, v8;
	v6 =	vor.u32 s21, v2  }
0x305: {  	[tilespmem:s12+$0x0] =	vst v6  }
0x306: {  	v6 =	vld [tilespmem:s16+$0x10];
	_ =	sdelay $0x4  }
0x307: {  	(xrf1) =	vunique.msk.u32 $0xffff, v6;
	_ =	sdelay $0xb  }
0x308: {  	v7 =	vld.idx.msk [tilespmem:v6+s24+$0x0], $0xffff;
	_ =	sdelay $0x1  }
0x309: {  	_, v8, vm0 =	vpop (xrf1);
	_ =	sdelay $0x1  }
0x30a: {  	p1 =	sne.s32 s9, $0x7C0  }
.Ltmp11:
0x30b: {  	v7 =	vadd.s32 v8, v7;
	(pc) =	sbr.rel @p1 .LBB2_23-.Ltmp11, $4  }
0x30c: {  	v7 =	vadd.s32 $0xFFFFFFFF, v7  }
0x30d: {  	s14 =	sadd.s32 $0x830, s14;
	[tilespmem:s10+$0x10] =	vst v7  }
0x30e: {  	s9 =	sadd.s32 $0x40, s9;
	[tilespmem:v6+s24+$0x0] =	vst.idx.add.s32.msk vm0, v8;
	v6 =	vor.u32 s14, v2  }
0x30f: {  	s16 =	sadd.s32 $0x40, s16;
	s10 =	sadd.s32 $0x40, s10;
	[tilespmem:s12+$0x10] =	vst v6;
	s12 =	sadd.s32 $0x40, s12  }
0x310: {  	s7 =	sadd.s32 $0x1, s7  }
0x311: {  	p1 =	sne.s32 s7, $0x8  }
.Ltmp12:
0x312: {  	_ = 	snop;
	(pc) =	sbr.rel @p1 .LBB2_16-.Ltmp12, $3  }
0x313: {  	_ =	sdelay $0x1  }
0x314: {  	s9 =	simm.s32 $0x14800;
	s10 =	simm.s32 $0x13800;
	s8 =	sadd.s32 $0x1000, s8  }
0x315: {  	[spmem:s22] =	stream.indirect.scatter [tilespmem:s9], [sflag:$0x5], $0x1, s10, s6, $0xb8;
	[tilespmem:$0x1E100] =	vst v63  }
0x316: {  	_ =	swait.ge [sflag:s15], $0x800  }
0x317: {  	[sflag:s15] =	ssyncset.done $0x0  }
0x318: {  	[sflag:s15] =	ssyncadd.s32 $0xFFFFF800  }
0x319: {  	_ =	swait.ge [sflag:s17], $0x800  }
0x31a: {  	[sflag:s17] =	ssyncset.done $0x0  }
0x31b: {  	s7 =	stileid.u32;
	[sflag:s17] =	ssyncadd.s32 $0xFFFFF800  }
0x31c: {  	s10 =	simm.s32 $0x1;
	s12 =	simm.s32 $0x10;
	[bflag:$0x0] =	sbarrier.arrive $0xFFFF  }
0x31d: {  	s22 =	simm.s32 $0x14000;
	s7 =	sshll.u32 s7, $0x6;
	s21 =	rddreg [dreg:$0x18]  }
0x31e: {  	s7 =	sor.u32 $0x1C01, s7;
	s9 =	rddreg [dreg:$0x12];
	s8 =	sshrl.u32 s21, $0x3  }
0x31f: {  	[hbm:s9@s3], [sflag:s7] =	dma.strided [spmem:s8@s12], $0x1000, s10, $0x10   }
0x320: {  	[tilespmem:s22], [sflag:$0x6] =	stream.linear.gather [spmem:s21], $0x800, $0x38;
	[tilespmem:$0x1E100] =	vst v63  }
0x321: {  	_ =	swait.ge [sflag:s4], $0x800  }
0x322: {  	[sflag:s4] =	ssyncset.done $0x0  }
0x323: {  	s7 =	simm.s32 $0x0;
	[sflag:s4] =	ssyncadd.s32 $0xFFFFF800  }
0x324: {  	v8 =	vld [tilespmem:s7+$0x14030]  }
0x325: {  	v9 =	vld [tilespmem:s7+$0x14000]  }
0x326: {  	v6 =	vld [tilespmem:s7+$0x14010];
	s16 =	rddreg [dreg:$0x7]  }
0x327: {  	s8 =	simm.s32 $0x100;
	v7 =	vld [tilespmem:s7+$0x14020];
	s19 =	rddreg [dreg:$0x8]  }
.LBB2_26:
0x328: {  	p1 =	sne.s32 s8, $0x1F00  }
.Ltmp13:
0x329: {  	s9 =	sshra.s32 s8, $0x2;
	s8 =	sadd.s32 $0x100, s8;
	v10 =	vadd.s32 v0, v8;
	(pc) =	sbr.rel @p1 .LBB2_26-.Ltmp13, $4  }
0x32a: {  	v8 =	vld [tilespmem:s9+$0x14030];
	v11 =	vadd.s32 v0, v9;
	[tilespmem:s7+$0x15030] =	vst v10  }
0x32b: {  	v9 =	vld [tilespmem:s9+$0x14000];
	[tilespmem:s7+$0x15000] =	vst v11;
	v10 =	vadd.s32 v0, v6  }
0x32c: {  	v6 =	vld [tilespmem:s9+$0x14010];
	[tilespmem:s7+$0x15010] =	vst v10;
	v10 =	vadd.s32 v0, v7  }
0x32d: {  	v7 =	vld [tilespmem:s9+$0x14020];
	[tilespmem:s7+$0x15020] =	vst v10;
	s7 =	smov.u32 s9  }
0x32e: {  	_ = 	snop  }
0x32f: {  	v8 =	vadd.s32 v0, v8  }
0x330: {  	v9 =	vadd.s32 v0, v9;
	[tilespmem:s7+$0x15030] =	vst v8  }
0x331: {  	[tilespmem:s7+$0x15000] =	vst v9;
	v6 =	vadd.s32 v0, v6  }
0x332: {  	[tilespmem:s7+$0x15010] =	vst v6;
	v6 =	vadd.s32 v0, v7  }
0x333: {  	s22 =	simm.s32 $0x10000;
	[tilespmem:s7+$0x15020] =	vst v6  }
0x334: {  	[tilespmem:s22], [sflag:$0x4] =	stream.indirect.gather [hbm4b:s0+s6], $0x1, s25, s6, $0xb8;
	[tilespmem:$0x1E100] =	vst v63  }
0x335: {  	_ = 	snop  }
0x336: {  	[tilespmem:s30], [sflag:$0x4] =	stream.indirect.gather [hbm4b:s1+s6], $0x1, s25, s6, $0xb8;
	[tilespmem:$0x1E100] =	vst v63  }
0x337: {  	s14 =	simm.s32 $0x11000  }
0x338: {  	[tilespmem:s14], [sflag:$0x4] =	stream.indirect.gather [hbm4b:s2+s6], $0x1, s25, s6, $0xb8;
	[tilespmem:$0x1E100] =	vst v63  }
0x339: {  	s7 =	simm.s32 $0x0;
	s14 =	rddreg [dreg:$0x6]  }
.LBB2_28:
0x33a: {  	p1 =	seq.s32 s7, $0x0  }
0x33b: {  	s9 =	simm.s32 @!p1 $0x3  }
0x33c: {  	_ =	swait.ge @!p1 [sflag:s9], $0x800  }
0x33d: {  	[sflag:s9] =	ssyncset.done @!p1 $0x0  }
0x33e: {  	[sflag:s9] =	ssyncadd.s32 @!p1 $0xFFFFF800  }
0x33f: {  	_ =	swait.ge @!p1 [sflag:s9], $0x800  }
0x340: {  	[sflag:s9] =	ssyncset.done @!p1 $0x0  }
0x341: {  	s8 =	sshllo.u32 s7, $0x1;
	[sflag:s9] =	ssyncadd.s32 @!p1 $0xFFFFF800  }
0x342: {  	s10 =	sshll.u32 s8, $0xB;
	_ =	swait.ge @!p1 [sflag:s9], $0x800  }
0x343: {  	s10 =	sand.u32 $0x3FFFF800, s10;
	[sflag:s9] =	ssyncset.done @!p1 $0x0  }
0x344: {  	s12 =	simm.s32 $0x14800;
	s10 =	sadd.s32 s10, s21;
	[sflag:s9] =	ssyncadd.s32 @!p1 $0xFFFFF800  }
0x345: {  	[tilespmem:s12], [sflag:$0x6] =	stream.linear.gather [spmem:s10], $0x800, $0x38;
	[tilespmem:$0x1E100] =	vst v63  }
0x346: {  	_ =	swait.ge [sflag:s4], $0x800  }
0x347: {  	[sflag:s4] =	ssyncset.done $0x0  }
0x348: {  	s9 =	simm.s32 $0x0;
	[sflag:s4] =	ssyncadd.s32 $0xFFFFF800  }
0x349: {  	v8 =	vld [tilespmem:s9+$0x14830]  }
0x34a: {  	v9 =	vld [tilespmem:s9+$0x14800]  }
0x34b: {  	v6 =	vld [tilespmem:s9+$0x14810]  }
0x34c: {  	s10 =	simm.s32 $0x100;
	v7 =	vld [tilespmem:s9+$0x14820]  }
.LBB2_29:
0x34d: {  	p1 =	sne.s32 s10, $0x1F00  }
.Ltmp14:
0x34e: {  	s12 =	sshra.s32 s10, $0x2;
	s10 =	sadd.s32 $0x100, s10;
	v10 =	vadd.s32 v0, v8;
	(pc) =	sbr.rel @p1 .LBB2_29-.Ltmp14, $4  }
0x34f: {  	v8 =	vld [tilespmem:s12+$0x14830];
	v11 =	vadd.s32 v0, v9;
	[tilespmem:s9+$0x15830] =	vst v10  }
0x350: {  	v9 =	vld [tilespmem:s12+$0x14800];
	[tilespmem:s9+$0x15800] =	vst v11;
	v10 =	vadd.s32 v0, v6  }
0x351: {  	v6 =	vld [tilespmem:s12+$0x14810];
	[tilespmem:s9+$0x15810] =	vst v10;
	v10 =	vadd.s32 v0, v7  }
0x352: {  	v7 =	vld [tilespmem:s12+$0x14820];
	[tilespmem:s9+$0x15820] =	vst v10;
	s9 =	smov.u32 s12  }
0x353: {  	_ = 	snop  }
0x354: {  	v8 =	vadd.s32 v0, v8  }
0x355: {  	v9 =	vadd.s32 v0, v9;
	[tilespmem:s9+$0x15830] =	vst v8  }
0x356: {  	[tilespmem:s9+$0x15800] =	vst v9;
	v6 =	vadd.s32 v0, v6  }
0x357: {  	[tilespmem:s9+$0x15810] =	vst v6;
	v6 =	vadd.s32 v0, v7  }
0x358: {  	s12 =	simm.s32 $0x11800;
	[tilespmem:s9+$0x15820] =	vst v6  }
0x359: {  	[tilespmem:s12], [sflag:$0x5] =	stream.indirect.gather [hbm4b:s0+s6], $0x1, s29, s6, $0xb8;
	[tilespmem:$0x1E100] =	vst v63  }
0x35a: {  	s10 =	simm.s32 $0x12000  }
0x35b: {  	[tilespmem:s10], [sflag:$0x5] =	stream.indirect.gather [hbm4b:s1+s6], $0x1, s29, s6, $0xb8;
	[tilespmem:$0x1E100] =	vst v63  }
0x35c: {  	s12 =	simm.s32 $0x12800  }
0x35d: {  	[tilespmem:s12], [sflag:$0x5] =	stream.indirect.gather [hbm4b:s2+s6], $0x1, s29, s6, $0xb8;
	[tilespmem:$0x1E100] =	vst v63  }
0x35e: {  	_ =	swait.ge [sflag:s15], $0x800  }
0x35f: {  	[sflag:s15] =	ssyncset.done $0x0  }
0x360: {  	[sflag:s15] =	ssyncadd.s32 $0xFFFFF800  }
0x361: {  	_ =	swait.ge [sflag:s15], $0x800  }
0x362: {  	[sflag:s15] =	ssyncset.done $0x0  }
0x363: {  	[sflag:s15] =	ssyncadd.s32 $0xFFFFF800  }
0x364: {  	_ =	swait.ge [sflag:s15], $0x800  }
0x365: {  	[sflag:s15] =	ssyncset.done $0x0  }
0x366: {  	s9 =	simm.s32 $0x0;
	[sflag:s15] =	ssyncadd.s32 $0xFFFFF800  }
0x367: {  	v7 =	vld [tilespmem:s9+$0x10800]  }
0x368: {  	v6 =	vld [tilespmem:s9+$0x10000]  }
0x369: {  	v9 =	vld [tilespmem:s9+$0x10010]  }
0x36a: {  	v8 =	vld [tilespmem:s9+$0x11000]  }
0x36b: {  	v10 =	vld [tilespmem:s9+$0x10810]  }
0x36c: {  	v13 =	vld [tilespmem:s9+$0x11010];
	v12 =	vsub.f32 v7, v4  }
0x36d: {  	v11 =	vsub.f32 v6, v3;
	v6 =	vld [tilespmem:s9+$0x10020]  }
0x36e: {  	v7 =	vld [tilespmem:s9+$0x10820];
	[tilespmem:s9+$0x10800] =	vst v12;
	v12 =	vsub.f32 v9, v3  }
0x36f: {  	[tilespmem:s9+$0x10000] =	vst v11;
	v11 =	vsub.f32 v8, v5;
	v8 =	vld [tilespmem:s9+$0x11020]  }
0x370: {  	v9 =	vld [tilespmem:s9+$0x10030];
	[tilespmem:s9+$0x10010] =	vst v12;
	v12 =	vsub.f32 v10, v4  }
0x371: {  	s10 =	simm.s32 $0x100;
	[tilespmem:s9+$0x11000] =	vst v11;
	v11 =	vsub.f32 v13, v5;
	v10 =	vld [tilespmem:s9+$0x10830]  }
.LBB2_31:
0x372: {  	s12 =	sshra.s32 s10, $0x2;
	p1 =	sne.s32 s10, $0x1F00;
	[tilespmem:s9+$0x10810] =	vst v12;
	v6 =	vsub.f32 v6, v3;
	v12 =	vld [tilespmem:s9+$0x11030]  }
0x373: {  	v13 =	vld [tilespmem:s12+$0x10000];
	[tilespmem:s9+$0x11010] =	vst v11;
	v7 =	vsub.f32 v7, v4  }
0x374: {  	v11 =	vld [tilespmem:s12+$0x10800];
	[tilespmem:s9+$0x10020] =	vst v6;
	v6 =	vsub.f32 v8, v5  }
0x375: {  	v8 =	vld [tilespmem:s12+$0x11000];
	[tilespmem:s9+$0x10820] =	vst v7;
	v7 =	vsub.f32 v9, v3  }
0x376: {  	v9 =	vld [tilespmem:s12+$0x10010];
	[tilespmem:s9+$0x11020] =	vst v6;
	v6 =	vsub.f32 v10, v4  }
0x377: {  	v10 =	vld [tilespmem:s12+$0x10810];
	[tilespmem:s9+$0x10030] =	vst v7;
	v7 =	vsub.f32 v12, v5  }
0x378: {  	v12 =	vsub.f32 v13, v3;
	v13 =	vld [tilespmem:s12+$0x11010];
	[tilespmem:s9+$0x10830] =	vst v6  }
.Ltmp15:
0x379: {  	v11 =	vsub.f32 v11, v4;
	v6 =	vld [tilespmem:s12+$0x10020];
	[tilespmem:s9+$0x11030] =	vst v7;
	s9 =	smov.u32 s12;
	(pc) =	sbr.rel @p1 .LBB2_31-.Ltmp15, $4  }
0x37a: {  	[tilespmem:s9+$0x10000] =	vst v12;
	v12 =	vsub.f32 v8, v5;
	v7 =	vld [tilespmem:s9+$0x10820]  }
0x37b: {  	[tilespmem:s9+$0x10800] =	vst v11;
	v11 =	vsub.f32 v9, v3;
	v8 =	vld [tilespmem:s9+$0x11020]  }
0x37c: {  	[tilespmem:s9+$0x11000] =	vst v12;
	v12 =	vsub.f32 v10, v4;
	v9 =	vld [tilespmem:s9+$0x10030]  }
0x37d: {  	s10 =	sadd.s32 $0x100, s10;
	[tilespmem:s9+$0x10010] =	vst v11;
	v11 =	vsub.f32 v13, v5;
	v10 =	vld [tilespmem:s9+$0x10830]  }
0x37e: {  	[tilespmem:s9+$0x10810] =	vst v12;
	v6 =	vsub.f32 v6, v3;
	v63 =	vld [tilespmem:s9+$0x11030]  }
0x37f: {  	[tilespmem:s9+$0x11010] =	vst v11;
	v7 =	vsub.f32 v7, v4  }
0x380: {  	[tilespmem:s9+$0x10020] =	vst v6;
	v6 =	vsub.f32 v8, v5  }
0x381: {  	[tilespmem:s9+$0x10820] =	vst v7;
	v7 =	vsub.f32 v9, v3  }
0x382: {  	s10 =	sshll.u32 s7, $0xF;
	[tilespmem:s9+$0x11020] =	vst v6;
	v6 =	vsub.f32 v10, v4  }
0x383: {  	s10 =	sadd.s32 s20, s10;
	[tilespmem:s9+$0x10030] =	vst v7;
	v7 =	vsub.f32 v63, v5  }
0x384: {  	s10 =	sshrl.u32 s10, $0x3;
	[tilespmem:s9+$0x10830] =	vst v6  }
0x385: {  	p1 =	seq.s32 s7, $0x7;
	s12 =	sadd.s32 s14, s10;
	[tilespmem:s9+$0x11030] =	vst v7  }
0x386: {  	[hbm4b:s12+s3] =	stream.strided.scatter [tilespmem:s22], [sflag:$0x2], $0x800, s5, s3, $0x38;
	[tilespmem:$0x1E100] =	vst v63  }
.Ltmp16:
0x387: {  	_ = 	snop;
	(pc) =	sbr.rel @p1 .LBB2_36-.Ltmp16, $4  }
0x388: {  	s12 =	sadd.s32 s16, s10  }
0x389: {  	[hbm4b:s12+s3] =	stream.strided.scatter [tilespmem:s30], [sflag:$0x2], $0x800, s5, s3, $0x38;
	[tilespmem:$0x1E100] =	vst v63  }
0x38a: {  	s10 =	sadd.s32 s19, s10;
	s12 =	simm.s32 $0x11000  }
0x38b: {  	[hbm4b:s10+s3] =	stream.strided.scatter [tilespmem:s12], [sflag:$0x2], $0x800, s5, s3, $0x38;
	[tilespmem:$0x1E100] =	vst v63  }
0x38c: {  	_ =	swait.ge [sflag:s23], $0x800  }
0x38d: {  	[sflag:s23] =	ssyncset.done $0x0  }
0x38e: {  	[sflag:s23] =	ssyncadd.s32 $0xFFFFF800  }
0x38f: {  	_ =	swait.ge [sflag:s23], $0x800  }
0x390: {  	[sflag:s23] =	ssyncset.done $0x0  }
0x391: {  	s9 =	sshll.u32 s7, $0xC;
	[sflag:s23] =	ssyncadd.s32 $0xFFFFF800  }
0x392: {  	s9 =	sand.u32 $0x3FFFF000, s9;
	_ =	swait.ge [sflag:s23], $0x800  }
0x393: {  	s9 =	sadd.s32 s9, s21;
	[sflag:s23] =	ssyncset.done $0x0  }
0x394: {  	s10 =	simm.s32 $0x14000;
	s9 =	sadd.s32 $0x1000, s9;
	[sflag:s23] =	ssyncadd.s32 $0xFFFFF800  }
0x395: {  	[tilespmem:s10], [sflag:$0x6] =	stream.linear.gather [spmem:s9], $0x800, $0x38;
	[tilespmem:$0x1E100] =	vst v63  }
0x396: {  	_ =	swait.ge [sflag:s4], $0x800  }
0x397: {  	[sflag:s4] =	ssyncset.done $0x0  }
0x398: {  	s9 =	simm.s32 $0x0;
	[sflag:s4] =	ssyncadd.s32 $0xFFFFF800  }
0x399: {  	v8 =	vld [tilespmem:s9+$0x14030]  }
0x39a: {  	v9 =	vld [tilespmem:s9+$0x14000]  }
0x39b: {  	v6 =	vld [tilespmem:s9+$0x14010]  }
0x39c: {  	s10 =	simm.s32 $0x100;
	v7 =	vld [tilespmem:s9+$0x14020]  }
.LBB2_34:
0x39d: {  	p1 =	sne.s32 s10, $0x1F00  }
.Ltmp17:
0x39e: {  	s12 =	sshra.s32 s10, $0x2;
	s10 =	sadd.s32 $0x100, s10;
	v10 =	vadd.s32 v0, v8;
	(pc) =	sbr.rel @p1 .LBB2_34-.Ltmp17, $4  }
0x39f: {  	v8 =	vld [tilespmem:s12+$0x14030];
	v11 =	vadd.s32 v0, v9;
	[tilespmem:s9+$0x15030] =	vst v10  }
0x3a0: {  	v9 =	vld [tilespmem:s12+$0x14000];
	[tilespmem:s9+$0x15000] =	vst v11;
	v10 =	vadd.s32 v0, v6  }
0x3a1: {  	v6 =	vld [tilespmem:s12+$0x14010];
	[tilespmem:s9+$0x15010] =	vst v10;
	v10 =	vadd.s32 v0, v7  }
0x3a2: {  	v7 =	vld [tilespmem:s12+$0x14020];
	[tilespmem:s9+$0x15020] =	vst v10;
	s9 =	smov.u32 s12  }
0x3a3: {  	_ = 	snop  }
0x3a4: {  	v8 =	vadd.s32 v0, v8  }
0x3a5: {  	v9 =	vadd.s32 v0, v9;
	[tilespmem:s9+$0x15030] =	vst v8  }
0x3a6: {  	[tilespmem:s9+$0x15000] =	vst v9;
	v6 =	vadd.s32 v0, v6  }
0x3a7: {  	[tilespmem:s9+$0x15010] =	vst v6;
	v6 =	vadd.s32 v0, v7  }
0x3a8: {  	[tilespmem:s9+$0x15020] =	vst v6  }
0x3a9: {  	[tilespmem:s22], [sflag:$0x4] =	stream.indirect.gather [hbm4b:s0+s6], $0x1, s25, s6, $0xb8;
	[tilespmem:$0x1E100] =	vst v63  }
0x3aa: {  	_ = 	snop  }
0x3ab: {  	[tilespmem:s30], [sflag:$0x4] =	stream.indirect.gather [hbm4b:s1+s6], $0x1, s25, s6, $0xb8;
	[tilespmem:$0x1E100] =	vst v63  }
0x3ac: {  	s12 =	simm.s32 $0x11000  }
0x3ad: {  	[tilespmem:s12], [sflag:$0x4] =	stream.indirect.gather [hbm4b:s2+s6], $0x1, s25, s6, $0xb8;
	[tilespmem:$0x1E100] =	vst v63  }
.LBB2_36:
0x3ae: {  	_ =	swait.ge [sflag:s17], $0x800  }
0x3af: {  	[sflag:s17] =	ssyncset.done $0x0  }
0x3b0: {  	[sflag:s17] =	ssyncadd.s32 $0xFFFFF800  }
0x3b1: {  	_ =	swait.ge [sflag:s17], $0x800  }
0x3b2: {  	[sflag:s17] =	ssyncset.done $0x0  }
0x3b3: {  	[sflag:s17] =	ssyncadd.s32 $0xFFFFF800  }
0x3b4: {  	_ =	swait.ge [sflag:s17], $0x800  }
0x3b5: {  	[sflag:s17] =	ssyncset.done $0x0  }
0x3b6: {  	s9 =	simm.s32 $0x0;
	[sflag:s17] =	ssyncadd.s32 $0xFFFFF800  }
0x3b7: {  	v7 =	vld [tilespmem:s9+$0x12000]  }
0x3b8: {  	v6 =	vld [tilespmem:s9+$0x11800]  }
0x3b9: {  	v9 =	vld [tilespmem:s9+$0x11810]  }
0x3ba: {  	v8 =	vld [tilespmem:s9+$0x12800]  }
0x3bb: {  	v10 =	vld [tilespmem:s9+$0x12010]  }
0x3bc: {  	v13 =	vld [tilespmem:s9+$0x12810];
	v12 =	vsub.f32 v7, v4  }
0x3bd: {  	v11 =	vsub.f32 v6, v3;
	v6 =	vld [tilespmem:s9+$0x11820]  }
0x3be: {  	v7 =	vld [tilespmem:s9+$0x12020];
	[tilespmem:s9+$0x12000] =	vst v12;
	v12 =	vsub.f32 v9, v3  }
0x3bf: {  	[tilespmem:s9+$0x11800] =	vst v11;
	v11 =	vsub.f32 v8, v5;
	v8 =	vld [tilespmem:s9+$0x12820]  }
0x3c0: {  	v9 =	vld [tilespmem:s9+$0x11830];
	[tilespmem:s9+$0x11810] =	vst v12;
	v12 =	vsub.f32 v10, v4  }
0x3c1: {  	s10 =	simm.s32 $0x100;
	[tilespmem:s9+$0x12800] =	vst v11;
	v11 =	vsub.f32 v13, v5;
	v10 =	vld [tilespmem:s9+$0x12030]  }
.LBB2_37:
0x3c2: {  	s12 =	sshra.s32 s10, $0x2;
	p1 =	sne.s32 s10, $0x1F00;
	[tilespmem:s9+$0x12010] =	vst v12;
	v6 =	vsub.f32 v6, v3;
	v12 =	vld [tilespmem:s9+$0x12830]  }
0x3c3: {  	v13 =	vld [tilespmem:s12+$0x11800];
	[tilespmem:s9+$0x12810] =	vst v11;
	v7 =	vsub.f32 v7, v4  }
0x3c4: {  	v11 =	vld [tilespmem:s12+$0x12000];
	[tilespmem:s9+$0x11820] =	vst v6;
	v6 =	vsub.f32 v8, v5  }
0x3c5: {  	v8 =	vld [tilespmem:s12+$0x12800];
	[tilespmem:s9+$0x12020] =	vst v7;
	v7 =	vsub.f32 v9, v3  }
0x3c6: {  	v9 =	vld [tilespmem:s12+$0x11810];
	[tilespmem:s9+$0x12820] =	vst v6;
	v6 =	vsub.f32 v10, v4  }
0x3c7: {  	v10 =	vld [tilespmem:s12+$0x12010];
	[tilespmem:s9+$0x11830] =	vst v7;
	v7 =	vsub.f32 v12, v5  }
0x3c8: {  	v12 =	vsub.f32 v13, v3;
	v13 =	vld [tilespmem:s12+$0x12810];
	[tilespmem:s9+$0x12030] =	vst v6  }
.Ltmp18:
0x3c9: {  	v11 =	vsub.f32 v11, v4;
	v6 =	vld [tilespmem:s12+$0x11820];
	[tilespmem:s9+$0x12830] =	vst v7;
	s9 =	smov.u32 s12;
	(pc) =	sbr.rel @p1 .LBB2_37-.Ltmp18, $4  }
0x3ca: {  	[tilespmem:s9+$0x11800] =	vst v12;
	v12 =	vsub.f32 v8, v5;
	v7 =	vld [tilespmem:s9+$0x12020]  }
0x3cb: {  	[tilespmem:s9+$0x12000] =	vst v11;
	v11 =	vsub.f32 v9, v3;
	v8 =	vld [tilespmem:s9+$0x12820]  }
0x3cc: {  	[tilespmem:s9+$0x12800] =	vst v12;
	v12 =	vsub.f32 v10, v4;
	v9 =	vld [tilespmem:s9+$0x11830]  }
0x3cd: {  	s10 =	sadd.s32 $0x100, s10;
	[tilespmem:s9+$0x11810] =	vst v11;
	v11 =	vsub.f32 v13, v5;
	v10 =	vld [tilespmem:s9+$0x12030]  }
0x3ce: {  	[tilespmem:s9+$0x12010] =	vst v12;
	v6 =	vsub.f32 v6, v3;
	v63 =	vld [tilespmem:s9+$0x12830]  }
0x3cf: {  	[tilespmem:s9+$0x12810] =	vst v11;
	v7 =	vsub.f32 v7, v4  }
0x3d0: {  	[tilespmem:s9+$0x11820] =	vst v6;
	v6 =	vsub.f32 v8, v5  }
0x3d1: {  	[tilespmem:s9+$0x12020] =	vst v7;
	v7 =	vsub.f32 v9, v3  }
0x3d2: {  	s8 =	sshll.u32 s8, $0xE;
	[tilespmem:s9+$0x12820] =	vst v6;
	v6 =	vsub.f32 v10, v4  }
0x3d3: {  	s8 =	sadd.s32 s20, s8;
	[tilespmem:s9+$0x11830] =	vst v7;
	v7 =	vsub.f32 v63, v5  }
0x3d4: {  	s7 =	sadd.s32 $0x1, s7;
	s8 =	sshrl.u32 s8, $0x3;
	[tilespmem:s9+$0x12030] =	vst v6  }
0x3d5: {  	s10 =	simm.s32 $0x11800;
	p1 =	sne.s32 s7, $0x8;
	s12 =	sadd.s32 s14, s8;
	[tilespmem:s9+$0x12830] =	vst v7  }
0x3d6: {  	[hbm4b:s12+s3] =	stream.strided.scatter [tilespmem:s10], [sflag:$0x3], $0x800, s5, s3, $0x38;
	[tilespmem:$0x1E100] =	vst v63  }
.Ltmp19:
0x3d7: {  	_ = 	snop;
	(pc) =	sbr.rel @p1 .LBB2_28-.Ltmp19, $4  }
0x3d8: {  	s10 =	sadd.s32 s16, s8;
	s12 =	simm.s32 $0x12000  }
0x3d9: {  	[hbm4b:s10+s3] =	stream.strided.scatter [tilespmem:s12], [sflag:$0x3], $0x800, s5, s3, $0x38;
	[tilespmem:$0x1E100] =	vst v63  }
0x3da: {  	s8 =	sadd.s32 s19, s8;
	s12 =	simm.s32 $0x12800  }
0x3db: {  	[hbm4b:s8+s3] =	stream.strided.scatter [tilespmem:s12], [sflag:$0x3], $0x800, s5, s3, $0x38;
	[tilespmem:$0x1E100] =	vst v63  }
0x3dc: {  	_ =	swait.ge [sflag:s23], $0x800  }
0x3dd: {  	[sflag:s23] =	ssyncset.done $0x0  }
0x3de: {  	[sflag:s23] =	ssyncadd.s32 $0xFFFFF800  }
0x3df: {  	_ =	swait.ge [sflag:s23], $0x800  }
0x3e0: {  	[sflag:s23] =	ssyncset.done $0x0  }
0x3e1: {  	[sflag:s23] =	ssyncadd.s32 $0xFFFFF800  }
0x3e2: {  	_ =	swait.ge [sflag:s23], $0x800  }
0x3e3: {  	[sflag:s23] =	ssyncset.done $0x0  }
0x3e4: {  	[sflag:s23] =	ssyncadd.s32 $0xFFFFF800  }
0x3e5: {  	_ =	swait.ge [sflag:s26], $0x800  }
0x3e6: {  	[sflag:s26] =	ssyncset.done $0x0  }
0x3e7: {  	[sflag:s26] =	ssyncadd.s32 $0xFFFFF800  }
0x3e8: {  	_ =	swait.ge [sflag:s26], $0x800  }
0x3e9: {  	[sflag:s26] =	ssyncset.done $0x0  }
0x3ea: {  	[sflag:s26] =	ssyncadd.s32 $0xFFFFF800  }
0x3eb: {  	_ =	swait.ge [sflag:s26], $0x800  }
0x3ec: {  	[sflag:s26] =	ssyncset.done $0x0  }
0x3ed: {  	s8 =	simm.s32 $0x1;
	[sflag:s26] =	ssyncadd.s32 $0xFFFFF800  }
0x3ee: {  	_ =	swait.ge [sflag:s8], $0x1000  }
0x3ef: {  	s9 =	rddreg [dreg:$0x1d]  }
0x3f0: {  	s7 =	rddreg [dreg:$0x19];
	s9 =	sadd.s32 $0x1, s9  }
0x3f1: {  	p1 =	sne.s32 s9, s7  }
.Ltmp20:
0x3f2: {  	_ = 	snop;
	(pc) =	sbr.rel @p1 .LBB2_1-.Ltmp20, $3  }
0x3f3: {  	_ =	sdelay $0x1  }
0x3f4: {  	[sflag:s8] =	ssyncset.done $0x0  }
0x3f5: {  	s14 =	rddreg [dreg:$0x1a];
	[sflag:s8] =	ssyncadd.s32 $0xFFFFF000  }
0x3f6: {  	_ =	sfence.sel $0x180000  }
0x3f7: {  	[bflag:$0x0] =	sbarrier.arrive $0xFFFF  }
0x3f8: {  	_ =	strace $0x90000047  }
0x3f9: {  	s0 =	stileid.u32;
	[bflag:$0x2] =	sbarrier.arrive $0xFFFF  }
0x3fa: {  	p0 =	sne.s32 s0, $0x0;
	s0 =	rddreg [dreg:$0xd]  }
0x3fb: {  	s0 =	sadd.s32 @!p0 $0x100000, s0  }
0x3fc: {  	[sflag:s0] =	ssyncadd.tile.s32 @!p0 $0x1;
	_ =	shalt  }
.Lfunc_end2:
_tile_overlayer_lowered:
.L_overlay_start_2:
0x3fd: {  	(tag) =	ssettag $0x2  }
0x3fe: {  	s0 =	rddreg [dreg:$0x0];
	s2 =	stileid.u32  }
0x3ff: {  	s1 =	rddreg [dreg:$0x1];
	p0 =	sne.s32 s2, $0x0  }
0x400: {  	s3 =	rddreg [dreg:$0x2];
	[bflag:$0x3] =	sbarrier.arrive $0xFFFF;
	s2 =	simm.s32 @!p0 $0x1C06  }
0x401: {  	[timem:s3], [sflag:s2] =	dma.local @!p0 [hbm:s0], s1  }
0x402: {  	s0 =	simm.s32 @!p0 $0x6  }
0x403: {  	_ =	swait.ge @!p0 [sflag:s0], s1  }
0x404: {  	s1 =	ssub.s32 @!p0 $0x0, s1;
	[sflag:s0] =	ssyncset.done @!p0 $0x0  }
0x405: {  	[sflag:s0] =	ssyncadd.s32 @!p0 s1  }
0x406: {  	[bflag:$0x3] =	sbarrier.arrive $0xFFFF  }
0x407: {  	_ =	shalt  }

</sc_bundles>
